<compile_context>
chip_gen: v7x
topology: tpu7x:2x2x1
jax: 0.10.2.dev20260603
libtpu: 0.0.44.dev20260713+nightly
codegen_flags: <defaults>
</compile_context>

<pallas_src>
import functools

import jax
import jax.numpy as jnp
from jax import lax
from jax.experimental import pallas as pl
from jax.experimental.pallas import tpu as pltpu
from jax.experimental.pallas import tpu_sc as plsc

NC = 2
NS = 16
K = 128


def _row_partition(N):
    per = (N // NS) // 8 * 8
    rem = N - per * NS
    return per, rem


def _make_hist(N, E):
    per_tile = E // (NC * NS)
    n_full = per_tile // K
    tail = per_tile - n_full * K
    rpt, rrem = _row_partition(N)
    WIN = 16
    mesh = plsc.VectorSubcoreMesh(core_axis_name="c", subcore_axis_name="s")

    scratch = [
        pltpu.VMEM((per_tile,), jnp.int32),
        pltpu.VMEM((K, 128), jnp.float32),
        pltpu.VMEM_SHARED((N, 128), jnp.float32),
        pltpu.SemaphoreType.DMA,
        pltpu.SemaphoreType.DMA,
    ]

    @functools.partial(
        pl.kernel, mesh=mesh,
        out_type=[jax.ShapeDtypeStruct((N, 128), jnp.float32),
                  jax.ShapeDtypeStruct((N, 128), jnp.float32)],
        scratch_types=scratch,
    )
    def hist(col_hbm, zeros_hbm, ones_hbm, c0_hbm, c1_hbm,
             cidx, ones, acc, sem, isem):
        c = lax.axis_index("c")
        s = lax.axis_index("s")
        tsl = pl.ds(s * rpt, rpt)
        rsl = pl.ds(N - rrem, rrem)
        base0 = (c * NS + s) * per_tile
        ld = pltpu.async_copy(col_hbm.at[pl.ds(base0, per_tile)], cidx, isem)
        pltpu.sync_copy(zeros_hbm.at[tsl], acc.at[tsl])
        if rrem:
            @pl.when(s == NS - 1)
            def _():
                pltpu.sync_copy(zeros_hbm.at[rsl], acc.at[rsl])
        pltpu.sync_copy(ones_hbm, ones)
        ld.wait()
        plsc.subcore_barrier()

        def drain_one():
            pltpu.make_async_copy(
                ones, acc.at[cidx.at[pl.ds(0, K)]], sem).wait()

        def body(j, carry):
            pltpu.async_copy(
                ones, acc.at[cidx.at[pl.ds(j * K, K)]], sem, add=True)

            @pl.when(j >= WIN)
            def _():
                drain_one()
            return carry
        lax.fori_loop(0, n_full, body, 0)

        def drain(j, carry):
            drain_one()
            return carry
        lax.fori_loop(0, min(WIN, n_full), drain, 0)
        if tail:
            pltpu.async_copy(
                ones.at[pl.ds(0, tail)],
                acc.at[cidx.at[pl.ds(n_full * K, tail)]], isem,
                add=True).wait()

        plsc.subcore_barrier()

        @pl.when(c == 0)
        def _():
            pltpu.sync_copy(acc.at[tsl], c0_hbm.at[tsl])
            if rrem:
                @pl.when(s == NS - 1)
                def _():
                    pltpu.sync_copy(acc.at[rsl], c0_hbm.at[rsl])

        @pl.when(c == 1)
        def _():
            pltpu.sync_copy(acc.at[tsl], c1_hbm.at[tsl])
            if rrem:
                @pl.when(s == NS - 1)
                def _():
                    pltpu.sync_copy(acc.at[rsl], c1_hbm.at[rsl])

    return hist


def _make_scatter(N, E, HALF):
    per_tile = E // NS
    n_full = per_tile // K
    tail = per_tile - n_full * K
    rpt, rrem = _row_partition(N)
    mesh = plsc.VectorSubcoreMesh(core_axis_name="c", subcore_axis_name="s")

    NBUF = 2
    KS = 128
    NPHASE = 2
    pc = (per_tile // NPHASE) // KS
    IC = pc * KS
    tail = per_tile - NPHASE * IC
    scratch = [
        pltpu.VMEM((IC,), jnp.int32),
        pltpu.VMEM((IC,), jnp.int32),
        [pltpu.VMEM((KS, HALF), jnp.float32) for _ in range(NBUF)],
        pltpu.VMEM_SHARED((N, HALF), jnp.float32),
        [pltpu.SemaphoreType.DMA for _ in range(NBUF)],
        pltpu.SemaphoreType.DMA,
    ]
    if tail:
        scratch.insert(2, pltpu.VMEM((tail,), jnp.int32))
        scratch.insert(3, pltpu.VMEM((tail,), jnp.int32))
        scratch.insert(4, pltpu.VMEM((tail, HALF), jnp.float32))

    @functools.partial(
        pl.kernel, mesh=mesh,
        out_type=[jax.ShapeDtypeStruct((N, HALF), jnp.float32),
                  jax.ShapeDtypeStruct((N, HALF), jnp.float32)],
        scratch_types=scratch,
    )
    def scatter(row_hbm, col_hbm, xs0_hbm, xs1_hbm, zeros_hbm,
                s0_hbm, s1_hbm, ridx, cidx, *rest):
        if tail:
            ridx_t, cidx_t, rows_t, rows, acc, gsem, isem = rest
        else:
            rows, acc, gsem, isem = rest
        c = lax.axis_index("c")
        s = lax.axis_index("s")
        tsl = pl.ds(s * rpt, rpt)
        rsl = pl.ds(N - rrem, rrem)
        base0 = s * per_tile
        ld_r = pltpu.async_copy(row_hbm.at[pl.ds(base0, IC)], ridx, isem)
        ld_c = pltpu.async_copy(col_hbm.at[pl.ds(base0, IC)], cidx, isem)
        pltpu.sync_copy(zeros_hbm.at[tsl], acc.at[tsl])
        if rrem:
            @pl.when(s == NS - 1)
            def _():
                pltpu.sync_copy(zeros_hbm.at[rsl], acc.at[rsl])
        ld_r.wait()
        ld_c.wait()
        plsc.subcore_barrier()

        n_groups = (pc + NBUF - 1) // NBUF

        def gwait(xs_hbm, b):
            pltpu.make_async_copy(
                xs_hbm.at[ridx.at[pl.ds(0, KS)]], rows[b], gsem[b]).wait()

        def do_edges(xs_hbm):
            for p in range(NPHASE):
                if p > 0:
                    pltpu.sync_copy(
                        row_hbm.at[pl.ds(base0 + p * IC, IC)], ridx)
                    pltpu.sync_copy(
                        col_hbm.at[pl.ds(base0 + p * IC, IC)], cidx)
                for b in range(min(NBUF, pc)):
                    pltpu.async_copy(
                        xs_hbm.at[ridx.at[pl.ds(b * KS, KS)]], rows[b],
                        gsem[b])

                def group(g, carry):
                    for b in range(NBUF):
                        j = g * NBUF + b

                        @pl.when(j < pc)
                        def _():
                            gwait(xs_hbm, b)
                            pltpu.sync_copy(
                                rows[b], acc.at[cidx.at[pl.ds(j * KS, KS)]],
                                add=True)
                            nxt = j + NBUF

                            @pl.when(nxt < pc)
                            def _():
                                pltpu.async_copy(
                                    xs_hbm.at[ridx.at[pl.ds(nxt * KS, KS)]],
                                    rows[b], gsem[b])
                    return carry
                lax.fori_loop(0, n_groups, group, 0)
            if tail:
                base = base0 + NPHASE * IC
                pltpu.sync_copy(row_hbm.at[pl.ds(base, tail)], ridx_t)
                pltpu.sync_copy(col_hbm.at[pl.ds(base, tail)], cidx_t)
                pltpu.async_copy(xs_hbm.at[ridx_t], rows_t, isem).wait()
                pltpu.sync_copy(rows_t, acc.at[cidx_t], add=True)

        @pl.when(c == 0)
        def _():
            do_edges(xs0_hbm)

        @pl.when(c == 1)
        def _():
            do_edges(xs1_hbm)

        plsc.subcore_barrier()

        @pl.when(c == 0)
        def _():
            pltpu.sync_copy(acc.at[tsl], s0_hbm.at[tsl])
            if rrem:
                @pl.when(s == NS - 1)
                def _():
                    pltpu.sync_copy(acc.at[rsl], s0_hbm.at[rsl])

        @pl.when(c == 1)
        def _():
            pltpu.sync_copy(acc.at[tsl], s1_hbm.at[tsl])
            if rrem:
                @pl.when(s == NS - 1)
                def _():
                    pltpu.sync_copy(acc.at[rsl], s1_hbm.at[rsl])

    return scatter


_DN = (((1,), (1,)), ((), ()))


def _dis_from_counts(c0, c1):
    deg = c0[:, 0:1] + c1[:, 0:1] + 1.0
    return lax.rsqrt(deg)


def _mm_body(x_ref, W_ref, xl_ref):
    xl_ref[...] = lax.dot_general(x_ref[...], W_ref[...], _DN,
                                  preferred_element_type=jnp.float32)


def _gate_body(x_ref, Wres_ref, bres_ref, g_ref):
    gl = lax.dot_general(x_ref[...], Wres_ref[...], _DN,
                         preferred_element_type=jnp.float32)
    g_ref[...] = jax.nn.sigmoid(gl + bres_ref[...])


def _tc1b_body(xl_ref, c0_ref, c1_ref, xs0_ref, xs1_ref):
    dis = _dis_from_counts(c0_ref[...], c1_ref[...])
    xs = xl_ref[...] * dis
    h = xs.shape[1] // 2
    xs0_ref[...] = xs[:, :h]
    xs1_ref[...] = xs[:, h:]


def _tc2a_body(x_ref, g_ref, S0_ref, S1_ref, xs0_ref, xs1_ref, b_ref,
               c0_ref, c1_ref, W_ref, h_ref, ys0_ref, ys1_ref):
    xb = x_ref[...]
    dis = _dis_from_counts(c0_ref[...], c1_ref[...])
    S = jnp.concatenate([S0_ref[...], S1_ref[...]], axis=1)
    xs = jnp.concatenate([xs0_ref[...], xs1_ref[...]], axis=1)
    out = dis * (S + xs) + b_ref[...]
    g = g_ref[...]
    h1 = jnp.maximum((1.0 - g) * xb + g * out, 0.0)
    h_ref[...] = h1
    xl2 = lax.dot_general(h1, W_ref[...], _DN,
                          preferred_element_type=jnp.float32)
    ys = xl2 * dis
    h = ys.shape[1] // 2
    ys0_ref[...] = ys[:, :h]
    ys1_ref[...] = ys[:, h:]


def _tc3_body(x_ref, g_ref, S0_ref, S1_ref, xs0_ref, xs1_ref, b_ref,
              c0_ref, c1_ref, out_ref):
    xb = x_ref[...]
    dis = _dis_from_counts(c0_ref[...], c1_ref[...])
    S = jnp.concatenate([S0_ref[...], S1_ref[...]], axis=1)
    xs = jnp.concatenate([xs0_ref[...], xs1_ref[...]], axis=1)
    out = dis * (S + xs) + b_ref[...]
    g = g_ref[...]
    out_ref[...] = jnp.maximum((1.0 - g) * xb + g * out, 0.0)


def kernel(x, edge_index, W1, b1, Wres1, bres1, W2, b2, Wres2, bres2):
    N, D = x.shape
    E = edge_index.shape[1]
    HALF = D // 2
    BN = 1000
    grid = (N // BN,)

    row = edge_index[0]
    col = edge_index[1]
    zeros_half = jnp.zeros((N, HALF), jnp.float32)
    zeros_cnt = zeros_half
    b1r = b1.reshape(1, D)
    b2r = b2.reshape(1, D)
    bres1r = bres1.reshape(1, D)
    bres2r = bres2.reshape(1, D)

    ones_cnt = jnp.ones((K, 128), jnp.float32)
    c0, c1 = _make_hist(N, E)(col, zeros_cnt, ones_cnt)

    row_spec = pl.BlockSpec((BN, D), lambda i: (i, 0))
    half_spec = pl.BlockSpec((BN, HALF), lambda i: (i, 0))
    cnt_spec = pl.BlockSpec((BN, 128), lambda i: (i, 0))
    w_spec = pl.BlockSpec((D, D), lambda i: (0, 0))
    b_spec = pl.BlockSpec((1, D), lambda i: (0, 0))

    mm = pl.pallas_call(
        _mm_body,
        grid=grid,
        in_specs=[row_spec, w_spec],
        out_specs=row_spec,
        out_shape=jax.ShapeDtypeStruct((N, D), jnp.float32),
    )
    gate = pl.pallas_call(
        _gate_body,
        grid=grid,
        in_specs=[row_spec, w_spec, b_spec],
        out_specs=row_spec,
        out_shape=jax.ShapeDtypeStruct((N, D), jnp.float32),
    )

    xl1 = mm(x, W1)
    g1 = gate(x, Wres1, bres1r)

    xs0, xs1 = pl.pallas_call(
        _tc1b_body,
        grid=grid,
        in_specs=[row_spec, cnt_spec, cnt_spec],
        out_specs=[half_spec, half_spec],
        out_shape=[jax.ShapeDtypeStruct((N, HALF), jnp.float32),
                   jax.ShapeDtypeStruct((N, HALF), jnp.float32)],
    )(xl1, c0, c1)

    scatter = _make_scatter(N, E, HALF)
    S0, S1 = scatter(row, col, xs0, xs1, zeros_half)

    h1, ys0, ys1 = pl.pallas_call(
        _tc2a_body,
        grid=grid,
        in_specs=[row_spec, row_spec, half_spec, half_spec, half_spec,
                  half_spec, b_spec, cnt_spec, cnt_spec, w_spec],
        out_specs=[row_spec, half_spec, half_spec],
        out_shape=[jax.ShapeDtypeStruct((N, D), jnp.float32),
                   jax.ShapeDtypeStruct((N, HALF), jnp.float32),
                   jax.ShapeDtypeStruct((N, HALF), jnp.float32)],
    )(x, g1, S0, S1, xs0, xs1, b1r, c0, c1, W2)

    g2 = gate(h1, Wres2, bres2r)
    T0, T1 = scatter(row, col, ys0, ys1, zeros_half)

    out = pl.pallas_call(
        _tc3_body,
        grid=grid,
        in_specs=[row_spec, row_spec, half_spec, half_spec, half_spec,
                  half_spec, b_spec, cnt_spec, cnt_spec],
        out_specs=row_spec,
        out_shape=jax.ShapeDtypeStruct((N, D), jnp.float32),
    )(h1, g2, T0, T1, ys0, ys1, b2r, c0, c1)

    return out

# --- scband reference (transcript-rebuilt; emitter-appended) ---
"""Pipeline reference for scband-mpnet-7988639171256 (READ-ONLY COPY).

The authoritative reference and input builder live on the scoring server;
editing this copy changes nothing except your own understanding.
"""

import jax, jax.numpy as jnp
import numpy as np

N = 10000
D = 256
E = 160000


def setup_inputs(seed: int = 0) -> dict:
    key = jax.random.key(seed)
    ks = jax.random.split(key, 12)
    x = jax.random.normal(ks[0], (N, D), dtype=jnp.float32)
    edge_index = jax.random.randint(ks[1], (2, E), 0, N, dtype=jnp.int32)
    s = 1.0 / np.sqrt(D)
    W1 = jax.random.uniform(ks[2], (D, D), dtype=jnp.float32, minval=-s, maxval=s)
    b1 = jnp.zeros((D,), dtype=jnp.float32)
    Wres1 = jax.random.uniform(ks[3], (D, D), dtype=jnp.float32, minval=-s, maxval=s)
    bres1 = jax.random.uniform(ks[4], (D,), dtype=jnp.float32, minval=-s, maxval=s)
    W2 = jax.random.uniform(ks[5], (D, D), dtype=jnp.float32, minval=-s, maxval=s)
    b2 = jnp.zeros((D,), dtype=jnp.float32)
    Wres2 = jax.random.uniform(ks[6], (D, D), dtype=jnp.float32, minval=-s, maxval=s)
    bres2 = jax.random.uniform(ks[7], (D,), dtype=jnp.float32, minval=-s, maxval=s)
    return {"x": x, "edge_index": edge_index, "W1": W1, "b1": b1, "Wres1": Wres1,
            "bres1": bres1, "W2": W2, "b2": b2, "Wres2": Wres2, "bres2": bres2}


def _mpconv(x, edge_index, W, b, Wres, bres):
    n = x.shape[0]
    loops = jnp.arange(n, dtype=edge_index.dtype)
    ei = jnp.concatenate([edge_index, jnp.stack([loops, loops], axis=0)], axis=1)
    row, col = ei[0], ei[1]
    h_in = x
    xl = x @ W.T
    # symmetric degree normalization (norm=True)
    deg = jnp.zeros((n,), dtype=x.dtype).at[col].add(jnp.ones_like(col, dtype=x.dtype))
    deg_inv_sqrt = jnp.where(deg > 0, deg ** -0.5, 0.0)
    norm = deg_inv_sqrt[row] * deg_inv_sqrt[col]
    # message: norm * x_j ; aggregate 'add' at target nodes (col)
    msg = norm[:, None] * xl[row]
    out = jax.ops.segment_sum(msg, col, num_segments=n)
    out = out + b
    # gated residual (residual=True)
    g = jax.nn.sigmoid(h_in @ Wres.T + bres)
    out = (1.0 - g) * h_in + g * out
    return out


def reference(x, edge_index, W1, b1, Wres1, bres1, W2, b2, Wres2, bres2):
    # layer 1 + relu (dropout p=0.0 / eval -> identity)
    x = jax.nn.relu(_mpconv(x, edge_index, W1, b1, Wres1, bres1))
    # layer 2 + relu
    x = jax.nn.relu(_mpconv(x, edge_index, W2, b2, Wres2, bres2))
    return x

if __name__ == "__main__":
    import jax
    _d = setup_inputs()
    print(jax.jit(kernel)(*tuple(_d.values())))

</pallas_src>

<mosaic_0001>
#map = affine_map<(d0, d1) -> (0)>
#map1 = affine_map<(d0, d1) -> (0, 0)>
module attributes {stable_mosaic.version = 14 : i64} {
  func.func @scatter(%arg0: i32, %arg1: i32, %arg2: memref<160000xi32, #tpu.memory_space<hbm>>, %arg3: memref<160000xi32, #tpu.memory_space<hbm>>, %arg4: memref<10000x128xf32, #tpu.memory_space<hbm>>, %arg5: memref<10000x128xf32, #tpu.memory_space<hbm>>, %arg6: memref<10000x128xf32, #tpu.memory_space<hbm>>, %arg7: memref<10000x128xf32, #tpu.memory_space<hbm>>, %arg8: memref<10000x128xf32, #tpu.memory_space<hbm>>, %arg9: memref<4992xi32, #tpu.memory_space<vmem>>, %arg10: memref<4992xi32, #tpu.memory_space<vmem>>, %arg11: memref<16xi32, #tpu.memory_space<vmem>>, %arg12: memref<16xi32, #tpu.memory_space<vmem>>, %arg13: memref<16x128xf32, #tpu.memory_space<vmem>>, %arg14: memref<128x128xf32, #tpu.memory_space<vmem>>, %arg15: memref<128x128xf32, #tpu.memory_space<vmem>>, %arg16: memref<10000x128xf32, #tpu.memory_space<vmem_shared>>, %arg17: memref<!tpu.dma_semaphore, #tpu.memory_space<semaphore_mem>>, %arg18: memref<!tpu.dma_semaphore, #tpu.memory_space<semaphore_mem>>, %arg19: memref<!tpu.dma_semaphore, #tpu.memory_space<semaphore_mem>>) attributes {dimension_semantics = [#tpu.dimension_semantics<core_parallel>, #tpu.dimension_semantics<subcore_parallel>], iteration_bounds = array<i64: 2, 16>, scalar_prefetch = 0 : i64, scratch_operands = 11 : i64, tpu.core_type = #tpu.core_type<sc_vector_subcore>, window_params = [{transform_indices = #map}, {transform_indices = #map}, {transform_indices = #map1}, {transform_indices = #map1}, {transform_indices = #map1}, {transform_indices = #map1}, {transform_indices = #map1}]} {
    %mul3A = arith.constant 624 : i32
    %mul3A_0 = arith.muli %arg1, %mul3A : i32
    %mul3A_1 = arith.constant 10000 : i32
    %mul3A_2 = arith.muli %arg1, %mul3A_1 : i32
    %dma_start3A = tpu.memref_slice %arg2[%mul3A_2] : memref<160000xi32, #tpu.memory_space<hbm>> -> memref<4992xi32, #tpu.memory_space<hbm>>
    %dma_start3A_3 = tpu.memref_slice %arg2[%mul3A_2] : memref<160000xi32, #tpu.memory_space<hbm>> -> memref<4992xi32, #tpu.memory_space<hbm>>
    tpu.enqueue_dma source(%dma_start3A_3 : memref<4992xi32, #tpu.memory_space<hbm>>) target(%arg9 : memref<4992xi32, #tpu.memory_space<vmem>>) target_semaphore(%arg19 : memref<!tpu.dma_semaphore, #tpu.memory_space<semaphore_mem>>)
    %dma_start3A_4 = tpu.memref_slice %arg3[%mul3A_2] : memref<160000xi32, #tpu.memory_space<hbm>> -> memref<4992xi32, #tpu.memory_space<hbm>>
    %dma_start3A_5 = tpu.memref_slice %arg3[%mul3A_2] : memref<160000xi32, #tpu.memory_space<hbm>> -> memref<4992xi32, #tpu.memory_space<hbm>>
    tpu.enqueue_dma source(%dma_start3A_5 : memref<4992xi32, #tpu.memory_space<hbm>>) target(%arg10 : memref<4992xi32, #tpu.memory_space<vmem>>) target_semaphore(%arg19 : memref<!tpu.dma_semaphore, #tpu.memory_space<semaphore_mem>>)
    "tpu.region"() ({
      %run_scoped3A = tpu.sem_alloc : memref<!tpu.dma_semaphore, #tpu.memory_space<semaphore_mem>>
      %dma_start3A_32 = arith.constant 0 : i32
      %dma_start3A_33 = tpu.memref_slice %arg16[%mul3A_0, %dma_start3A_32] : memref<10000x128xf32, #tpu.memory_space<vmem_shared>> -> memref<624x128xf32, #tpu.memory_space<vmem_shared>>
      %dma_start3A_34 = arith.constant 0 : i32
      %dma_start3A_35 = tpu.memref_slice %arg6[%mul3A_0, %dma_start3A_34] : memref<10000x128xf32, #tpu.memory_space<hbm>> -> memref<624x128xf32, #tpu.memory_space<hbm>>
      tpu.enqueue_dma source(%dma_start3A_35 : memref<624x128xf32, #tpu.memory_space<hbm>>) target(%dma_start3A_33 : memref<624x128xf32, #tpu.memory_space<vmem_shared>>) target_semaphore(%run_scoped3A : memref<!tpu.dma_semaphore, #tpu.memory_space<semaphore_mem>>)
      %dma_wait3A_36 = arith.constant 0 : i32
      %dma_wait3A_37 = tpu.memref_slice %arg16[%mul3A_0, %dma_wait3A_36] : memref<10000x128xf32, #tpu.memory_space<vmem_shared>> -> memref<624x128xf32, #tpu.memory_space<vmem_shared>>
      %dma_wait3A_38 = arith.constant 0 : i32
      %dma_wait3A_39 = tpu.memref_slice %arg6[%mul3A_0, %dma_wait3A_38] : memref<10000x128xf32, #tpu.memory_space<hbm>> -> memref<624x128xf32, #tpu.memory_space<hbm>>
      tpu.wait_dma2 semaphore(%run_scoped3A : memref<!tpu.dma_semaphore, #tpu.memory_space<semaphore_mem>>) src(%dma_wait3A_39 : memref<624x128xf32, #tpu.memory_space<hbm>>) dst(%dma_wait3A_37 : memref<624x128xf32, #tpu.memory_space<vmem_shared>>)
      tpu.yield
    }) : () -> ()
    %eq3A = arith.constant 15 : i32
    %eq3A_6 = arith.cmpi eq, %arg1, %eq3A : i32
    %convert_element_type3A = arith.extui %eq3A_6 : i1 to i32
    %cond3A = arith.constant 0 : i32
    %cond3A_7 = arith.cmpi ne, %convert_element_type3A, %cond3A : i32
    scf.if %cond3A_7 {
      "tpu.region"() ({
        %run_scoped3A = tpu.sem_alloc : memref<!tpu.dma_semaphore, #tpu.memory_space<semaphore_mem>>
        %dma_start3A_32 = arith.constant 9984 : i32
        %dma_start3A_33 = arith.constant 0 : i32
        %dma_start3A_34 = tpu.memref_slice %arg16[%dma_start3A_32, %dma_start3A_33] : memref<10000x128xf32, #tpu.memory_space<vmem_shared>> -> memref<16x128xf32, #tpu.memory_space<vmem_shared>>
        %dma_start3A_35 = arith.constant 9984 : i32
        %dma_start3A_36 = arith.constant 0 : i32
        %dma_start3A_37 = tpu.memref_slice %arg6[%dma_start3A_35, %dma_start3A_36] : memref<10000x128xf32, #tpu.memory_space<hbm>> -> memref<16x128xf32, #tpu.memory_space<hbm>>
        tpu.enqueue_dma source(%dma_start3A_37 : memref<16x128xf32, #tpu.memory_space<hbm>>) target(%dma_start3A_34 : memref<16x128xf32, #tpu.memory_space<vmem_shared>>) target_semaphore(%run_scoped3A : memref<!tpu.dma_semaphore, #tpu.memory_space<semaphore_mem>>)
        %dma_wait3A_38 = arith.constant 9984 : i32
        %dma_wait3A_39 = arith.constant 0 : i32
        %dma_wait3A_40 = tpu.memref_slice %arg16[%dma_wait3A_38, %dma_wait3A_39] : memref<10000x128xf32, #tpu.memory_space<vmem_shared>> -> memref<16x128xf32, #tpu.memory_space<vmem_shared>>
        %dma_wait3A_41 = arith.constant 9984 : i32
        %dma_wait3A_42 = arith.constant 0 : i32
        %dma_wait3A_43 = tpu.memref_slice %arg6[%dma_wait3A_41, %dma_wait3A_42] : memref<10000x128xf32, #tpu.memory_space<hbm>> -> memref<16x128xf32, #tpu.memory_space<hbm>>
        tpu.wait_dma2 semaphore(%run_scoped3A : memref<!tpu.dma_semaphore, #tpu.memory_space<semaphore_mem>>) src(%dma_wait3A_43 : memref<16x128xf32, #tpu.memory_space<hbm>>) dst(%dma_wait3A_40 : memref<16x128xf32, #tpu.memory_space<vmem_shared>>)
        tpu.yield
      }) : () -> ()
    } else {
    }
    %dma_wait3A = tpu.memref_slice %arg2[%mul3A_2] : memref<160000xi32, #tpu.memory_space<hbm>> -> memref<4992xi32, #tpu.memory_space<hbm>>
    %dma_wait3A_8 = tpu.memref_slice %arg2[%mul3A_2] : memref<160000xi32, #tpu.memory_space<hbm>> -> memref<4992xi32, #tpu.memory_space<hbm>>
    tpu.wait_dma2 semaphore(%arg19 : memref<!tpu.dma_semaphore, #tpu.memory_space<semaphore_mem>>) src(%dma_wait3A_8 : memref<4992xi32, #tpu.memory_space<hbm>>) dst(%arg9 : memref<4992xi32, #tpu.memory_space<vmem>>)
    %dma_wait3A_9 = tpu.memref_slice %arg3[%mul3A_2] : memref<160000xi32, #tpu.memory_space<hbm>> -> memref<4992xi32, #tpu.memory_space<hbm>>
    %dma_wait3A_10 = tpu.memref_slice %arg3[%mul3A_2] : memref<160000xi32, #tpu.memory_space<hbm>> -> memref<4992xi32, #tpu.memory_space<hbm>>
    tpu.wait_dma2 semaphore(%arg19 : memref<!tpu.dma_semaphore, #tpu.memory_space<semaphore_mem>>) src(%dma_wait3A_10 : memref<4992xi32, #tpu.memory_space<hbm>>) dst(%arg10 : memref<4992xi32, #tpu.memory_space<vmem>>)
    %barrier3A = arith.constant 0 : index
    tpu.barrier barrier_id(%barrier3A)
    %eq3A_11 = arith.constant 0 : i32
    %eq3A_12 = arith.cmpi eq, %arg0, %eq3A_11 : i32
    %convert_element_type3A_13 = arith.extui %eq3A_12 : i1 to i32
    %cond3A_14 = arith.constant 0 : i32
    %cond3A_15 = arith.cmpi ne, %convert_element_type3A_13, %cond3A_14 : i32
    scf.if %cond3A_15 {
      %dma_start3A_32 = arith.constant 0 : i32
      %dma_start3A_33 = tpu.memref_slice %arg9[%dma_start3A_32] : memref<4992xi32, #tpu.memory_space<vmem>> -> memref<128xi32, #tpu.memory_space<vmem>>
      %dma_start3A_34 = arith.constant 0 : i32
      %dma_start3A_35 = arith.constant 0 : i32
      %dma_start3A_36 = tpu.memref_slice %arg4[%dma_start3A_34, %dma_start3A_35] : memref<10000x128xf32, #tpu.memory_space<hbm>> -> memref<10000x128xf32, #tpu.memory_space<hbm>>
      tpu.enqueue_indirect_dma source(%dma_start3A_36 : memref<10000x128xf32, #tpu.memory_space<hbm>>) target(%arg14 : memref<128x128xf32, #tpu.memory_space<vmem>>) offsets(%dma_start3A_33 : memref<128xi32, #tpu.memory_space<vmem>>) semaphore(%arg17 : memref<!tpu.dma_semaphore, #tpu.memory_space<semaphore_mem>>)
      %dma_start3A_37 = arith.constant 128 : i32
      %dma_start3A_38 = tpu.memref_slice %arg9[%dma_start3A_37] : memref<4992xi32, #tpu.memory_space<vmem>> -> memref<128xi32, #tpu.memory_space<vmem>>
      %dma_start3A_39 = arith.constant 0 : i32
      %dma_start3A_40 = arith.constant 0 : i32
      %dma_start3A_41 = tpu.memref_slice %arg4[%dma_start3A_39, %dma_start3A_40] : memref<10000x128xf32, #tpu.memory_space<hbm>> -> memref<10000x128xf32, #tpu.memory_space<hbm>>
      tpu.enqueue_indirect_dma source(%dma_start3A_41 : memref<10000x128xf32, #tpu.memory_space<hbm>>) target(%arg15 : memref<128x128xf32, #tpu.memory_space<vmem>>) offsets(%dma_start3A_38 : memref<128xi32, #tpu.memory_space<vmem>>) semaphore(%arg18 : memref<!tpu.dma_semaphore, #tpu.memory_space<semaphore_mem>>)
      %scan3A = arith.constant 0 : i32
      %scan3A_42 = arith.constant 0 : i32
      %scan3A_43 = arith.constant 20 : i32
      %scan3A_44 = arith.addi %scan3A_42, %scan3A_43 : i32
      %scan3A_45 = arith.constant 1 : i32
      scf.for %scan3A_74 = %scan3A_42 to %scan3A_44 step %scan3A_45  : i32 {
        %mul3A_75 = arith.constant 2 : i32
        %mul3A_76 = arith.muli %scan3A_74, %mul3A_75 : i32
        %add3A_77 = arith.constant 0 : i32
        %add3A_78 = arith.addi %mul3A_76, %add3A_77 : i32
        %lt3A = arith.constant 39 : i32
        %lt3A_79 = arith.cmpi slt, %add3A_78, %lt3A : i32
        %convert_element_type3A_80 = arith.extui %lt3A_79 : i1 to i32
        %cond3A_81 = arith.constant 0 : i32
        %cond3A_82 = arith.cmpi ne, %convert_element_type3A_80, %cond3A_81 : i32
        scf.if %cond3A_82 {
          %dma_wait3A_92 = arith.constant 0 : i32
          %dma_wait3A_93 = tpu.memref_slice %arg9[%dma_wait3A_92] : memref<4992xi32, #tpu.memory_space<vmem>> -> memref<128xi32, #tpu.memory_space<vmem>>
          %dma_wait3A_94 = arith.constant 0 : i32
          %dma_wait3A_95 = arith.constant 0 : i32
          %dma_wait3A_96 = tpu.memref_slice %arg4[%dma_wait3A_94, %dma_wait3A_95] : memref<10000x128xf32, #tpu.memory_space<hbm>> -> memref<10000x128xf32, #tpu.memory_space<hbm>>
          tpu.wait_indirect_dma semaphore(%arg17 : memref<!tpu.dma_semaphore, #tpu.memory_space<semaphore_mem>>) src(%dma_wait3A_96 : memref<10000x128xf32, #tpu.memory_space<hbm>>) dst(%arg14 : memref<128x128xf32, #tpu.memory_space<vmem>>)
          %mul3A_97 = arith.constant 128 : i32
          %mul3A_98 = arith.muli %add3A_78, %mul3A_97 : i32
          "tpu.region"() ({
            %run_scoped3A = tpu.sem_alloc : memref<!tpu.dma_semaphore, #tpu.memory_space<semaphore_mem>>
            %dma_start3A_106 = tpu.memref_slice %arg10[%mul3A_98] : memref<4992xi32, #tpu.memory_space<vmem>> -> memref<128xi32, #tpu.memory_space<vmem>>
            %dma_start3A_107 = arith.constant 0 : i32
            %dma_start3A_108 = arith.constant 0 : i32
            %dma_start3A_109 = tpu.memref_slice %arg16[%dma_start3A_107, %dma_start3A_108] : memref<10000x128xf32, #tpu.memory_space<vmem_shared>> -> memref<10000x128xf32, #tpu.memory_space<vmem_shared>>
            tpu.enqueue_indirect_dma source(%arg14 : memref<128x128xf32, #tpu.memory_space<vmem>>) target(%dma_start3A_109 : memref<10000x128xf32, #tpu.memory_space<vmem_shared>>) offsets(%dma_start3A_106 : memref<128xi32, #tpu.memory_space<vmem>>) semaphore(%run_scoped3A : memref<!tpu.dma_semaphore, #tpu.memory_space<semaphore_mem>>) {add = true}
            %dma_wait3A_110 = tpu.memref_slice %arg10[%mul3A_98] : memref<4992xi32, #tpu.memory_space<vmem>> -> memref<128xi32, #tpu.memory_space<vmem>>
            %dma_wait3A_111 = arith.constant 0 : i32
            %dma_wait3A_112 = arith.constant 0 : i32
            %dma_wait3A_113 = tpu.memref_slice %arg16[%dma_wait3A_111, %dma_wait3A_112] : memref<10000x128xf32, #tpu.memory_space<vmem_shared>> -> memref<10000x128xf32, #tpu.memory_space<vmem_shared>>
            tpu.wait_indirect_dma semaphore(%run_scoped3A : memref<!tpu.dma_semaphore, #tpu.memory_space<semaphore_mem>>) src(%arg14 : memref<128x128xf32, #tpu.memory_space<vmem>>) dst(%dma_wait3A_113 : memref<10000x128xf32, #tpu.memory_space<vmem_shared>>)
            tpu.yield
          }) : () -> ()
          %add3A_99 = arith.constant 2 : i32
          %add3A_100 = arith.addi %add3A_78, %add3A_99 : i32
          %lt3A_101 = arith.constant 39 : i32
          %lt3A_102 = arith.cmpi slt, %add3A_100, %lt3A_101 : i32
          %convert_element_type3A_103 = arith.extui %lt3A_102 : i1 to i32
          %cond3A_104 = arith.constant 0 : i32
          %cond3A_105 = arith.cmpi ne, %convert_element_type3A_103, %cond3A_104 : i32
          scf.if %cond3A_105 {
            %mul3A_106 = arith.constant 128 : i32
            %mul3A_107 = arith.muli %add3A_100, %mul3A_106 : i32
            %dma_start3A_108 = tpu.memref_slice %arg9[%mul3A_107] : memref<4992xi32, #tpu.memory_space<vmem>> -> memref<128xi32, #tpu.memory_space<vmem>>
            %dma_start3A_109 = arith.constant 0 : i32
            %dma_start3A_110 = arith.constant 0 : i32
            %dma_start3A_111 = tpu.memref_slice %arg4[%dma_start3A_109, %dma_start3A_110] : memref<10000x128xf32, #tpu.memory_space<hbm>> -> memref<10000x128xf32, #tpu.memory_space<hbm>>
            tpu.enqueue_indirect_dma source(%dma_start3A_111 : memref<10000x128xf32, #tpu.memory_space<hbm>>) target(%arg14 : memref<128x128xf32, #tpu.memory_space<vmem>>) offsets(%dma_start3A_108 : memref<128xi32, #tpu.memory_space<vmem>>) semaphore(%arg17 : memref<!tpu.dma_semaphore, #tpu.memory_space<semaphore_mem>>)
          } else {
          }
        } else {
        }
        %mul3A_83 = arith.constant 2 : i32
        %mul3A_84 = arith.muli %scan3A_74, %mul3A_83 : i32
        %add3A_85 = arith.constant 1 : i32
        %add3A_86 = arith.addi %mul3A_84, %add3A_85 : i32
        %lt3A_87 = arith.constant 39 : i32
        %lt3A_88 = arith.cmpi slt, %add3A_86, %lt3A_87 : i32
        %convert_element_type3A_89 = arith.extui %lt3A_88 : i1 to i32
        %cond3A_90 = arith.constant 0 : i32
        %cond3A_91 = arith.cmpi ne, %convert_element_type3A_89, %cond3A_90 : i32
        scf.if %cond3A_91 {
          %dma_wait3A_92 = arith.constant 0 : i32
          %dma_wait3A_93 = tpu.memref_slice %arg9[%dma_wait3A_92] : memref<4992xi32, #tpu.memory_space<vmem>> -> memref<128xi32, #tpu.memory_space<vmem>>
          %dma_wait3A_94 = arith.constant 0 : i32
          %dma_wait3A_95 = arith.constant 0 : i32
          %dma_wait3A_96 = tpu.memref_slice %arg4[%dma_wait3A_94, %dma_wait3A_95] : memref<10000x128xf32, #tpu.memory_space<hbm>> -> memref<10000x128xf32, #tpu.memory_space<hbm>>
          tpu.wait_indirect_dma semaphore(%arg18 : memref<!tpu.dma_semaphore, #tpu.memory_space<semaphore_mem>>) src(%dma_wait3A_96 : memref<10000x128xf32, #tpu.memory_space<hbm>>) dst(%arg15 : memref<128x128xf32, #tpu.memory_space<vmem>>)
          %mul3A_97 = arith.constant 128 : i32
          %mul3A_98 = arith.muli %add3A_86, %mul3A_97 : i32
          "tpu.region"() ({
            %run_scoped3A = tpu.sem_alloc : memref<!tpu.dma_semaphore, #tpu.memory_space<semaphore_mem>>
            %dma_start3A_106 = tpu.memref_slice %arg10[%mul3A_98] : memref<4992xi32, #tpu.memory_space<vmem>> -> memref<128xi32, #tpu.memory_space<vmem>>
            %dma_start3A_107 = arith.constant 0 : i32
            %dma_start3A_108 = arith.constant 0 : i32
            %dma_start3A_109 = tpu.memref_slice %arg16[%dma_start3A_107, %dma_start3A_108] : memref<10000x128xf32, #tpu.memory_space<vmem_shared>> -> memref<10000x128xf32, #tpu.memory_space<vmem_shared>>
            tpu.enqueue_indirect_dma source(%arg15 : memref<128x128xf32, #tpu.memory_space<vmem>>) target(%dma_start3A_109 : memref<10000x128xf32, #tpu.memory_space<vmem_shared>>) offsets(%dma_start3A_106 : memref<128xi32, #tpu.memory_space<vmem>>) semaphore(%run_scoped3A : memref<!tpu.dma_semaphore, #tpu.memory_space<semaphore_mem>>) {add = true}
            %dma_wait3A_110 = tpu.memref_slice %arg10[%mul3A_98] : memref<4992xi32, #tpu.memory_space<vmem>> -> memref<128xi32, #tpu.memory_space<vmem>>
            %dma_wait3A_111 = arith.constant 0 : i32
            %dma_wait3A_112 = arith.constant 0 : i32
            %dma_wait3A_113 = tpu.memref_slice %arg16[%dma_wait3A_111, %dma_wait3A_112] : memref<10000x128xf32, #tpu.memory_space<vmem_shared>> -> memref<10000x128xf32, #tpu.memory_space<vmem_shared>>
            tpu.wait_indirect_dma semaphore(%run_scoped3A : memref<!tpu.dma_semaphore, #tpu.memory_space<semaphore_mem>>) src(%arg15 : memref<128x128xf32, #tpu.memory_space<vmem>>) dst(%dma_wait3A_113 : memref<10000x128xf32, #tpu.memory_space<vmem_shared>>)
            tpu.yield
          }) : () -> ()
          %add3A_99 = arith.constant 2 : i32
          %add3A_100 = arith.addi %add3A_86, %add3A_99 : i32
          %lt3A_101 = arith.constant 39 : i32
          %lt3A_102 = arith.cmpi slt, %add3A_100, %lt3A_101 : i32
          %convert_element_type3A_103 = arith.extui %lt3A_102 : i1 to i32
          %cond3A_104 = arith.constant 0 : i32
          %cond3A_105 = arith.cmpi ne, %convert_element_type3A_103, %cond3A_104 : i32
          scf.if %cond3A_105 {
            %mul3A_106 = arith.constant 128 : i32
            %mul3A_107 = arith.muli %add3A_100, %mul3A_106 : i32
            %dma_start3A_108 = tpu.memref_slice %arg9[%mul3A_107] : memref<4992xi32, #tpu.memory_space<vmem>> -> memref<128xi32, #tpu.memory_space<vmem>>
            %dma_start3A_109 = arith.constant 0 : i32
            %dma_start3A_110 = arith.constant 0 : i32
            %dma_start3A_111 = tpu.memref_slice %arg4[%dma_start3A_109, %dma_start3A_110] : memref<10000x128xf32, #tpu.memory_space<hbm>> -> memref<10000x128xf32, #tpu.memory_space<hbm>>
            tpu.enqueue_indirect_dma source(%dma_start3A_111 : memref<10000x128xf32, #tpu.memory_space<hbm>>) target(%arg15 : memref<128x128xf32, #tpu.memory_space<vmem>>) offsets(%dma_start3A_108 : memref<128xi32, #tpu.memory_space<vmem>>) semaphore(%arg18 : memref<!tpu.dma_semaphore, #tpu.memory_space<semaphore_mem>>)
          } else {
          }
        } else {
        }
      }
      %scan3A_46 = arith.constant 20 : i32
      %add3A = arith.constant 4992 : i32
      %add3A_47 = arith.addi %mul3A_2, %add3A : i32
      "tpu.region"() ({
        %run_scoped3A = tpu.sem_alloc : memref<!tpu.dma_semaphore, #tpu.memory_space<semaphore_mem>>
        %dma_start3A_74 = tpu.memref_slice %arg2[%add3A_47] : memref<160000xi32, #tpu.memory_space<hbm>> -> memref<4992xi32, #tpu.memory_space<hbm>>
        %dma_start3A_75 = tpu.memref_slice %arg2[%add3A_47] : memref<160000xi32, #tpu.memory_space<hbm>> -> memref<4992xi32, #tpu.memory_space<hbm>>
        tpu.enqueue_dma source(%dma_start3A_75 : memref<4992xi32, #tpu.memory_space<hbm>>) target(%arg9 : memref<4992xi32, #tpu.memory_space<vmem>>) target_semaphore(%run_scoped3A : memref<!tpu.dma_semaphore, #tpu.memory_space<semaphore_mem>>)
        %dma_wait3A_76 = tpu.memref_slice %arg2[%add3A_47] : memref<160000xi32, #tpu.memory_space<hbm>> -> memref<4992xi32, #tpu.memory_space<hbm>>
        %dma_wait3A_77 = tpu.memref_slice %arg2[%add3A_47] : memref<160000xi32, #tpu.memory_space<hbm>> -> memref<4992xi32, #tpu.memory_space<hbm>>
        tpu.wait_dma2 semaphore(%run_scoped3A : memref<!tpu.dma_semaphore, #tpu.memory_space<semaphore_mem>>) src(%dma_wait3A_77 : memref<4992xi32, #tpu.memory_space<hbm>>) dst(%arg9 : memref<4992xi32, #tpu.memory_space<vmem>>)
        tpu.yield
      }) : () -> ()
      %add3A_48 = arith.constant 4992 : i32
      %add3A_49 = arith.addi %mul3A_2, %add3A_48 : i32
      "tpu.region"() ({
        %run_scoped3A = tpu.sem_alloc : memref<!tpu.dma_semaphore, #tpu.memory_space<semaphore_mem>>
        %dma_start3A_74 = tpu.memref_slice %arg3[%add3A_49] : memref<160000xi32, #tpu.memory_space<hbm>> -> memref<4992xi32, #tpu.memory_space<hbm>>
        %dma_start3A_75 = tpu.memref_slice %arg3[%add3A_49] : memref<160000xi32, #tpu.memory_space<hbm>> -> memref<4992xi32, #tpu.memory_space<hbm>>
        tpu.enqueue_dma source(%dma_start3A_75 : memref<4992xi32, #tpu.memory_space<hbm>>) target(%arg10 : memref<4992xi32, #tpu.memory_space<vmem>>) target_semaphore(%run_scoped3A : memref<!tpu.dma_semaphore, #tpu.memory_space<semaphore_mem>>)
        %dma_wait3A_76 = tpu.memref_slice %arg3[%add3A_49] : memref<160000xi32, #tpu.memory_space<hbm>> -> memref<4992xi32, #tpu.memory_space<hbm>>
        %dma_wait3A_77 = tpu.memref_slice %arg3[%add3A_49] : memref<160000xi32, #tpu.memory_space<hbm>> -> memref<4992xi32, #tpu.memory_space<hbm>>
        tpu.wait_dma2 semaphore(%run_scoped3A : memref<!tpu.dma_semaphore, #tpu.memory_space<semaphore_mem>>) src(%dma_wait3A_77 : memref<4992xi32, #tpu.memory_space<hbm>>) dst(%arg10 : memref<4992xi32, #tpu.memory_space<vmem>>)
        tpu.yield
      }) : () -> ()
      %dma_start3A_50 = arith.constant 0 : i32
      %dma_start3A_51 = tpu.memref_slice %arg9[%dma_start3A_50] : memref<4992xi32, #tpu.memory_space<vmem>> -> memref<128xi32, #tpu.memory_space<vmem>>
      %dma_start3A_52 = arith.constant 0 : i32
      %dma_start3A_53 = arith.constant 0 : i32
      %dma_start3A_54 = tpu.memref_slice %arg4[%dma_start3A_52, %dma_start3A_53] : memref<10000x128xf32, #tpu.memory_space<hbm>> -> memref<10000x128xf32, #tpu.memory_space<hbm>>
      tpu.enqueue_indirect_dma source(%dma_start3A_54 : memref<10000x128xf32, #tpu.memory_space<hbm>>) target(%arg14 : memref<128x128xf32, #tpu.memory_space<vmem>>) offsets(%dma_start3A_51 : memref<128xi32, #tpu.memory_space<vmem>>) semaphore(%arg17 : memref<!tpu.dma_semaphore, #tpu.memory_space<semaphore_mem>>)
      %dma_start3A_55 = arith.constant 128 : i32
      %dma_start3A_56 = tpu.memref_slice %arg9[%dma_start3A_55] : memref<4992xi32, #tpu.memory_space<vmem>> -> memref<128xi32, #tpu.memory_space<vmem>>
      %dma_start3A_57 = arith.constant 0 : i32
      %dma_start3A_58 = arith.constant 0 : i32
      %dma_start3A_59 = tpu.memref_slice %arg4[%dma_start3A_57, %dma_start3A_58] : memref<10000x128xf32, #tpu.memory_space<hbm>> -> memref<10000x128xf32, #tpu.memory_space<hbm>>
      tpu.enqueue_indirect_dma source(%dma_start3A_59 : memref<10000x128xf32, #tpu.memory_space<hbm>>) target(%arg15 : memref<128x128xf32, #tpu.memory_space<vmem>>) offsets(%dma_start3A_56 : memref<128xi32, #tpu.memory_space<vmem>>) semaphore(%arg18 : memref<!tpu.dma_semaphore, #tpu.memory_space<semaphore_mem>>)
      %scan3A_60 = arith.constant 0 : i32
      %scan3A_61 = arith.constant 0 : i32
      %scan3A_62 = arith.constant 20 : i32
      %scan3A_63 = arith.addi %scan3A_61, %scan3A_62 : i32
      %scan3A_64 = arith.constant 1 : i32
      scf.for %scan3A_74 = %scan3A_61 to %scan3A_63 step %scan3A_64  : i32 {
        %mul3A_75 = arith.constant 2 : i32
        %mul3A_76 = arith.muli %scan3A_74, %mul3A_75 : i32
        %add3A_77 = arith.constant 0 : i32
        %add3A_78 = arith.addi %mul3A_76, %add3A_77 : i32
        %lt3A = arith.constant 39 : i32
        %lt3A_79 = arith.cmpi slt, %add3A_78, %lt3A : i32
        %convert_element_type3A_80 = arith.extui %lt3A_79 : i1 to i32
        %cond3A_81 = arith.constant 0 : i32
        %cond3A_82 = arith.cmpi ne, %convert_element_type3A_80, %cond3A_81 : i32
        scf.if %cond3A_82 {
          %dma_wait3A_92 = arith.constant 0 : i32
          %dma_wait3A_93 = tpu.memref_slice %arg9[%dma_wait3A_92] : memref<4992xi32, #tpu.memory_space<vmem>> -> memref<128xi32, #tpu.memory_space<vmem>>
          %dma_wait3A_94 = arith.constant 0 : i32
          %dma_wait3A_95 = arith.constant 0 : i32
          %dma_wait3A_96 = tpu.memref_slice %arg4[%dma_wait3A_94, %dma_wait3A_95] : memref<10000x128xf32, #tpu.memory_space<hbm>> -> memref<10000x128xf32, #tpu.memory_space<hbm>>
          tpu.wait_indirect_dma semaphore(%arg17 : memref<!tpu.dma_semaphore, #tpu.memory_space<semaphore_mem>>) src(%dma_wait3A_96 : memref<10000x128xf32, #tpu.memory_space<hbm>>) dst(%arg14 : memref<128x128xf32, #tpu.memory_space<vmem>>)
          %mul3A_97 = arith.constant 128 : i32
          %mul3A_98 = arith.muli %add3A_78, %mul3A_97 : i32
          "tpu.region"() ({
            %run_scoped3A = tpu.sem_alloc : memref<!tpu.dma_semaphore, #tpu.memory_space<semaphore_mem>>
            %dma_start3A_106 = tpu.memref_slice %arg10[%mul3A_98] : memref<4992xi32, #tpu.memory_space<vmem>> -> memref<128xi32, #tpu.memory_space<vmem>>
            %dma_start3A_107 = arith.constant 0 : i32
            %dma_start3A_108 = arith.constant 0 : i32
            %dma_start3A_109 = tpu.memref_slice %arg16[%dma_start3A_107, %dma_start3A_108] : memref<10000x128xf32, #tpu.memory_space<vmem_shared>> -> memref<10000x128xf32, #tpu.memory_space<vmem_shared>>
            tpu.enqueue_indirect_dma source(%arg14 : memref<128x128xf32, #tpu.memory_space<vmem>>) target(%dma_start3A_109 : memref<10000x128xf32, #tpu.memory_space<vmem_shared>>) offsets(%dma_start3A_106 : memref<128xi32, #tpu.memory_space<vmem>>) semaphore(%run_scoped3A : memref<!tpu.dma_semaphore, #tpu.memory_space<semaphore_mem>>) {add = true}
            %dma_wait3A_110 = tpu.memref_slice %arg10[%mul3A_98] : memref<4992xi32, #tpu.memory_space<vmem>> -> memref<128xi32, #tpu.memory_space<vmem>>
            %dma_wait3A_111 = arith.constant 0 : i32
            %dma_wait3A_112 = arith.constant 0 : i32
            %dma_wait3A_113 = tpu.memref_slice %arg16[%dma_wait3A_111, %dma_wait3A_112] : memref<10000x128xf32, #tpu.memory_space<vmem_shared>> -> memref<10000x128xf32, #tpu.memory_space<vmem_shared>>
            tpu.wait_indirect_dma semaphore(%run_scoped3A : memref<!tpu.dma_semaphore, #tpu.memory_space<semaphore_mem>>) src(%arg14 : memref<128x128xf32, #tpu.memory_space<vmem>>) dst(%dma_wait3A_113 : memref<10000x128xf32, #tpu.memory_space<vmem_shared>>)
            tpu.yield
          }) : () -> ()
          %add3A_99 = arith.constant 2 : i32
          %add3A_100 = arith.addi %add3A_78, %add3A_99 : i32
          %lt3A_101 = arith.constant 39 : i32
          %lt3A_102 = arith.cmpi slt, %add3A_100, %lt3A_101 : i32
          %convert_element_type3A_103 = arith.extui %lt3A_102 : i1 to i32
          %cond3A_104 = arith.constant 0 : i32
          %cond3A_105 = arith.cmpi ne, %convert_element_type3A_103, %cond3A_104 : i32
          scf.if %cond3A_105 {
            %mul3A_106 = arith.constant 128 : i32
            %mul3A_107 = arith.muli %add3A_100, %mul3A_106 : i32
            %dma_start3A_108 = tpu.memref_slice %arg9[%mul3A_107] : memref<4992xi32, #tpu.memory_space<vmem>> -> memref<128xi32, #tpu.memory_space<vmem>>
            %dma_start3A_109 = arith.constant 0 : i32
            %dma_start3A_110 = arith.constant 0 : i32
            %dma_start3A_111 = tpu.memref_slice %arg4[%dma_start3A_109, %dma_start3A_110] : memref<10000x128xf32, #tpu.memory_space<hbm>> -> memref<10000x128xf32, #tpu.memory_space<hbm>>
            tpu.enqueue_indirect_dma source(%dma_start3A_111 : memref<10000x128xf32, #tpu.memory_space<hbm>>) target(%arg14 : memref<128x128xf32, #tpu.memory_space<vmem>>) offsets(%dma_start3A_108 : memref<128xi32, #tpu.memory_space<vmem>>) semaphore(%arg17 : memref<!tpu.dma_semaphore, #tpu.memory_space<semaphore_mem>>)
          } else {
          }
        } else {
        }
        %mul3A_83 = arith.constant 2 : i32
        %mul3A_84 = arith.muli %scan3A_74, %mul3A_83 : i32
        %add3A_85 = arith.constant 1 : i32
        %add3A_86 = arith.addi %mul3A_84, %add3A_85 : i32
        %lt3A_87 = arith.constant 39 : i32
        %lt3A_88 = arith.cmpi slt, %add3A_86, %lt3A_87 : i32
        %convert_element_type3A_89 = arith.extui %lt3A_88 : i1 to i32
        %cond3A_90 = arith.constant 0 : i32
        %cond3A_91 = arith.cmpi ne, %convert_element_type3A_89, %cond3A_90 : i32
        scf.if %cond3A_91 {
          %dma_wait3A_92 = arith.constant 0 : i32
          %dma_wait3A_93 = tpu.memref_slice %arg9[%dma_wait3A_92] : memref<4992xi32, #tpu.memory_space<vmem>> -> memref<128xi32, #tpu.memory_space<vmem>>
          %dma_wait3A_94 = arith.constant 0 : i32
          %dma_wait3A_95 = arith.constant 0 : i32
          %dma_wait3A_96 = tpu.memref_slice %arg4[%dma_wait3A_94, %dma_wait3A_95] : memref<10000x128xf32, #tpu.memory_space<hbm>> -> memref<10000x128xf32, #tpu.memory_space<hbm>>
          tpu.wait_indirect_dma semaphore(%arg18 : memref<!tpu.dma_semaphore, #tpu.memory_space<semaphore_mem>>) src(%dma_wait3A_96 : memref<10000x128xf32, #tpu.memory_space<hbm>>) dst(%arg15 : memref<128x128xf32, #tpu.memory_space<vmem>>)
          %mul3A_97 = arith.constant 128 : i32
          %mul3A_98 = arith.muli %add3A_86, %mul3A_97 : i32
          "tpu.region"() ({
            %run_scoped3A = tpu.sem_alloc : memref<!tpu.dma_semaphore, #tpu.memory_space<semaphore_mem>>
            %dma_start3A_106 = tpu.memref_slice %arg10[%mul3A_98] : memref<4992xi32, #tpu.memory_space<vmem>> -> memref<128xi32, #tpu.memory_space<vmem>>
            %dma_start3A_107 = arith.constant 0 : i32
            %dma_start3A_108 = arith.constant 0 : i32
            %dma_start3A_109 = tpu.memref_slice %arg16[%dma_start3A_107, %dma_start3A_108] : memref<10000x128xf32, #tpu.memory_space<vmem_shared>> -> memref<10000x128xf32, #tpu.memory_space<vmem_shared>>
            tpu.enqueue_indirect_dma source(%arg15 : memref<128x128xf32, #tpu.memory_space<vmem>>) target(%dma_start3A_109 : memref<10000x128xf32, #tpu.memory_space<vmem_shared>>) offsets(%dma_start3A_106 : memref<128xi32, #tpu.memory_space<vmem>>) semaphore(%run_scoped3A : memref<!tpu.dma_semaphore, #tpu.memory_space<semaphore_mem>>) {add = true}
            %dma_wait3A_110 = tpu.memref_slice %arg10[%mul3A_98] : memref<4992xi32, #tpu.memory_space<vmem>> -> memref<128xi32, #tpu.memory_space<vmem>>
            %dma_wait3A_111 = arith.constant 0 : i32
            %dma_wait3A_112 = arith.constant 0 : i32
            %dma_wait3A_113 = tpu.memref_slice %arg16[%dma_wait3A_111, %dma_wait3A_112] : memref<10000x128xf32, #tpu.memory_space<vmem_shared>> -> memref<10000x128xf32, #tpu.memory_space<vmem_shared>>
            tpu.wait_indirect_dma semaphore(%run_scoped3A : memref<!tpu.dma_semaphore, #tpu.memory_space<semaphore_mem>>) src(%arg15 : memref<128x128xf32, #tpu.memory_space<vmem>>) dst(%dma_wait3A_113 : memref<10000x128xf32, #tpu.memory_space<vmem_shared>>)
            tpu.yield
          }) : () -> ()
          %add3A_99 = arith.constant 2 : i32
          %add3A_100 = arith.addi %add3A_86, %add3A_99 : i32
          %lt3A_101 = arith.constant 39 : i32
          %lt3A_102 = arith.cmpi slt, %add3A_100, %lt3A_101 : i32
          %convert_element_type3A_103 = arith.extui %lt3A_102 : i1 to i32
          %cond3A_104 = arith.constant 0 : i32
          %cond3A_105 = arith.cmpi ne, %convert_element_type3A_103, %cond3A_104 : i32
          scf.if %cond3A_105 {
            %mul3A_106 = arith.constant 128 : i32
            %mul3A_107 = arith.muli %add3A_100, %mul3A_106 : i32
            %dma_start3A_108 = tpu.memref_slice %arg9[%mul3A_107] : memref<4992xi32, #tpu.memory_space<vmem>> -> memref<128xi32, #tpu.memory_space<vmem>>
            %dma_start3A_109 = arith.constant 0 : i32
            %dma_start3A_110 = arith.constant 0 : i32
            %dma_start3A_111 = tpu.memref_slice %arg4[%dma_start3A_109, %dma_start3A_110] : memref<10000x128xf32, #tpu.memory_space<hbm>> -> memref<10000x128xf32, #tpu.memory_space<hbm>>
            tpu.enqueue_indirect_dma source(%dma_start3A_111 : memref<10000x128xf32, #tpu.memory_space<hbm>>) target(%arg15 : memref<128x128xf32, #tpu.memory_space<vmem>>) offsets(%dma_start3A_108 : memref<128xi32, #tpu.memory_space<vmem>>) semaphore(%arg18 : memref<!tpu.dma_semaphore, #tpu.memory_space<semaphore_mem>>)
          } else {
          }
        } else {
        }
      }
      %scan3A_65 = arith.constant 20 : i32
      %add3A_66 = arith.constant 9984 : i32
      %add3A_67 = arith.addi %mul3A_2, %add3A_66 : i32
      "tpu.region"() ({
        %run_scoped3A = tpu.sem_alloc : memref<!tpu.dma_semaphore, #tpu.memory_space<semaphore_mem>>
        %dma_start3A_74 = tpu.memref_slice %arg2[%add3A_67] : memref<160000xi32, #tpu.memory_space<hbm>> -> memref<16xi32, #tpu.memory_space<hbm>>
        %dma_start3A_75 = tpu.memref_slice %arg2[%add3A_67] : memref<160000xi32, #tpu.memory_space<hbm>> -> memref<16xi32, #tpu.memory_space<hbm>>
        tpu.enqueue_dma source(%dma_start3A_75 : memref<16xi32, #tpu.memory_space<hbm>>) target(%arg11 : memref<16xi32, #tpu.memory_space<vmem>>) target_semaphore(%run_scoped3A : memref<!tpu.dma_semaphore, #tpu.memory_space<semaphore_mem>>)
        %dma_wait3A_76 = tpu.memref_slice %arg2[%add3A_67] : memref<160000xi32, #tpu.memory_space<hbm>> -> memref<16xi32, #tpu.memory_space<hbm>>
        %dma_wait3A_77 = tpu.memref_slice %arg2[%add3A_67] : memref<160000xi32, #tpu.memory_space<hbm>> -> memref<16xi32, #tpu.memory_space<hbm>>
        tpu.wait_dma2 semaphore(%run_scoped3A : memref<!tpu.dma_semaphore, #tpu.memory_space<semaphore_mem>>) src(%dma_wait3A_77 : memref<16xi32, #tpu.memory_space<hbm>>) dst(%arg11 : memref<16xi32, #tpu.memory_space<vmem>>)
        tpu.yield
      }) : () -> ()
      "tpu.region"() ({
        %run_scoped3A = tpu.sem_alloc : memref<!tpu.dma_semaphore, #tpu.memory_space<semaphore_mem>>
        %dma_start3A_74 = tpu.memref_slice %arg3[%add3A_67] : memref<160000xi32, #tpu.memory_space<hbm>> -> memref<16xi32, #tpu.memory_space<hbm>>
        %dma_start3A_75 = tpu.memref_slice %arg3[%add3A_67] : memref<160000xi32, #tpu.memory_space<hbm>> -> memref<16xi32, #tpu.memory_space<hbm>>
        tpu.enqueue_dma source(%dma_start3A_75 : memref<16xi32, #tpu.memory_space<hbm>>) target(%arg12 : memref<16xi32, #tpu.memory_space<vmem>>) target_semaphore(%run_scoped3A : memref<!tpu.dma_semaphore, #tpu.memory_space<semaphore_mem>>)
        %dma_wait3A_76 = tpu.memref_slice %arg3[%add3A_67] : memref<160000xi32, #tpu.memory_space<hbm>> -> memref<16xi32, #tpu.memory_space<hbm>>
        %dma_wait3A_77 = tpu.memref_slice %arg3[%add3A_67] : memref<160000xi32, #tpu.memory_space<hbm>> -> memref<16xi32, #tpu.memory_space<hbm>>
        tpu.wait_dma2 semaphore(%run_scoped3A : memref<!tpu.dma_semaphore, #tpu.memory_space<semaphore_mem>>) src(%dma_wait3A_77 : memref<16xi32, #tpu.memory_space<hbm>>) dst(%arg12 : memref<16xi32, #tpu.memory_space<vmem>>)
        tpu.yield
      }) : () -> ()
      %dma_start3A_68 = arith.constant 0 : i32
      %dma_start3A_69 = arith.constant 0 : i32
      %dma_start3A_70 = tpu.memref_slice %arg4[%dma_start3A_68, %dma_start3A_69] : memref<10000x128xf32, #tpu.memory_space<hbm>> -> memref<10000x128xf32, #tpu.memory_space<hbm>>
      tpu.enqueue_indirect_dma source(%dma_start3A_70 : memref<10000x128xf32, #tpu.memory_space<hbm>>) target(%arg13 : memref<16x128xf32, #tpu.memory_space<vmem>>) offsets(%arg11 : memref<16xi32, #tpu.memory_space<vmem>>) semaphore(%arg19 : memref<!tpu.dma_semaphore, #tpu.memory_space<semaphore_mem>>)
      %dma_wait3A_71 = arith.constant 0 : i32
      %dma_wait3A_72 = arith.constant 0 : i32
      %dma_wait3A_73 = tpu.memref_slice %arg4[%dma_wait3A_71, %dma_wait3A_72] : memref<10000x128xf32, #tpu.memory_space<hbm>> -> memref<10000x128xf32, #tpu.memory_space<hbm>>
      tpu.wait_indirect_dma semaphore(%arg19 : memref<!tpu.dma_semaphore, #tpu.memory_space<semaphore_mem>>) src(%dma_wait3A_73 : memref<10000x128xf32, #tpu.memory_space<hbm>>) dst(%arg13 : memref<16x128xf32, #tpu.memory_space<vmem>>)
      "tpu.region"() ({
        %run_scoped3A = tpu.sem_alloc : memref<!tpu.dma_semaphore, #tpu.memory_space<semaphore_mem>>
        %dma_start3A_74 = arith.constant 0 : i32
        %dma_start3A_75 = arith.constant 0 : i32
        %dma_start3A_76 = tpu.memref_slice %arg16[%dma_start3A_74, %dma_start3A_75] : memref<10000x128xf32, #tpu.memory_space<vmem_shared>> -> memref<10000x128xf32, #tpu.memory_space<vmem_shared>>
        tpu.enqueue_indirect_dma source(%arg13 : memref<16x128xf32, #tpu.memory_space<vmem>>) target(%dma_start3A_76 : memref<10000x128xf32, #tpu.memory_space<vmem_shared>>) offsets(%arg12 : memref<16xi32, #tpu.memory_space<vmem>>) semaphore(%run_scoped3A : memref<!tpu.dma_semaphore, #tpu.memory_space<semaphore_mem>>) {add = true}
        %dma_wait3A_77 = arith.constant 0 : i32
        %dma_wait3A_78 = arith.constant 0 : i32
        %dma_wait3A_79 = tpu.memref_slice %arg16[%dma_wait3A_77, %dma_wait3A_78] : memref<10000x128xf32, #tpu.memory_space<vmem_shared>> -> memref<10000x128xf32, #tpu.memory_space<vmem_shared>>
        tpu.wait_indirect_dma semaphore(%run_scoped3A : memref<!tpu.dma_semaphore, #tpu.memory_space<semaphore_mem>>) src(%arg13 : memref<16x128xf32, #tpu.memory_space<vmem>>) dst(%dma_wait3A_79 : memref<10000x128xf32, #tpu.memory_space<vmem_shared>>)
        tpu.yield
      }) : () -> ()
    } else {
    }
    %eq3A_16 = arith.constant 1 : i32
    %eq3A_17 = arith.cmpi eq, %arg0, %eq3A_16 : i32
    %convert_element_type3A_18 = arith.extui %eq3A_17 : i1 to i32
    %cond3A_19 = arith.constant 0 : i32
    %cond3A_20 = arith.cmpi ne, %convert_element_type3A_18, %cond3A_19 : i32
    scf.if %cond3A_20 {
      %dma_start3A_32 = arith.constant 0 : i32
      %dma_start3A_33 = tpu.memref_slice %arg9[%dma_start3A_32] : memref<4992xi32, #tpu.memory_space<vmem>> -> memref<128xi32, #tpu.memory_space<vmem>>
      %dma_start3A_34 = arith.constant 0 : i32
      %dma_start3A_35 = arith.constant 0 : i32
      %dma_start3A_36 = tpu.memref_slice %arg5[%dma_start3A_34, %dma_start3A_35] : memref<10000x128xf32, #tpu.memory_space<hbm>> -> memref<10000x128xf32, #tpu.memory_space<hbm>>
      tpu.enqueue_indirect_dma source(%dma_start3A_36 : memref<10000x128xf32, #tpu.memory_space<hbm>>) target(%arg14 : memref<128x128xf32, #tpu.memory_space<vmem>>) offsets(%dma_start3A_33 : memref<128xi32, #tpu.memory_space<vmem>>) semaphore(%arg17 : memref<!tpu.dma_semaphore, #tpu.memory_space<semaphore_mem>>)
      %dma_start3A_37 = arith.constant 128 : i32
      %dma_start3A_38 = tpu.memref_slice %arg9[%dma_start3A_37] : memref<4992xi32, #tpu.memory_space<vmem>> -> memref<128xi32, #tpu.memory_space<vmem>>
      %dma_start3A_39 = arith.constant 0 : i32
      %dma_start3A_40 = arith.constant 0 : i32
      %dma_start3A_41 = tpu.memref_slice %arg5[%dma_start3A_39, %dma_start3A_40] : memref<10000x128xf32, #tpu.memory_space<hbm>> -> memref<10000x128xf32, #tpu.memory_space<hbm>>
      tpu.enqueue_indirect_dma source(%dma_start3A_41 : memref<10000x128xf32, #tpu.memory_space<hbm>>) target(%arg15 : memref<128x128xf32, #tpu.memory_space<vmem>>) offsets(%dma_start3A_38 : memref<128xi32, #tpu.memory_space<vmem>>) semaphore(%arg18 : memref<!tpu.dma_semaphore, #tpu.memory_space<semaphore_mem>>)
      %scan3A = arith.constant 0 : i32
      %scan3A_42 = arith.constant 0 : i32
      %scan3A_43 = arith.constant 20 : i32
      %scan3A_44 = arith.addi %scan3A_42, %scan3A_43 : i32
      %scan3A_45 = arith.constant 1 : i32
      scf.for %scan3A_74 = %scan3A_42 to %scan3A_44 step %scan3A_45  : i32 {
        %mul3A_75 = arith.constant 2 : i32
        %mul3A_76 = arith.muli %scan3A_74, %mul3A_75 : i32
        %add3A_77 = arith.constant 0 : i32
        %add3A_78 = arith.addi %mul3A_76, %add3A_77 : i32
        %lt3A = arith.constant 39 : i32
        %lt3A_79 = arith.cmpi slt, %add3A_78, %lt3A : i32
        %convert_element_type3A_80 = arith.extui %lt3A_79 : i1 to i32
        %cond3A_81 = arith.constant 0 : i32
        %cond3A_82 = arith.cmpi ne, %convert_element_type3A_80, %cond3A_81 : i32
        scf.if %cond3A_82 {
          %dma_wait3A_92 = arith.constant 0 : i32
          %dma_wait3A_93 = tpu.memref_slice %arg9[%dma_wait3A_92] : memref<4992xi32, #tpu.memory_space<vmem>> -> memref<128xi32, #tpu.memory_space<vmem>>
          %dma_wait3A_94 = arith.constant 0 : i32
          %dma_wait3A_95 = arith.constant 0 : i32
          %dma_wait3A_96 = tpu.memref_slice %arg5[%dma_wait3A_94, %dma_wait3A_95] : memref<10000x128xf32, #tpu.memory_space<hbm>> -> memref<10000x128xf32, #tpu.memory_space<hbm>>
          tpu.wait_indirect_dma semaphore(%arg17 : memref<!tpu.dma_semaphore, #tpu.memory_space<semaphore_mem>>) src(%dma_wait3A_96 : memref<10000x128xf32, #tpu.memory_space<hbm>>) dst(%arg14 : memref<128x128xf32, #tpu.memory_space<vmem>>)
          %mul3A_97 = arith.constant 128 : i32
          %mul3A_98 = arith.muli %add3A_78, %mul3A_97 : i32
          "tpu.region"() ({
            %run_scoped3A = tpu.sem_alloc : memref<!tpu.dma_semaphore, #tpu.memory_space<semaphore_mem>>
            %dma_start3A_106 = tpu.memref_slice %arg10[%mul3A_98] : memref<4992xi32, #tpu.memory_space<vmem>> -> memref<128xi32, #tpu.memory_space<vmem>>
            %dma_start3A_107 = arith.constant 0 : i32
            %dma_start3A_108 = arith.constant 0 : i32
            %dma_start3A_109 = tpu.memref_slice %arg16[%dma_start3A_107, %dma_start3A_108] : memref<10000x128xf32, #tpu.memory_space<vmem_shared>> -> memref<10000x128xf32, #tpu.memory_space<vmem_shared>>
            tpu.enqueue_indirect_dma source(%arg14 : memref<128x128xf32, #tpu.memory_space<vmem>>) target(%dma_start3A_109 : memref<10000x128xf32, #tpu.memory_space<vmem_shared>>) offsets(%dma_start3A_106 : memref<128xi32, #tpu.memory_space<vmem>>) semaphore(%run_scoped3A : memref<!tpu.dma_semaphore, #tpu.memory_space<semaphore_mem>>) {add = true}
            %dma_wait3A_110 = tpu.memref_slice %arg10[%mul3A_98] : memref<4992xi32, #tpu.memory_space<vmem>> -> memref<128xi32, #tpu.memory_space<vmem>>
            %dma_wait3A_111 = arith.constant 0 : i32
            %dma_wait3A_112 = arith.constant 0 : i32
            %dma_wait3A_113 = tpu.memref_slice %arg16[%dma_wait3A_111, %dma_wait3A_112] : memref<10000x128xf32, #tpu.memory_space<vmem_shared>> -> memref<10000x128xf32, #tpu.memory_space<vmem_shared>>
            tpu.wait_indirect_dma semaphore(%run_scoped3A : memref<!tpu.dma_semaphore, #tpu.memory_space<semaphore_mem>>) src(%arg14 : memref<128x128xf32, #tpu.memory_space<vmem>>) dst(%dma_wait3A_113 : memref<10000x128xf32, #tpu.memory_space<vmem_shared>>)
            tpu.yield
          }) : () -> ()
          %add3A_99 = arith.constant 2 : i32
          %add3A_100 = arith.addi %add3A_78, %add3A_99 : i32
          %lt3A_101 = arith.constant 39 : i32
          %lt3A_102 = arith.cmpi slt, %add3A_100, %lt3A_101 : i32
          %convert_element_type3A_103 = arith.extui %lt3A_102 : i1 to i32
          %cond3A_104 = arith.constant 0 : i32
          %cond3A_105 = arith.cmpi ne, %convert_element_type3A_103, %cond3A_104 : i32
          scf.if %cond3A_105 {
            %mul3A_106 = arith.constant 128 : i32
            %mul3A_107 = arith.muli %add3A_100, %mul3A_106 : i32
            %dma_start3A_108 = tpu.memref_slice %arg9[%mul3A_107] : memref<4992xi32, #tpu.memory_space<vmem>> -> memref<128xi32, #tpu.memory_space<vmem>>
            %dma_start3A_109 = arith.constant 0 : i32
            %dma_start3A_110 = arith.constant 0 : i32
            %dma_start3A_111 = tpu.memref_slice %arg5[%dma_start3A_109, %dma_start3A_110] : memref<10000x128xf32, #tpu.memory_space<hbm>> -> memref<10000x128xf32, #tpu.memory_space<hbm>>
            tpu.enqueue_indirect_dma source(%dma_start3A_111 : memref<10000x128xf32, #tpu.memory_space<hbm>>) target(%arg14 : memref<128x128xf32, #tpu.memory_space<vmem>>) offsets(%dma_start3A_108 : memref<128xi32, #tpu.memory_space<vmem>>) semaphore(%arg17 : memref<!tpu.dma_semaphore, #tpu.memory_space<semaphore_mem>>)
          } else {
          }
        } else {
        }
        %mul3A_83 = arith.constant 2 : i32
        %mul3A_84 = arith.muli %scan3A_74, %mul3A_83 : i32
        %add3A_85 = arith.constant 1 : i32
        %add3A_86 = arith.addi %mul3A_84, %add3A_85 : i32
        %lt3A_87 = arith.constant 39 : i32
        %lt3A_88 = arith.cmpi slt, %add3A_86, %lt3A_87 : i32
        %convert_element_type3A_89 = arith.extui %lt3A_88 : i1 to i32
        %cond3A_90 = arith.constant 0 : i32
        %cond3A_91 = arith.cmpi ne, %convert_element_type3A_89, %cond3A_90 : i32
        scf.if %cond3A_91 {
          %dma_wait3A_92 = arith.constant 0 : i32
          %dma_wait3A_93 = tpu.memref_slice %arg9[%dma_wait3A_92] : memref<4992xi32, #tpu.memory_space<vmem>> -> memref<128xi32, #tpu.memory_space<vmem>>
          %dma_wait3A_94 = arith.constant 0 : i32
          %dma_wait3A_95 = arith.constant 0 : i32
          %dma_wait3A_96 = tpu.memref_slice %arg5[%dma_wait3A_94, %dma_wait3A_95] : memref<10000x128xf32, #tpu.memory_space<hbm>> -> memref<10000x128xf32, #tpu.memory_space<hbm>>
          tpu.wait_indirect_dma semaphore(%arg18 : memref<!tpu.dma_semaphore, #tpu.memory_space<semaphore_mem>>) src(%dma_wait3A_96 : memref<10000x128xf32, #tpu.memory_space<hbm>>) dst(%arg15 : memref<128x128xf32, #tpu.memory_space<vmem>>)
          %mul3A_97 = arith.constant 128 : i32
          %mul3A_98 = arith.muli %add3A_86, %mul3A_97 : i32
          "tpu.region"() ({
            %run_scoped3A = tpu.sem_alloc : memref<!tpu.dma_semaphore, #tpu.memory_space<semaphore_mem>>
            %dma_start3A_106 = tpu.memref_slice %arg10[%mul3A_98] : memref<4992xi32, #tpu.memory_space<vmem>> -> memref<128xi32, #tpu.memory_space<vmem>>
            %dma_start3A_107 = arith.constant 0 : i32
            %dma_start3A_108 = arith.constant 0 : i32
            %dma_start3A_109 = tpu.memref_slice %arg16[%dma_start3A_107, %dma_start3A_108] : memref<10000x128xf32, #tpu.memory_space<vmem_shared>> -> memref<10000x128xf32, #tpu.memory_space<vmem_shared>>
            tpu.enqueue_indirect_dma source(%arg15 : memref<128x128xf32, #tpu.memory_space<vmem>>) target(%dma_start3A_109 : memref<10000x128xf32, #tpu.memory_space<vmem_shared>>) offsets(%dma_start3A_106 : memref<128xi32, #tpu.memory_space<vmem>>) semaphore(%run_scoped3A : memref<!tpu.dma_semaphore, #tpu.memory_space<semaphore_mem>>) {add = true}
            %dma_wait3A_110 = tpu.memref_slice %arg10[%mul3A_98] : memref<4992xi32, #tpu.memory_space<vmem>> -> memref<128xi32, #tpu.memory_space<vmem>>
            %dma_wait3A_111 = arith.constant 0 : i32
            %dma_wait3A_112 = arith.constant 0 : i32
            %dma_wait3A_113 = tpu.memref_slice %arg16[%dma_wait3A_111, %dma_wait3A_112] : memref<10000x128xf32, #tpu.memory_space<vmem_shared>> -> memref<10000x128xf32, #tpu.memory_space<vmem_shared>>
            tpu.wait_indirect_dma semaphore(%run_scoped3A : memref<!tpu.dma_semaphore, #tpu.memory_space<semaphore_mem>>) src(%arg15 : memref<128x128xf32, #tpu.memory_space<vmem>>) dst(%dma_wait3A_113 : memref<10000x128xf32, #tpu.memory_space<vmem_shared>>)
            tpu.yield
          }) : () -> ()
          %add3A_99 = arith.constant 2 : i32
          %add3A_100 = arith.addi %add3A_86, %add3A_99 : i32
          %lt3A_101 = arith.constant 39 : i32
          %lt3A_102 = arith.cmpi slt, %add3A_100, %lt3A_101 : i32
          %convert_element_type3A_103 = arith.extui %lt3A_102 : i1 to i32
          %cond3A_104 = arith.constant 0 : i32
          %cond3A_105 = arith.cmpi ne, %convert_element_type3A_103, %cond3A_104 : i32
          scf.if %cond3A_105 {
            %mul3A_106 = arith.constant 128 : i32
            %mul3A_107 = arith.muli %add3A_100, %mul3A_106 : i32
            %dma_start3A_108 = tpu.memref_slice %arg9[%mul3A_107] : memref<4992xi32, #tpu.memory_space<vmem>> -> memref<128xi32, #tpu.memory_space<vmem>>
            %dma_start3A_109 = arith.constant 0 : i32
            %dma_start3A_110 = arith.constant 0 : i32
            %dma_start3A_111 = tpu.memref_slice %arg5[%dma_start3A_109, %dma_start3A_110] : memref<10000x128xf32, #tpu.memory_space<hbm>> -> memref<10000x128xf32, #tpu.memory_space<hbm>>
            tpu.enqueue_indirect_dma source(%dma_start3A_111 : memref<10000x128xf32, #tpu.memory_space<hbm>>) target(%arg15 : memref<128x128xf32, #tpu.memory_space<vmem>>) offsets(%dma_start3A_108 : memref<128xi32, #tpu.memory_space<vmem>>) semaphore(%arg18 : memref<!tpu.dma_semaphore, #tpu.memory_space<semaphore_mem>>)
          } else {
          }
        } else {
        }
      }
      %scan3A_46 = arith.constant 20 : i32
      %add3A = arith.constant 4992 : i32
      %add3A_47 = arith.addi %mul3A_2, %add3A : i32
      "tpu.region"() ({
        %run_scoped3A = tpu.sem_alloc : memref<!tpu.dma_semaphore, #tpu.memory_space<semaphore_mem>>
        %dma_start3A_74 = tpu.memref_slice %arg2[%add3A_47] : memref<160000xi32, #tpu.memory_space<hbm>> -> memref<4992xi32, #tpu.memory_space<hbm>>
        %dma_start3A_75 = tpu.memref_slice %arg2[%add3A_47] : memref<160000xi32, #tpu.memory_space<hbm>> -> memref<4992xi32, #tpu.memory_space<hbm>>
        tpu.enqueue_dma source(%dma_start3A_75 : memref<4992xi32, #tpu.memory_space<hbm>>) target(%arg9 : memref<4992xi32, #tpu.memory_space<vmem>>) target_semaphore(%run_scoped3A : memref<!tpu.dma_semaphore, #tpu.memory_space<semaphore_mem>>)
        %dma_wait3A_76 = tpu.memref_slice %arg2[%add3A_47] : memref<160000xi32, #tpu.memory_space<hbm>> -> memref<4992xi32, #tpu.memory_space<hbm>>
        %dma_wait3A_77 = tpu.memref_slice %arg2[%add3A_47] : memref<160000xi32, #tpu.memory_space<hbm>> -> memref<4992xi32, #tpu.memory_space<hbm>>
        tpu.wait_dma2 semaphore(%run_scoped3A : memref<!tpu.dma_semaphore, #tpu.memory_space<semaphore_mem>>) src(%dma_wait3A_77 : memref<4992xi32, #tpu.memory_space<hbm>>) dst(%arg9 : memref<4992xi32, #tpu.memory_space<vmem>>)
        tpu.yield
      }) : () -> ()
      %add3A_48 = arith.constant 4992 : i32
      %add3A_49 = arith.addi %mul3A_2, %add3A_48 : i32
      "tpu.region"() ({
        %run_scoped3A = tpu.sem_alloc : memref<!tpu.dma_semaphore, #tpu.memory_space<semaphore_mem>>
        %dma_start3A_74 = tpu.memref_slice %arg3[%add3A_49] : memref<160000xi32, #tpu.memory_space<hbm>> -> memref<4992xi32, #tpu.memory_space<hbm>>
        %dma_start3A_75 = tpu.memref_slice %arg3[%add3A_49] : memref<160000xi32, #tpu.memory_space<hbm>> -> memref<4992xi32, #tpu.memory_space<hbm>>
        tpu.enqueue_dma source(%dma_start3A_75 : memref<4992xi32, #tpu.memory_space<hbm>>) target(%arg10 : memref<4992xi32, #tpu.memory_space<vmem>>) target_semaphore(%run_scoped3A : memref<!tpu.dma_semaphore, #tpu.memory_space<semaphore_mem>>)
        %dma_wait3A_76 = tpu.memref_slice %arg3[%add3A_49] : memref<160000xi32, #tpu.memory_space<hbm>> -> memref<4992xi32, #tpu.memory_space<hbm>>
        %dma_wait3A_77 = tpu.memref_slice %arg3[%add3A_49] : memref<160000xi32, #tpu.memory_space<hbm>> -> memref<4992xi32, #tpu.memory_space<hbm>>
        tpu.wait_dma2 semaphore(%run_scoped3A : memref<!tpu.dma_semaphore, #tpu.memory_space<semaphore_mem>>) src(%dma_wait3A_77 : memref<4992xi32, #tpu.memory_space<hbm>>) dst(%arg10 : memref<4992xi32, #tpu.memory_space<vmem>>)
        tpu.yield
      }) : () -> ()
      %dma_start3A_50 = arith.constant 0 : i32
      %dma_start3A_51 = tpu.memref_slice %arg9[%dma_start3A_50] : memref<4992xi32, #tpu.memory_space<vmem>> -> memref<128xi32, #tpu.memory_space<vmem>>
      %dma_start3A_52 = arith.constant 0 : i32
      %dma_start3A_53 = arith.constant 0 : i32
      %dma_start3A_54 = tpu.memref_slice %arg5[%dma_start3A_52, %dma_start3A_53] : memref<10000x128xf32, #tpu.memory_space<hbm>> -> memref<10000x128xf32, #tpu.memory_space<hbm>>
      tpu.enqueue_indirect_dma source(%dma_start3A_54 : memref<10000x128xf32, #tpu.memory_space<hbm>>) target(%arg14 : memref<128x128xf32, #tpu.memory_space<vmem>>) offsets(%dma_start3A_51 : memref<128xi32, #tpu.memory_space<vmem>>) semaphore(%arg17 : memref<!tpu.dma_semaphore, #tpu.memory_space<semaphore_mem>>)
      %dma_start3A_55 = arith.constant 128 : i32
      %dma_start3A_56 = tpu.memref_slice %arg9[%dma_start3A_55] : memref<4992xi32, #tpu.memory_space<vmem>> -> memref<128xi32, #tpu.memory_space<vmem>>
      %dma_start3A_57 = arith.constant 0 : i32
      %dma_start3A_58 = arith.constant 0 : i32
      %dma_start3A_59 = tpu.memref_slice %arg5[%dma_start3A_57, %dma_start3A_58] : memref<10000x128xf32, #tpu.memory_space<hbm>> -> memref<10000x128xf32, #tpu.memory_space<hbm>>
      tpu.enqueue_indirect_dma source(%dma_start3A_59 : memref<10000x128xf32, #tpu.memory_space<hbm>>) target(%arg15 : memref<128x128xf32, #tpu.memory_space<vmem>>) offsets(%dma_start3A_56 : memref<128xi32, #tpu.memory_space<vmem>>) semaphore(%arg18 : memref<!tpu.dma_semaphore, #tpu.memory_space<semaphore_mem>>)
      %scan3A_60 = arith.constant 0 : i32
      %scan3A_61 = arith.constant 0 : i32
      %scan3A_62 = arith.constant 20 : i32
      %scan3A_63 = arith.addi %scan3A_61, %scan3A_62 : i32
      %scan3A_64 = arith.constant 1 : i32
      scf.for %scan3A_74 = %scan3A_61 to %scan3A_63 step %scan3A_64  : i32 {
        %mul3A_75 = arith.constant 2 : i32
        %mul3A_76 = arith.muli %scan3A_74, %mul3A_75 : i32
        %add3A_77 = arith.constant 0 : i32
        %add3A_78 = arith.addi %mul3A_76, %add3A_77 : i32
        %lt3A = arith.constant 39 : i32
        %lt3A_79 = arith.cmpi slt, %add3A_78, %lt3A : i32
        %convert_element_type3A_80 = arith.extui %lt3A_79 : i1 to i32
        %cond3A_81 = arith.constant 0 : i32
        %cond3A_82 = arith.cmpi ne, %convert_element_type3A_80, %cond3A_81 : i32
        scf.if %cond3A_82 {
          %dma_wait3A_92 = arith.constant 0 : i32
          %dma_wait3A_93 = tpu.memref_slice %arg9[%dma_wait3A_92] : memref<4992xi32, #tpu.memory_space<vmem>> -> memref<128xi32, #tpu.memory_space<vmem>>
          %dma_wait3A_94 = arith.constant 0 : i32
          %dma_wait3A_95 = arith.constant 0 : i32
          %dma_wait3A_96 = tpu.memref_slice %arg5[%dma_wait3A_94, %dma_wait3A_95] : memref<10000x128xf32, #tpu.memory_space<hbm>> -> memref<10000x128xf32, #tpu.memory_space<hbm>>
          tpu.wait_indirect_dma semaphore(%arg17 : memref<!tpu.dma_semaphore, #tpu.memory_space<semaphore_mem>>) src(%dma_wait3A_96 : memref<10000x128xf32, #tpu.memory_space<hbm>>) dst(%arg14 : memref<128x128xf32, #tpu.memory_space<vmem>>)
          %mul3A_97 = arith.constant 128 : i32
          %mul3A_98 = arith.muli %add3A_78, %mul3A_97 : i32
          "tpu.region"() ({
            %run_scoped3A = tpu.sem_alloc : memref<!tpu.dma_semaphore, #tpu.memory_space<semaphore_mem>>
            %dma_start3A_106 = tpu.memref_slice %arg10[%mul3A_98] : memref<4992xi32, #tpu.memory_space<vmem>> -> memref<128xi32, #tpu.memory_space<vmem>>
            %dma_start3A_107 = arith.constant 0 : i32
            %dma_start3A_108 = arith.constant 0 : i32
            %dma_start3A_109 = tpu.memref_slice %arg16[%dma_start3A_107, %dma_start3A_108] : memref<10000x128xf32, #tpu.memory_space<vmem_shared>> -> memref<10000x128xf32, #tpu.memory_space<vmem_shared>>
            tpu.enqueue_indirect_dma source(%arg14 : memref<128x128xf32, #tpu.memory_space<vmem>>) target(%dma_start3A_109 : memref<10000x128xf32, #tpu.memory_space<vmem_shared>>) offsets(%dma_start3A_106 : memref<128xi32, #tpu.memory_space<vmem>>) semaphore(%run_scoped3A : memref<!tpu.dma_semaphore, #tpu.memory_space<semaphore_mem>>) {add = true}
            %dma_wait3A_110 = tpu.memref_slice %arg10[%mul3A_98] : memref<4992xi32, #tpu.memory_space<vmem>> -> memref<128xi32, #tpu.memory_space<vmem>>
            %dma_wait3A_111 = arith.constant 0 : i32
            %dma_wait3A_112 = arith.constant 0 : i32
            %dma_wait3A_113 = tpu.memref_slice %arg16[%dma_wait3A_111, %dma_wait3A_112] : memref<10000x128xf32, #tpu.memory_space<vmem_shared>> -> memref<10000x128xf32, #tpu.memory_space<vmem_shared>>
            tpu.wait_indirect_dma semaphore(%run_scoped3A : memref<!tpu.dma_semaphore, #tpu.memory_space<semaphore_mem>>) src(%arg14 : memref<128x128xf32, #tpu.memory_space<vmem>>) dst(%dma_wait3A_113 : memref<10000x128xf32, #tpu.memory_space<vmem_shared>>)
            tpu.yield
          }) : () -> ()
          %add3A_99 = arith.constant 2 : i32
          %add3A_100 = arith.addi %add3A_78, %add3A_99 : i32
          %lt3A_101 = arith.constant 39 : i32
          %lt3A_102 = arith.cmpi slt, %add3A_100, %lt3A_101 : i32
          %convert_element_type3A_103 = arith.extui %lt3A_102 : i1 to i32
          %cond3A_104 = arith.constant 0 : i32
          %cond3A_105 = arith.cmpi ne, %convert_element_type3A_103, %cond3A_104 : i32
          scf.if %cond3A_105 {
            %mul3A_106 = arith.constant 128 : i32
            %mul3A_107 = arith.muli %add3A_100, %mul3A_106 : i32
            %dma_start3A_108 = tpu.memref_slice %arg9[%mul3A_107] : memref<4992xi32, #tpu.memory_space<vmem>> -> memref<128xi32, #tpu.memory_space<vmem>>
            %dma_start3A_109 = arith.constant 0 : i32
            %dma_start3A_110 = arith.constant 0 : i32
            %dma_start3A_111 = tpu.memref_slice %arg5[%dma_start3A_109, %dma_start3A_110] : memref<10000x128xf32, #tpu.memory_space<hbm>> -> memref<10000x128xf32, #tpu.memory_space<hbm>>
            tpu.enqueue_indirect_dma source(%dma_start3A_111 : memref<10000x128xf32, #tpu.memory_space<hbm>>) target(%arg14 : memref<128x128xf32, #tpu.memory_space<vmem>>) offsets(%dma_start3A_108 : memref<128xi32, #tpu.memory_space<vmem>>) semaphore(%arg17 : memref<!tpu.dma_semaphore, #tpu.memory_space<semaphore_mem>>)
          } else {
          }
        } else {
        }
        %mul3A_83 = arith.constant 2 : i32
        %mul3A_84 = arith.muli %scan3A_74, %mul3A_83 : i32
        %add3A_85 = arith.constant 1 : i32
        %add3A_86 = arith.addi %mul3A_84, %add3A_85 : i32
        %lt3A_87 = arith.constant 39 : i32
        %lt3A_88 = arith.cmpi slt, %add3A_86, %lt3A_87 : i32
        %convert_element_type3A_89 = arith.extui %lt3A_88 : i1 to i32
        %cond3A_90 = arith.constant 0 : i32
        %cond3A_91 = arith.cmpi ne, %convert_element_type3A_89, %cond3A_90 : i32
        scf.if %cond3A_91 {
          %dma_wait3A_92 = arith.constant 0 : i32
          %dma_wait3A_93 = tpu.memref_slice %arg9[%dma_wait3A_92] : memref<4992xi32, #tpu.memory_space<vmem>> -> memref<128xi32, #tpu.memory_space<vmem>>
          %dma_wait3A_94 = arith.constant 0 : i32
          %dma_wait3A_95 = arith.constant 0 : i32
          %dma_wait3A_96 = tpu.memref_slice %arg5[%dma_wait3A_94, %dma_wait3A_95] : memref<10000x128xf32, #tpu.memory_space<hbm>> -> memref<10000x128xf32, #tpu.memory_space<hbm>>
          tpu.wait_indirect_dma semaphore(%arg18 : memref<!tpu.dma_semaphore, #tpu.memory_space<semaphore_mem>>) src(%dma_wait3A_96 : memref<10000x128xf32, #tpu.memory_space<hbm>>) dst(%arg15 : memref<128x128xf32, #tpu.memory_space<vmem>>)
          %mul3A_97 = arith.constant 128 : i32
          %mul3A_98 = arith.muli %add3A_86, %mul3A_97 : i32
          "tpu.region"() ({
            %run_scoped3A = tpu.sem_alloc : memref<!tpu.dma_semaphore, #tpu.memory_space<semaphore_mem>>
            %dma_start3A_106 = tpu.memref_slice %arg10[%mul3A_98] : memref<4992xi32, #tpu.memory_space<vmem>> -> memref<128xi32, #tpu.memory_space<vmem>>
            %dma_start3A_107 = arith.constant 0 : i32
            %dma_start3A_108 = arith.constant 0 : i32
            %dma_start3A_109 = tpu.memref_slice %arg16[%dma_start3A_107, %dma_start3A_108] : memref<10000x128xf32, #tpu.memory_space<vmem_shared>> -> memref<10000x128xf32, #tpu.memory_space<vmem_shared>>
            tpu.enqueue_indirect_dma source(%arg15 : memref<128x128xf32, #tpu.memory_space<vmem>>) target(%dma_start3A_109 : memref<10000x128xf32, #tpu.memory_space<vmem_shared>>) offsets(%dma_start3A_106 : memref<128xi32, #tpu.memory_space<vmem>>) semaphore(%run_scoped3A : memref<!tpu.dma_semaphore, #tpu.memory_space<semaphore_mem>>) {add = true}
            %dma_wait3A_110 = tpu.memref_slice %arg10[%mul3A_98] : memref<4992xi32, #tpu.memory_space<vmem>> -> memref<128xi32, #tpu.memory_space<vmem>>
            %dma_wait3A_111 = arith.constant 0 : i32
            %dma_wait3A_112 = arith.constant 0 : i32
            %dma_wait3A_113 = tpu.memref_slice %arg16[%dma_wait3A_111, %dma_wait3A_112] : memref<10000x128xf32, #tpu.memory_space<vmem_shared>> -> memref<10000x128xf32, #tpu.memory_space<vmem_shared>>
            tpu.wait_indirect_dma semaphore(%run_scoped3A : memref<!tpu.dma_semaphore, #tpu.memory_space<semaphore_mem>>) src(%arg15 : memref<128x128xf32, #tpu.memory_space<vmem>>) dst(%dma_wait3A_113 : memref<10000x128xf32, #tpu.memory_space<vmem_shared>>)
            tpu.yield
          }) : () -> ()
          %add3A_99 = arith.constant 2 : i32
          %add3A_100 = arith.addi %add3A_86, %add3A_99 : i32
          %lt3A_101 = arith.constant 39 : i32
          %lt3A_102 = arith.cmpi slt, %add3A_100, %lt3A_101 : i32
          %convert_element_type3A_103 = arith.extui %lt3A_102 : i1 to i32
          %cond3A_104 = arith.constant 0 : i32
          %cond3A_105 = arith.cmpi ne, %convert_element_type3A_103, %cond3A_104 : i32
          scf.if %cond3A_105 {
            %mul3A_106 = arith.constant 128 : i32
            %mul3A_107 = arith.muli %add3A_100, %mul3A_106 : i32
            %dma_start3A_108 = tpu.memref_slice %arg9[%mul3A_107] : memref<4992xi32, #tpu.memory_space<vmem>> -> memref<128xi32, #tpu.memory_space<vmem>>
            %dma_start3A_109 = arith.constant 0 : i32
            %dma_start3A_110 = arith.constant 0 : i32
            %dma_start3A_111 = tpu.memref_slice %arg5[%dma_start3A_109, %dma_start3A_110] : memref<10000x128xf32, #tpu.memory_space<hbm>> -> memref<10000x128xf32, #tpu.memory_space<hbm>>
            tpu.enqueue_indirect_dma source(%dma_start3A_111 : memref<10000x128xf32, #tpu.memory_space<hbm>>) target(%arg15 : memref<128x128xf32, #tpu.memory_space<vmem>>) offsets(%dma_start3A_108 : memref<128xi32, #tpu.memory_space<vmem>>) semaphore(%arg18 : memref<!tpu.dma_semaphore, #tpu.memory_space<semaphore_mem>>)
          } else {
          }
        } else {
        }
      }
      %scan3A_65 = arith.constant 20 : i32
      %add3A_66 = arith.constant 9984 : i32
      %add3A_67 = arith.addi %mul3A_2, %add3A_66 : i32
      "tpu.region"() ({
        %run_scoped3A = tpu.sem_alloc : memref<!tpu.dma_semaphore, #tpu.memory_space<semaphore_mem>>
        %dma_start3A_74 = tpu.memref_slice %arg2[%add3A_67] : memref<160000xi32, #tpu.memory_space<hbm>> -> memref<16xi32, #tpu.memory_space<hbm>>
        %dma_start3A_75 = tpu.memref_slice %arg2[%add3A_67] : memref<160000xi32, #tpu.memory_space<hbm>> -> memref<16xi32, #tpu.memory_space<hbm>>
        tpu.enqueue_dma source(%dma_start3A_75 : memref<16xi32, #tpu.memory_space<hbm>>) target(%arg11 : memref<16xi32, #tpu.memory_space<vmem>>) target_semaphore(%run_scoped3A : memref<!tpu.dma_semaphore, #tpu.memory_space<semaphore_mem>>)
        %dma_wait3A_76 = tpu.memref_slice %arg2[%add3A_67] : memref<160000xi32, #tpu.memory_space<hbm>> -> memref<16xi32, #tpu.memory_space<hbm>>
        %dma_wait3A_77 = tpu.memref_slice %arg2[%add3A_67] : memref<160000xi32, #tpu.memory_space<hbm>> -> memref<16xi32, #tpu.memory_space<hbm>>
        tpu.wait_dma2 semaphore(%run_scoped3A : memref<!tpu.dma_semaphore, #tpu.memory_space<semaphore_mem>>) src(%dma_wait3A_77 : memref<16xi32, #tpu.memory_space<hbm>>) dst(%arg11 : memref<16xi32, #tpu.memory_space<vmem>>)
        tpu.yield
      }) : () -> ()
      "tpu.region"() ({
        %run_scoped3A = tpu.sem_alloc : memref<!tpu.dma_semaphore, #tpu.memory_space<semaphore_mem>>
        %dma_start3A_74 = tpu.memref_slice %arg3[%add3A_67] : memref<160000xi32, #tpu.memory_space<hbm>> -> memref<16xi32, #tpu.memory_space<hbm>>
        %dma_start3A_75 = tpu.memref_slice %arg3[%add3A_67] : memref<160000xi32, #tpu.memory_space<hbm>> -> memref<16xi32, #tpu.memory_space<hbm>>
        tpu.enqueue_dma source(%dma_start3A_75 : memref<16xi32, #tpu.memory_space<hbm>>) target(%arg12 : memref<16xi32, #tpu.memory_space<vmem>>) target_semaphore(%run_scoped3A : memref<!tpu.dma_semaphore, #tpu.memory_space<semaphore_mem>>)
        %dma_wait3A_76 = tpu.memref_slice %arg3[%add3A_67] : memref<160000xi32, #tpu.memory_space<hbm>> -> memref<16xi32, #tpu.memory_space<hbm>>
        %dma_wait3A_77 = tpu.memref_slice %arg3[%add3A_67] : memref<160000xi32, #tpu.memory_space<hbm>> -> memref<16xi32, #tpu.memory_space<hbm>>
        tpu.wait_dma2 semaphore(%run_scoped3A : memref<!tpu.dma_semaphore, #tpu.memory_space<semaphore_mem>>) src(%dma_wait3A_77 : memref<16xi32, #tpu.memory_space<hbm>>) dst(%arg12 : memref<16xi32, #tpu.memory_space<vmem>>)
        tpu.yield
      }) : () -> ()
      %dma_start3A_68 = arith.constant 0 : i32
      %dma_start3A_69 = arith.constant 0 : i32
      %dma_start3A_70 = tpu.memref_slice %arg5[%dma_start3A_68, %dma_start3A_69] : memref<10000x128xf32, #tpu.memory_space<hbm>> -> memref<10000x128xf32, #tpu.memory_space<hbm>>
      tpu.enqueue_indirect_dma source(%dma_start3A_70 : memref<10000x128xf32, #tpu.memory_space<hbm>>) target(%arg13 : memref<16x128xf32, #tpu.memory_space<vmem>>) offsets(%arg11 : memref<16xi32, #tpu.memory_space<vmem>>) semaphore(%arg19 : memref<!tpu.dma_semaphore, #tpu.memory_space<semaphore_mem>>)
      %dma_wait3A_71 = arith.constant 0 : i32
      %dma_wait3A_72 = arith.constant 0 : i32
      %dma_wait3A_73 = tpu.memref_slice %arg5[%dma_wait3A_71, %dma_wait3A_72] : memref<10000x128xf32, #tpu.memory_space<hbm>> -> memref<10000x128xf32, #tpu.memory_space<hbm>>
      tpu.wait_indirect_dma semaphore(%arg19 : memref<!tpu.dma_semaphore, #tpu.memory_space<semaphore_mem>>) src(%dma_wait3A_73 : memref<10000x128xf32, #tpu.memory_space<hbm>>) dst(%arg13 : memref<16x128xf32, #tpu.memory_space<vmem>>)
      "tpu.region"() ({
        %run_scoped3A = tpu.sem_alloc : memref<!tpu.dma_semaphore, #tpu.memory_space<semaphore_mem>>
        %dma_start3A_74 = arith.constant 0 : i32
        %dma_start3A_75 = arith.constant 0 : i32
        %dma_start3A_76 = tpu.memref_slice %arg16[%dma_start3A_74, %dma_start3A_75] : memref<10000x128xf32, #tpu.memory_space<vmem_shared>> -> memref<10000x128xf32, #tpu.memory_space<vmem_shared>>
        tpu.enqueue_indirect_dma source(%arg13 : memref<16x128xf32, #tpu.memory_space<vmem>>) target(%dma_start3A_76 : memref<10000x128xf32, #tpu.memory_space<vmem_shared>>) offsets(%arg12 : memref<16xi32, #tpu.memory_space<vmem>>) semaphore(%run_scoped3A : memref<!tpu.dma_semaphore, #tpu.memory_space<semaphore_mem>>) {add = true}
        %dma_wait3A_77 = arith.constant 0 : i32
        %dma_wait3A_78 = arith.constant 0 : i32
        %dma_wait3A_79 = tpu.memref_slice %arg16[%dma_wait3A_77, %dma_wait3A_78] : memref<10000x128xf32, #tpu.memory_space<vmem_shared>> -> memref<10000x128xf32, #tpu.memory_space<vmem_shared>>
        tpu.wait_indirect_dma semaphore(%run_scoped3A : memref<!tpu.dma_semaphore, #tpu.memory_space<semaphore_mem>>) src(%arg13 : memref<16x128xf32, #tpu.memory_space<vmem>>) dst(%dma_wait3A_79 : memref<10000x128xf32, #tpu.memory_space<vmem_shared>>)
        tpu.yield
      }) : () -> ()
    } else {
    }
    %barrier3A_21 = arith.constant 0 : index
    tpu.barrier barrier_id(%barrier3A_21)
    %eq3A_22 = arith.constant 0 : i32
    %eq3A_23 = arith.cmpi eq, %arg0, %eq3A_22 : i32
    %convert_element_type3A_24 = arith.extui %eq3A_23 : i1 to i32
    %cond3A_25 = arith.constant 0 : i32
    %cond3A_26 = arith.cmpi ne, %convert_element_type3A_24, %cond3A_25 : i32
    scf.if %cond3A_26 {
      "tpu.region"() ({
        %run_scoped3A = tpu.sem_alloc : memref<!tpu.dma_semaphore, #tpu.memory_space<semaphore_mem>>
        %dma_start3A_37 = arith.constant 0 : i32
        %dma_start3A_38 = tpu.memref_slice %arg7[%mul3A_0, %dma_start3A_37] : memref<10000x128xf32, #tpu.memory_space<hbm>> -> memref<624x128xf32, #tpu.memory_space<hbm>>
        %dma_start3A_39 = arith.constant 0 : i32
        %dma_start3A_40 = tpu.memref_slice %arg16[%mul3A_0, %dma_start3A_39] : memref<10000x128xf32, #tpu.memory_space<vmem_shared>> -> memref<624x128xf32, #tpu.memory_space<vmem_shared>>
        tpu.enqueue_dma source(%dma_start3A_40 : memref<624x128xf32, #tpu.memory_space<vmem_shared>>) target(%dma_start3A_38 : memref<624x128xf32, #tpu.memory_space<hbm>>) target_semaphore(%run_scoped3A : memref<!tpu.dma_semaphore, #tpu.memory_space<semaphore_mem>>)
        %dma_wait3A_41 = arith.constant 0 : i32
        %dma_wait3A_42 = tpu.memref_slice %arg7[%mul3A_0, %dma_wait3A_41] : memref<10000x128xf32, #tpu.memory_space<hbm>> -> memref<624x128xf32, #tpu.memory_space<hbm>>
        %dma_wait3A_43 = arith.constant 0 : i32
        %dma_wait3A_44 = tpu.memref_slice %arg16[%mul3A_0, %dma_wait3A_43] : memref<10000x128xf32, #tpu.memory_space<vmem_shared>> -> memref<624x128xf32, #tpu.memory_space<vmem_shared>>
        tpu.wait_dma2 semaphore(%run_scoped3A : memref<!tpu.dma_semaphore, #tpu.memory_space<semaphore_mem>>) src(%dma_wait3A_44 : memref<624x128xf32, #tpu.memory_space<vmem_shared>>) dst(%dma_wait3A_42 : memref<624x128xf32, #tpu.memory_space<hbm>>)
        tpu.yield
      }) : () -> ()
      %eq3A_32 = arith.constant 15 : i32
      %eq3A_33 = arith.cmpi eq, %arg1, %eq3A_32 : i32
      %convert_element_type3A_34 = arith.extui %eq3A_33 : i1 to i32
      %cond3A_35 = arith.constant 0 : i32
      %cond3A_36 = arith.cmpi ne, %convert_element_type3A_34, %cond3A_35 : i32
      scf.if %cond3A_36 {
        "tpu.region"() ({
          %run_scoped3A = tpu.sem_alloc : memref<!tpu.dma_semaphore, #tpu.memory_space<semaphore_mem>>
          %dma_start3A_37 = arith.constant 9984 : i32
          %dma_start3A_38 = arith.constant 0 : i32
          %dma_start3A_39 = tpu.memref_slice %arg7[%dma_start3A_37, %dma_start3A_38] : memref<10000x128xf32, #tpu.memory_space<hbm>> -> memref<16x128xf32, #tpu.memory_space<hbm>>
          %dma_start3A_40 = arith.constant 9984 : i32
          %dma_start3A_41 = arith.constant 0 : i32
          %dma_start3A_42 = tpu.memref_slice %arg16[%dma_start3A_40, %dma_start3A_41] : memref<10000x128xf32, #tpu.memory_space<vmem_shared>> -> memref<16x128xf32, #tpu.memory_space<vmem_shared>>
          tpu.enqueue_dma source(%dma_start3A_42 : memref<16x128xf32, #tpu.memory_space<vmem_shared>>) target(%dma_start3A_39 : memref<16x128xf32, #tpu.memory_space<hbm>>) target_semaphore(%run_scoped3A : memref<!tpu.dma_semaphore, #tpu.memory_space<semaphore_mem>>)
          %dma_wait3A_43 = arith.constant 9984 : i32
          %dma_wait3A_44 = arith.constant 0 : i32
          %dma_wait3A_45 = tpu.memref_slice %arg7[%dma_wait3A_43, %dma_wait3A_44] : memref<10000x128xf32, #tpu.memory_space<hbm>> -> memref<16x128xf32, #tpu.memory_space<hbm>>
          %dma_wait3A_46 = arith.constant 9984 : i32
          %dma_wait3A_47 = arith.constant 0 : i32
          %dma_wait3A_48 = tpu.memref_slice %arg16[%dma_wait3A_46, %dma_wait3A_47] : memref<10000x128xf32, #tpu.memory_space<vmem_shared>> -> memref<16x128xf32, #tpu.memory_space<vmem_shared>>
          tpu.wait_dma2 semaphore(%run_scoped3A : memref<!tpu.dma_semaphore, #tpu.memory_space<semaphore_mem>>) src(%dma_wait3A_48 : memref<16x128xf32, #tpu.memory_space<vmem_shared>>) dst(%dma_wait3A_45 : memref<16x128xf32, #tpu.memory_space<hbm>>)
          tpu.yield
        }) : () -> ()
      } else {
      }
    } else {
    }
    %eq3A_27 = arith.constant 1 : i32
    %eq3A_28 = arith.cmpi eq, %arg0, %eq3A_27 : i32
    %convert_element_type3A_29 = arith.extui %eq3A_28 : i1 to i32
    %cond3A_30 = arith.constant 0 : i32
    %cond3A_31 = arith.cmpi ne, %convert_element_type3A_29, %cond3A_30 : i32
    scf.if %cond3A_31 {
      "tpu.region"() ({
        %run_scoped3A = tpu.sem_alloc : memref<!tpu.dma_semaphore, #tpu.memory_space<semaphore_mem>>
        %dma_start3A_37 = arith.constant 0 : i32
        %dma_start3A_38 = tpu.memref_slice %arg8[%mul3A_0, %dma_start3A_37] : memref<10000x128xf32, #tpu.memory_space<hbm>> -> memref<624x128xf32, #tpu.memory_space<hbm>>
        %dma_start3A_39 = arith.constant 0 : i32
        %dma_start3A_40 = tpu.memref_slice %arg16[%mul3A_0, %dma_start3A_39] : memref<10000x128xf32, #tpu.memory_space<vmem_shared>> -> memref<624x128xf32, #tpu.memory_space<vmem_shared>>
        tpu.enqueue_dma source(%dma_start3A_40 : memref<624x128xf32, #tpu.memory_space<vmem_shared>>) target(%dma_start3A_38 : memref<624x128xf32, #tpu.memory_space<hbm>>) target_semaphore(%run_scoped3A : memref<!tpu.dma_semaphore, #tpu.memory_space<semaphore_mem>>)
        %dma_wait3A_41 = arith.constant 0 : i32
        %dma_wait3A_42 = tpu.memref_slice %arg8[%mul3A_0, %dma_wait3A_41] : memref<10000x128xf32, #tpu.memory_space<hbm>> -> memref<624x128xf32, #tpu.memory_space<hbm>>
        %dma_wait3A_43 = arith.constant 0 : i32
        %dma_wait3A_44 = tpu.memref_slice %arg16[%mul3A_0, %dma_wait3A_43] : memref<10000x128xf32, #tpu.memory_space<vmem_shared>> -> memref<624x128xf32, #tpu.memory_space<vmem_shared>>
        tpu.wait_dma2 semaphore(%run_scoped3A : memref<!tpu.dma_semaphore, #tpu.memory_space<semaphore_mem>>) src(%dma_wait3A_44 : memref<624x128xf32, #tpu.memory_space<vmem_shared>>) dst(%dma_wait3A_42 : memref<624x128xf32, #tpu.memory_space<hbm>>)
        tpu.yield
      }) : () -> ()
      %eq3A_32 = arith.constant 15 : i32
      %eq3A_33 = arith.cmpi eq, %arg1, %eq3A_32 : i32
      %convert_element_type3A_34 = arith.extui %eq3A_33 : i1 to i32
      %cond3A_35 = arith.constant 0 : i32
      %cond3A_36 = arith.cmpi ne, %convert_element_type3A_34, %cond3A_35 : i32
      scf.if %cond3A_36 {
        "tpu.region"() ({
          %run_scoped3A = tpu.sem_alloc : memref<!tpu.dma_semaphore, #tpu.memory_space<semaphore_mem>>
          %dma_start3A_37 = arith.constant 9984 : i32
          %dma_start3A_38 = arith.constant 0 : i32
          %dma_start3A_39 = tpu.memref_slice %arg8[%dma_start3A_37, %dma_start3A_38] : memref<10000x128xf32, #tpu.memory_space<hbm>> -> memref<16x128xf32, #tpu.memory_space<hbm>>
          %dma_start3A_40 = arith.constant 9984 : i32
          %dma_start3A_41 = arith.constant 0 : i32
          %dma_start3A_42 = tpu.memref_slice %arg16[%dma_start3A_40, %dma_start3A_41] : memref<10000x128xf32, #tpu.memory_space<vmem_shared>> -> memref<16x128xf32, #tpu.memory_space<vmem_shared>>
          tpu.enqueue_dma source(%dma_start3A_42 : memref<16x128xf32, #tpu.memory_space<vmem_shared>>) target(%dma_start3A_39 : memref<16x128xf32, #tpu.memory_space<hbm>>) target_semaphore(%run_scoped3A : memref<!tpu.dma_semaphore, #tpu.memory_space<semaphore_mem>>)
          %dma_wait3A_43 = arith.constant 9984 : i32
          %dma_wait3A_44 = arith.constant 0 : i32
          %dma_wait3A_45 = tpu.memref_slice %arg8[%dma_wait3A_43, %dma_wait3A_44] : memref<10000x128xf32, #tpu.memory_space<hbm>> -> memref<16x128xf32, #tpu.memory_space<hbm>>
          %dma_wait3A_46 = arith.constant 9984 : i32
          %dma_wait3A_47 = arith.constant 0 : i32
          %dma_wait3A_48 = tpu.memref_slice %arg16[%dma_wait3A_46, %dma_wait3A_47] : memref<10000x128xf32, #tpu.memory_space<vmem_shared>> -> memref<16x128xf32, #tpu.memory_space<vmem_shared>>
          tpu.wait_dma2 semaphore(%run_scoped3A : memref<!tpu.dma_semaphore, #tpu.memory_space<semaphore_mem>>) src(%dma_wait3A_48 : memref<16x128xf32, #tpu.memory_space<vmem_shared>>) dst(%dma_wait3A_45 : memref<16x128xf32, #tpu.memory_space<hbm>>)
          tpu.yield
        }) : () -> ()
      } else {
      }
    } else {
    }
    return
  }
}

#map = affine_map<(d0, d1) -> (0)>
#map1 = affine_map<(d0, d1) -> (0, 0)>
module attributes {stable_mosaic.version = 14 : i64} {
  func.func @hist(%arg0: i32, %arg1: i32, %arg2: memref<160000xi32, #tpu.memory_space<hbm>>, %arg3: memref<10000x128xf32, #tpu.memory_space<hbm>>, %arg4: memref<128x128xf32, #tpu.memory_space<hbm>>, %arg5: memref<10000x128xf32, #tpu.memory_space<hbm>>, %arg6: memref<10000x128xf32, #tpu.memory_space<hbm>>, %arg7: memref<5000xi32, #tpu.memory_space<vmem>>, %arg8: memref<128x128xf32, #tpu.memory_space<vmem>>, %arg9: memref<10000x128xf32, #tpu.memory_space<vmem_shared>>, %arg10: memref<!tpu.dma_semaphore, #tpu.memory_space<semaphore_mem>>, %arg11: memref<!tpu.dma_semaphore, #tpu.memory_space<semaphore_mem>>) attributes {dimension_semantics = [#tpu.dimension_semantics<core_parallel>, #tpu.dimension_semantics<subcore_parallel>], iteration_bounds = array<i64: 2, 16>, scalar_prefetch = 0 : i64, scratch_operands = 5 : i64, tpu.core_type = #tpu.core_type<sc_vector_subcore>, window_params = [{transform_indices = #map}, {transform_indices = #map1}, {transform_indices = #map1}, {transform_indices = #map1}, {transform_indices = #map1}]} {
    %mul3A = arith.constant 624 : i32
    %mul3A_0 = arith.muli %arg1, %mul3A : i32
    %mul3A_1 = arith.constant 16 : i32
    %mul3A_2 = arith.muli %arg0, %mul3A_1 : i32
    %add3A = arith.addi %mul3A_2, %arg1 : i32
    %mul3A_3 = arith.constant 5000 : i32
    %mul3A_4 = arith.muli %add3A, %mul3A_3 : i32
    %dma_start3A = tpu.memref_slice %arg2[%mul3A_4] : memref<160000xi32, #tpu.memory_space<hbm>> -> memref<5000xi32, #tpu.memory_space<hbm>>
    %dma_start3A_5 = tpu.memref_slice %arg2[%mul3A_4] : memref<160000xi32, #tpu.memory_space<hbm>> -> memref<5000xi32, #tpu.memory_space<hbm>>
    tpu.enqueue_dma source(%dma_start3A_5 : memref<5000xi32, #tpu.memory_space<hbm>>) target(%arg7 : memref<5000xi32, #tpu.memory_space<vmem>>) target_semaphore(%arg11 : memref<!tpu.dma_semaphore, #tpu.memory_space<semaphore_mem>>)
    "tpu.region"() ({
      %run_scoped3A = tpu.sem_alloc : memref<!tpu.dma_semaphore, #tpu.memory_space<semaphore_mem>>
      %dma_start3A_47 = arith.constant 0 : i32
      %dma_start3A_48 = tpu.memref_slice %arg9[%mul3A_0, %dma_start3A_47] : memref<10000x128xf32, #tpu.memory_space<vmem_shared>> -> memref<624x128xf32, #tpu.memory_space<vmem_shared>>
      %dma_start3A_49 = arith.constant 0 : i32
      %dma_start3A_50 = tpu.memref_slice %arg3[%mul3A_0, %dma_start3A_49] : memref<10000x128xf32, #tpu.memory_space<hbm>> -> memref<624x128xf32, #tpu.memory_space<hbm>>
      tpu.enqueue_dma source(%dma_start3A_50 : memref<624x128xf32, #tpu.memory_space<hbm>>) target(%dma_start3A_48 : memref<624x128xf32, #tpu.memory_space<vmem_shared>>) target_semaphore(%run_scoped3A : memref<!tpu.dma_semaphore, #tpu.memory_space<semaphore_mem>>)
      %dma_wait3A_51 = arith.constant 0 : i32
      %dma_wait3A_52 = tpu.memref_slice %arg9[%mul3A_0, %dma_wait3A_51] : memref<10000x128xf32, #tpu.memory_space<vmem_shared>> -> memref<624x128xf32, #tpu.memory_space<vmem_shared>>
      %dma_wait3A_53 = arith.constant 0 : i32
      %dma_wait3A_54 = tpu.memref_slice %arg3[%mul3A_0, %dma_wait3A_53] : memref<10000x128xf32, #tpu.memory_space<hbm>> -> memref<624x128xf32, #tpu.memory_space<hbm>>
      tpu.wait_dma2 semaphore(%run_scoped3A : memref<!tpu.dma_semaphore, #tpu.memory_space<semaphore_mem>>) src(%dma_wait3A_54 : memref<624x128xf32, #tpu.memory_space<hbm>>) dst(%dma_wait3A_52 : memref<624x128xf32, #tpu.memory_space<vmem_shared>>)
      tpu.yield
    }) : () -> ()
    %eq3A = arith.constant 15 : i32
    %eq3A_6 = arith.cmpi eq, %arg1, %eq3A : i32
    %convert_element_type3A = arith.extui %eq3A_6 : i1 to i32
    %cond3A = arith.constant 0 : i32
    %cond3A_7 = arith.cmpi ne, %convert_element_type3A, %cond3A : i32
    scf.if %cond3A_7 {
      "tpu.region"() ({
        %run_scoped3A = tpu.sem_alloc : memref<!tpu.dma_semaphore, #tpu.memory_space<semaphore_mem>>
        %dma_start3A_47 = arith.constant 9984 : i32
        %dma_start3A_48 = arith.constant 0 : i32
        %dma_start3A_49 = tpu.memref_slice %arg9[%dma_start3A_47, %dma_start3A_48] : memref<10000x128xf32, #tpu.memory_space<vmem_shared>> -> memref<16x128xf32, #tpu.memory_space<vmem_shared>>
        %dma_start3A_50 = arith.constant 9984 : i32
        %dma_start3A_51 = arith.constant 0 : i32
        %dma_start3A_52 = tpu.memref_slice %arg3[%dma_start3A_50, %dma_start3A_51] : memref<10000x128xf32, #tpu.memory_space<hbm>> -> memref<16x128xf32, #tpu.memory_space<hbm>>
        tpu.enqueue_dma source(%dma_start3A_52 : memref<16x128xf32, #tpu.memory_space<hbm>>) target(%dma_start3A_49 : memref<16x128xf32, #tpu.memory_space<vmem_shared>>) target_semaphore(%run_scoped3A : memref<!tpu.dma_semaphore, #tpu.memory_space<semaphore_mem>>)
        %dma_wait3A_53 = arith.constant 9984 : i32
        %dma_wait3A_54 = arith.constant 0 : i32
        %dma_wait3A_55 = tpu.memref_slice %arg9[%dma_wait3A_53, %dma_wait3A_54] : memref<10000x128xf32, #tpu.memory_space<vmem_shared>> -> memref<16x128xf32, #tpu.memory_space<vmem_shared>>
        %dma_wait3A_56 = arith.constant 9984 : i32
        %dma_wait3A_57 = arith.constant 0 : i32
        %dma_wait3A_58 = tpu.memref_slice %arg3[%dma_wait3A_56, %dma_wait3A_57] : memref<10000x128xf32, #tpu.memory_space<hbm>> -> memref<16x128xf32, #tpu.memory_space<hbm>>
        tpu.wait_dma2 semaphore(%run_scoped3A : memref<!tpu.dma_semaphore, #tpu.memory_space<semaphore_mem>>) src(%dma_wait3A_58 : memref<16x128xf32, #tpu.memory_space<hbm>>) dst(%dma_wait3A_55 : memref<16x128xf32, #tpu.memory_space<vmem_shared>>)
        tpu.yield
      }) : () -> ()
    } else {
    }
    "tpu.region"() ({
      %run_scoped3A = tpu.sem_alloc : memref<!tpu.dma_semaphore, #tpu.memory_space<semaphore_mem>>
      tpu.enqueue_dma source(%arg4 : memref<128x128xf32, #tpu.memory_space<hbm>>) target(%arg8 : memref<128x128xf32, #tpu.memory_space<vmem>>) target_semaphore(%run_scoped3A : memref<!tpu.dma_semaphore, #tpu.memory_space<semaphore_mem>>)
      tpu.wait_dma2 semaphore(%run_scoped3A : memref<!tpu.dma_semaphore, #tpu.memory_space<semaphore_mem>>) src(%arg4 : memref<128x128xf32, #tpu.memory_space<hbm>>) dst(%arg8 : memref<128x128xf32, #tpu.memory_space<vmem>>)
      tpu.yield
    }) : () -> ()
    %dma_wait3A = tpu.memref_slice %arg2[%mul3A_4] : memref<160000xi32, #tpu.memory_space<hbm>> -> memref<5000xi32, #tpu.memory_space<hbm>>
    %dma_wait3A_8 = tpu.memref_slice %arg2[%mul3A_4] : memref<160000xi32, #tpu.memory_space<hbm>> -> memref<5000xi32, #tpu.memory_space<hbm>>
    tpu.wait_dma2 semaphore(%arg11 : memref<!tpu.dma_semaphore, #tpu.memory_space<semaphore_mem>>) src(%dma_wait3A_8 : memref<5000xi32, #tpu.memory_space<hbm>>) dst(%arg7 : memref<5000xi32, #tpu.memory_space<vmem>>)
    %barrier3A = arith.constant 0 : index
    tpu.barrier barrier_id(%barrier3A)
    %scan3A = arith.constant 0 : i32
    %scan3A_9 = arith.constant 0 : i32
    %scan3A_10 = arith.constant 39 : i32
    %scan3A_11 = arith.addi %scan3A_9, %scan3A_10 : i32
    %scan3A_12 = arith.constant 1 : i32
    scf.for %scan3A_47 = %scan3A_9 to %scan3A_11 step %scan3A_12  : i32 {
      %mul3A_48 = arith.constant 128 : i32
      %mul3A_49 = arith.muli %scan3A_47, %mul3A_48 : i32
      %dma_start3A_50 = tpu.memref_slice %arg7[%mul3A_49] : memref<5000xi32, #tpu.memory_space<vmem>> -> memref<128xi32, #tpu.memory_space<vmem>>
      %dma_start3A_51 = arith.constant 0 : i32
      %dma_start3A_52 = arith.constant 0 : i32
      %dma_start3A_53 = tpu.memref_slice %arg9[%dma_start3A_51, %dma_start3A_52] : memref<10000x128xf32, #tpu.memory_space<vmem_shared>> -> memref<10000x128xf32, #tpu.memory_space<vmem_shared>>
      tpu.enqueue_indirect_dma source(%arg8 : memref<128x128xf32, #tpu.memory_space<vmem>>) target(%dma_start3A_53 : memref<10000x128xf32, #tpu.memory_space<vmem_shared>>) offsets(%dma_start3A_50 : memref<128xi32, #tpu.memory_space<vmem>>) semaphore(%arg10 : memref<!tpu.dma_semaphore, #tpu.memory_space<semaphore_mem>>) {add = true}
      %ge3A = arith.constant 16 : i32
      %ge3A_54 = arith.cmpi sge, %scan3A_47, %ge3A : i32
      %convert_element_type3A_55 = arith.extui %ge3A_54 : i1 to i32
      %cond3A_56 = arith.constant 0 : i32
      %cond3A_57 = arith.cmpi ne, %convert_element_type3A_55, %cond3A_56 : i32
      scf.if %cond3A_57 {
        %dma_wait3A_58 = arith.constant 0 : i32
        %dma_wait3A_59 = tpu.memref_slice %arg7[%dma_wait3A_58] : memref<5000xi32, #tpu.memory_space<vmem>> -> memref<128xi32, #tpu.memory_space<vmem>>
        %dma_wait3A_60 = arith.constant 0 : i32
        %dma_wait3A_61 = arith.constant 0 : i32
        %dma_wait3A_62 = tpu.memref_slice %arg9[%dma_wait3A_60, %dma_wait3A_61] : memref<10000x128xf32, #tpu.memory_space<vmem_shared>> -> memref<10000x128xf32, #tpu.memory_space<vmem_shared>>
        tpu.wait_indirect_dma semaphore(%arg10 : memref<!tpu.dma_semaphore, #tpu.memory_space<semaphore_mem>>) src(%arg8 : memref<128x128xf32, #tpu.memory_space<vmem>>) dst(%dma_wait3A_62 : memref<10000x128xf32, #tpu.memory_space<vmem_shared>>)
      } else {
      }
    }
    %scan3A_13 = arith.constant 39 : i32
    %scan3A_14 = arith.constant 0 : i32
    %scan3A_15 = arith.constant 0 : i32
    %scan3A_16 = arith.constant 16 : i32
    %scan3A_17 = arith.addi %scan3A_15, %scan3A_16 : i32
    %scan3A_18 = arith.constant 1 : i32
    scf.for %scan3A_47 = %scan3A_15 to %scan3A_17 step %scan3A_18  : i32 {
      %dma_wait3A_48 = arith.constant 0 : i32
      %dma_wait3A_49 = tpu.memref_slice %arg7[%dma_wait3A_48] : memref<5000xi32, #tpu.memory_space<vmem>> -> memref<128xi32, #tpu.memory_space<vmem>>
      %dma_wait3A_50 = arith.constant 0 : i32
      %dma_wait3A_51 = arith.constant 0 : i32
      %dma_wait3A_52 = tpu.memref_slice %arg9[%dma_wait3A_50, %dma_wait3A_51] : memref<10000x128xf32, #tpu.memory_space<vmem_shared>> -> memref<10000x128xf32, #tpu.memory_space<vmem_shared>>
      tpu.wait_indirect_dma semaphore(%arg10 : memref<!tpu.dma_semaphore, #tpu.memory_space<semaphore_mem>>) src(%arg8 : memref<128x128xf32, #tpu.memory_space<vmem>>) dst(%dma_wait3A_52 : memref<10000x128xf32, #tpu.memory_space<vmem_shared>>)
    }
    %scan3A_19 = arith.constant 16 : i32
    %dma_start3A_20 = arith.constant 0 : i32
    %dma_start3A_21 = arith.constant 0 : i32
    %dma_start3A_22 = tpu.memref_slice %arg8[%dma_start3A_20, %dma_start3A_21] : memref<128x128xf32, #tpu.memory_space<vmem>> -> memref<8x128xf32, #tpu.memory_space<vmem>>
    %dma_start3A_23 = arith.constant 4992 : i32
    %dma_start3A_24 = tpu.memref_slice %arg7[%dma_start3A_23] : memref<5000xi32, #tpu.memory_space<vmem>> -> memref<8xi32, #tpu.memory_space<vmem>>
    %dma_start3A_25 = arith.constant 0 : i32
    %dma_start3A_26 = arith.constant 0 : i32
    %dma_start3A_27 = tpu.memref_slice %arg9[%dma_start3A_25, %dma_start3A_26] : memref<10000x128xf32, #tpu.memory_space<vmem_shared>> -> memref<10000x128xf32, #tpu.memory_space<vmem_shared>>
    tpu.enqueue_indirect_dma source(%dma_start3A_22 : memref<8x128xf32, #tpu.memory_space<vmem>>) target(%dma_start3A_27 : memref<10000x128xf32, #tpu.memory_space<vmem_shared>>) offsets(%dma_start3A_24 : memref<8xi32, #tpu.memory_space<vmem>>) semaphore(%arg11 : memref<!tpu.dma_semaphore, #tpu.memory_space<semaphore_mem>>) {add = true}
    %dma_wait3A_28 = arith.constant 0 : i32
    %dma_wait3A_29 = arith.constant 0 : i32
    %dma_wait3A_30 = tpu.memref_slice %arg8[%dma_wait3A_28, %dma_wait3A_29] : memref<128x128xf32, #tpu.memory_space<vmem>> -> memref<8x128xf32, #tpu.memory_space<vmem>>
    %dma_wait3A_31 = arith.constant 4992 : i32
    %dma_wait3A_32 = tpu.memref_slice %arg7[%dma_wait3A_31] : memref<5000xi32, #tpu.memory_space<vmem>> -> memref<8xi32, #tpu.memory_space<vmem>>
    %dma_wait3A_33 = arith.constant 0 : i32
    %dma_wait3A_34 = arith.constant 0 : i32
    %dma_wait3A_35 = tpu.memref_slice %arg9[%dma_wait3A_33, %dma_wait3A_34] : memref<10000x128xf32, #tpu.memory_space<vmem_shared>> -> memref<10000x128xf32, #tpu.memory_space<vmem_shared>>
    tpu.wait_indirect_dma semaphore(%arg11 : memref<!tpu.dma_semaphore, #tpu.memory_space<semaphore_mem>>) src(%dma_wait3A_30 : memref<8x128xf32, #tpu.memory_space<vmem>>) dst(%dma_wait3A_35 : memref<10000x128xf32, #tpu.memory_space<vmem_shared>>)
    %barrier3A_36 = arith.constant 0 : index
    tpu.barrier barrier_id(%barrier3A_36)
    %eq3A_37 = arith.constant 0 : i32
    %eq3A_38 = arith.cmpi eq, %arg0, %eq3A_37 : i32
    %convert_element_type3A_39 = arith.extui %eq3A_38 : i1 to i32
    %cond3A_40 = arith.constant 0 : i32
    %cond3A_41 = arith.cmpi ne, %convert_element_type3A_39, %cond3A_40 : i32
    scf.if %cond3A_41 {
      "tpu.region"() ({
        %run_scoped3A = tpu.sem_alloc : memref<!tpu.dma_semaphore, #tpu.memory_space<semaphore_mem>>
        %dma_start3A_52 = arith.constant 0 : i32
        %dma_start3A_53 = tpu.memref_slice %arg5[%mul3A_0, %dma_start3A_52] : memref<10000x128xf32, #tpu.memory_space<hbm>> -> memref<624x128xf32, #tpu.memory_space<hbm>>
        %dma_start3A_54 = arith.constant 0 : i32
        %dma_start3A_55 = tpu.memref_slice %arg9[%mul3A_0, %dma_start3A_54] : memref<10000x128xf32, #tpu.memory_space<vmem_shared>> -> memref<624x128xf32, #tpu.memory_space<vmem_shared>>
        tpu.enqueue_dma source(%dma_start3A_55 : memref<624x128xf32, #tpu.memory_space<vmem_shared>>) target(%dma_start3A_53 : memref<624x128xf32, #tpu.memory_space<hbm>>) target_semaphore(%run_scoped3A : memref<!tpu.dma_semaphore, #tpu.memory_space<semaphore_mem>>)
        %dma_wait3A_56 = arith.constant 0 : i32
        %dma_wait3A_57 = tpu.memref_slice %arg5[%mul3A_0, %dma_wait3A_56] : memref<10000x128xf32, #tpu.memory_space<hbm>> -> memref<624x128xf32, #tpu.memory_space<hbm>>
        %dma_wait3A_58 = arith.constant 0 : i32
        %dma_wait3A_59 = tpu.memref_slice %arg9[%mul3A_0, %dma_wait3A_58] : memref<10000x128xf32, #tpu.memory_space<vmem_shared>> -> memref<624x128xf32, #tpu.memory_space<vmem_shared>>
        tpu.wait_dma2 semaphore(%run_scoped3A : memref<!tpu.dma_semaphore, #tpu.memory_space<semaphore_mem>>) src(%dma_wait3A_59 : memref<624x128xf32, #tpu.memory_space<vmem_shared>>) dst(%dma_wait3A_57 : memref<624x128xf32, #tpu.memory_space<hbm>>)
        tpu.yield
      }) : () -> ()
      %eq3A_47 = arith.constant 15 : i32
      %eq3A_48 = arith.cmpi eq, %arg1, %eq3A_47 : i32
      %convert_element_type3A_49 = arith.extui %eq3A_48 : i1 to i32
      %cond3A_50 = arith.constant 0 : i32
      %cond3A_51 = arith.cmpi ne, %convert_element_type3A_49, %cond3A_50 : i32
      scf.if %cond3A_51 {
        "tpu.region"() ({
          %run_scoped3A = tpu.sem_alloc : memref<!tpu.dma_semaphore, #tpu.memory_space<semaphore_mem>>
          %dma_start3A_52 = arith.constant 9984 : i32
          %dma_start3A_53 = arith.constant 0 : i32
          %dma_start3A_54 = tpu.memref_slice %arg5[%dma_start3A_52, %dma_start3A_53] : memref<10000x128xf32, #tpu.memory_space<hbm>> -> memref<16x128xf32, #tpu.memory_space<hbm>>
          %dma_start3A_55 = arith.constant 9984 : i32
          %dma_start3A_56 = arith.constant 0 : i32
          %dma_start3A_57 = tpu.memref_slice %arg9[%dma_start3A_55, %dma_start3A_56] : memref<10000x128xf32, #tpu.memory_space<vmem_shared>> -> memref<16x128xf32, #tpu.memory_space<vmem_shared>>
          tpu.enqueue_dma source(%dma_start3A_57 : memref<16x128xf32, #tpu.memory_space<vmem_shared>>) target(%dma_start3A_54 : memref<16x128xf32, #tpu.memory_space<hbm>>) target_semaphore(%run_scoped3A : memref<!tpu.dma_semaphore, #tpu.memory_space<semaphore_mem>>)
          %dma_wait3A_58 = arith.constant 9984 : i32
          %dma_wait3A_59 = arith.constant 0 : i32
          %dma_wait3A_60 = tpu.memref_slice %arg5[%dma_wait3A_58, %dma_wait3A_59] : memref<10000x128xf32, #tpu.memory_space<hbm>> -> memref<16x128xf32, #tpu.memory_space<hbm>>
          %dma_wait3A_61 = arith.constant 9984 : i32
          %dma_wait3A_62 = arith.constant 0 : i32
          %dma_wait3A_63 = tpu.memref_slice %arg9[%dma_wait3A_61, %dma_wait3A_62] : memref<10000x128xf32, #tpu.memory_space<vmem_shared>> -> memref<16x128xf32, #tpu.memory_space<vmem_shared>>
          tpu.wait_dma2 semaphore(%run_scoped3A : memref<!tpu.dma_semaphore, #tpu.memory_space<semaphore_mem>>) src(%dma_wait3A_63 : memref<16x128xf32, #tpu.memory_space<vmem_shared>>) dst(%dma_wait3A_60 : memref<16x128xf32, #tpu.memory_space<hbm>>)
          tpu.yield
        }) : () -> ()
      } else {
      }
    } else {
    }
    %eq3A_42 = arith.constant 1 : i32
    %eq3A_43 = arith.cmpi eq, %arg0, %eq3A_42 : i32
    %convert_element_type3A_44 = arith.extui %eq3A_43 : i1 to i32
    %cond3A_45 = arith.constant 0 : i32
    %cond3A_46 = arith.cmpi ne, %convert_element_type3A_44, %cond3A_45 : i32
    scf.if %cond3A_46 {
      "tpu.region"() ({
        %run_scoped3A = tpu.sem_alloc : memref<!tpu.dma_semaphore, #tpu.memory_space<semaphore_mem>>
        %dma_start3A_52 = arith.constant 0 : i32
        %dma_start3A_53 = tpu.memref_slice %arg6[%mul3A_0, %dma_start3A_52] : memref<10000x128xf32, #tpu.memory_space<hbm>> -> memref<624x128xf32, #tpu.memory_space<hbm>>
        %dma_start3A_54 = arith.constant 0 : i32
        %dma_start3A_55 = tpu.memref_slice %arg9[%mul3A_0, %dma_start3A_54] : memref<10000x128xf32, #tpu.memory_space<vmem_shared>> -> memref<624x128xf32, #tpu.memory_space<vmem_shared>>
        tpu.enqueue_dma source(%dma_start3A_55 : memref<624x128xf32, #tpu.memory_space<vmem_shared>>) target(%dma_start3A_53 : memref<624x128xf32, #tpu.memory_space<hbm>>) target_semaphore(%run_scoped3A : memref<!tpu.dma_semaphore, #tpu.memory_space<semaphore_mem>>)
        %dma_wait3A_56 = arith.constant 0 : i32
        %dma_wait3A_57 = tpu.memref_slice %arg6[%mul3A_0, %dma_wait3A_56] : memref<10000x128xf32, #tpu.memory_space<hbm>> -> memref<624x128xf32, #tpu.memory_space<hbm>>
        %dma_wait3A_58 = arith.constant 0 : i32
        %dma_wait3A_59 = tpu.memref_slice %arg9[%mul3A_0, %dma_wait3A_58] : memref<10000x128xf32, #tpu.memory_space<vmem_shared>> -> memref<624x128xf32, #tpu.memory_space<vmem_shared>>
        tpu.wait_dma2 semaphore(%run_scoped3A : memref<!tpu.dma_semaphore, #tpu.memory_space<semaphore_mem>>) src(%dma_wait3A_59 : memref<624x128xf32, #tpu.memory_space<vmem_shared>>) dst(%dma_wait3A_57 : memref<624x128xf32, #tpu.memory_space<hbm>>)
        tpu.yield
      }) : () -> ()
      %eq3A_47 = arith.constant 15 : i32
      %eq3A_48 = arith.cmpi eq, %arg1, %eq3A_47 : i32
      %convert_element_type3A_49 = arith.extui %eq3A_48 : i1 to i32
      %cond3A_50 = arith.constant 0 : i32
      %cond3A_51 = arith.cmpi ne, %convert_element_type3A_49, %cond3A_50 : i32
      scf.if %cond3A_51 {
        "tpu.region"() ({
          %run_scoped3A = tpu.sem_alloc : memref<!tpu.dma_semaphore, #tpu.memory_space<semaphore_mem>>
          %dma_start3A_52 = arith.constant 9984 : i32
          %dma_start3A_53 = arith.constant 0 : i32
          %dma_start3A_54 = tpu.memref_slice %arg6[%dma_start3A_52, %dma_start3A_53] : memref<10000x128xf32, #tpu.memory_space<hbm>> -> memref<16x128xf32, #tpu.memory_space<hbm>>
          %dma_start3A_55 = arith.constant 9984 : i32
          %dma_start3A_56 = arith.constant 0 : i32
          %dma_start3A_57 = tpu.memref_slice %arg9[%dma_start3A_55, %dma_start3A_56] : memref<10000x128xf32, #tpu.memory_space<vmem_shared>> -> memref<16x128xf32, #tpu.memory_space<vmem_shared>>
          tpu.enqueue_dma source(%dma_start3A_57 : memref<16x128xf32, #tpu.memory_space<vmem_shared>>) target(%dma_start3A_54 : memref<16x128xf32, #tpu.memory_space<hbm>>) target_semaphore(%run_scoped3A : memref<!tpu.dma_semaphore, #tpu.memory_space<semaphore_mem>>)
          %dma_wait3A_58 = arith.constant 9984 : i32
          %dma_wait3A_59 = arith.constant 0 : i32
          %dma_wait3A_60 = tpu.memref_slice %arg6[%dma_wait3A_58, %dma_wait3A_59] : memref<10000x128xf32, #tpu.memory_space<hbm>> -> memref<16x128xf32, #tpu.memory_space<hbm>>
          %dma_wait3A_61 = arith.constant 9984 : i32
          %dma_wait3A_62 = arith.constant 0 : i32
          %dma_wait3A_63 = tpu.memref_slice %arg9[%dma_wait3A_61, %dma_wait3A_62] : memref<10000x128xf32, #tpu.memory_space<vmem_shared>> -> memref<16x128xf32, #tpu.memory_space<vmem_shared>>
          tpu.wait_dma2 semaphore(%run_scoped3A : memref<!tpu.dma_semaphore, #tpu.memory_space<semaphore_mem>>) src(%dma_wait3A_63 : memref<16x128xf32, #tpu.memory_space<vmem_shared>>) dst(%dma_wait3A_60 : memref<16x128xf32, #tpu.memory_space<hbm>>)
          tpu.yield
        }) : () -> ()
      } else {
      }
    } else {
    }
    return
  }
}

#map = affine_map<(d0, d1) -> (0)>
#map1 = affine_map<(d0, d1) -> (0, 0)>
module attributes {stable_mosaic.version = 14 : i64} {
  func.func @scatter(%arg0: i32, %arg1: i32, %arg2: memref<160000xi32, #tpu.memory_space<hbm>>, %arg3: memref<160000xi32, #tpu.memory_space<hbm>>, %arg4: memref<10000x128xf32, #tpu.memory_space<hbm>>, %arg5: memref<10000x128xf32, #tpu.memory_space<hbm>>, %arg6: memref<10000x128xf32, #tpu.memory_space<hbm>>, %arg7: memref<10000x128xf32, #tpu.memory_space<hbm>>, %arg8: memref<10000x128xf32, #tpu.memory_space<hbm>>, %arg9: memref<4992xi32, #tpu.memory_space<vmem>>, %arg10: memref<4992xi32, #tpu.memory_space<vmem>>, %arg11: memref<16xi32, #tpu.memory_space<vmem>>, %arg12: memref<16xi32, #tpu.memory_space<vmem>>, %arg13: memref<16x128xf32, #tpu.memory_space<vmem>>, %arg14: memref<128x128xf32, #tpu.memory_space<vmem>>, %arg15: memref<128x128xf32, #tpu.memory_space<vmem>>, %arg16: memref<10000x128xf32, #tpu.memory_space<vmem_shared>>, %arg17: memref<!tpu.dma_semaphore, #tpu.memory_space<semaphore_mem>>, %arg18: memref<!tpu.dma_semaphore, #tpu.memory_space<semaphore_mem>>, %arg19: memref<!tpu.dma_semaphore, #tpu.memory_space<semaphore_mem>>) attributes {dimension_semantics = [#tpu.dimension_semantics<core_parallel>, #tpu.dimension_semantics<subcore_parallel>], iteration_bounds = array<i64: 2, 16>, scalar_prefetch = 0 : i64, scratch_operands = 11 : i64, tpu.core_type = #tpu.core_type<sc_vector_subcore>, window_params = [{transform_indices = #map}, {transform_indices = #map}, {transform_indices = #map1}, {transform_indices = #map1}, {transform_indices = #map1}, {transform_indices = #map1}, {transform_indices = #map1}]} {
    %mul3A = arith.constant 624 : i32
    %mul3A_0 = arith.muli %arg1, %mul3A : i32
    %mul3A_1 = arith.constant 10000 : i32
    %mul3A_2 = arith.muli %arg1, %mul3A_1 : i32
    %dma_start3A = tpu.memref_slice %arg2[%mul3A_2] : memref<160000xi32, #tpu.memory_space<hbm>> -> memref<4992xi32, #tpu.memory_space<hbm>>
    %dma_start3A_3 = tpu.memref_slice %arg2[%mul3A_2] : memref<160000xi32, #tpu.memory_space<hbm>> -> memref<4992xi32, #tpu.memory_space<hbm>>
    tpu.enqueue_dma source(%dma_start3A_3 : memref<4992xi32, #tpu.memory_space<hbm>>) target(%arg9 : memref<4992xi32, #tpu.memory_space<vmem>>) target_semaphore(%arg19 : memref<!tpu.dma_semaphore, #tpu.memory_space<semaphore_mem>>)
    %dma_start3A_4 = tpu.memref_slice %arg3[%mul3A_2] : memref<160000xi32, #tpu.memory_space<hbm>> -> memref<4992xi32, #tpu.memory_space<hbm>>
    %dma_start3A_5 = tpu.memref_slice %arg3[%mul3A_2] : memref<160000xi32, #tpu.memory_space<hbm>> -> memref<4992xi32, #tpu.memory_space<hbm>>
    tpu.enqueue_dma source(%dma_start3A_5 : memref<4992xi32, #tpu.memory_space<hbm>>) target(%arg10 : memref<4992xi32, #tpu.memory_space<vmem>>) target_semaphore(%arg19 : memref<!tpu.dma_semaphore, #tpu.memory_space<semaphore_mem>>)
    "tpu.region"() ({
      %run_scoped3A = tpu.sem_alloc : memref<!tpu.dma_semaphore, #tpu.memory_space<semaphore_mem>>
      %dma_start3A_32 = arith.constant 0 : i32
      %dma_start3A_33 = tpu.memref_slice %arg16[%mul3A_0, %dma_start3A_32] : memref<10000x128xf32, #tpu.memory_space<vmem_shared>> -> memref<624x128xf32, #tpu.memory_space<vmem_shared>>
      %dma_start3A_34 = arith.constant 0 : i32
      %dma_start3A_35 = tpu.memref_slice %arg6[%mul3A_0, %dma_start3A_34] : memref<10000x128xf32, #tpu.memory_space<hbm>> -> memref<624x128xf32, #tpu.memory_space<hbm>>
      tpu.enqueue_dma source(%dma_start3A_35 : memref<624x128xf32, #tpu.memory_space<hbm>>) target(%dma_start3A_33 : memref<624x128xf32, #tpu.memory_space<vmem_shared>>) target_semaphore(%run_scoped3A : memref<!tpu.dma_semaphore, #tpu.memory_space<semaphore_mem>>)
      %dma_wait3A_36 = arith.constant 0 : i32
      %dma_wait3A_37 = tpu.memref_slice %arg16[%mul3A_0, %dma_wait3A_36] : memref<10000x128xf32, #tpu.memory_space<vmem_shared>> -> memref<624x128xf32, #tpu.memory_space<vmem_shared>>
      %dma_wait3A_38 = arith.constant 0 : i32
      %dma_wait3A_39 = tpu.memref_slice %arg6[%mul3A_0, %dma_wait3A_38] : memref<10000x128xf32, #tpu.memory_space<hbm>> -> memref<624x128xf32, #tpu.memory_space<hbm>>
      tpu.wait_dma2 semaphore(%run_scoped3A : memref<!tpu.dma_semaphore, #tpu.memory_space<semaphore_mem>>) src(%dma_wait3A_39 : memref<624x128xf32, #tpu.memory_space<hbm>>) dst(%dma_wait3A_37 : memref<624x128xf32, #tpu.memory_space<vmem_shared>>)
      tpu.yield
    }) : () -> ()
    %eq3A = arith.constant 15 : i32
    %eq3A_6 = arith.cmpi eq, %arg1, %eq3A : i32
    %convert_element_type3A = arith.extui %eq3A_6 : i1 to i32
    %cond3A = arith.constant 0 : i32
    %cond3A_7 = arith.cmpi ne, %convert_element_type3A, %cond3A : i32
    scf.if %cond3A_7 {
      "tpu.region"() ({
        %run_scoped3A = tpu.sem_alloc : memref<!tpu.dma_semaphore, #tpu.memory_space<semaphore_mem>>
        %dma_start3A_32 = arith.constant 9984 : i32
        %dma_start3A_33 = arith.constant 0 : i32
        %dma_start3A_34 = tpu.memref_slice %arg16[%dma_start3A_32, %dma_start3A_33] : memref<10000x128xf32, #tpu.memory_space<vmem_shared>> -> memref<16x128xf32, #tpu.memory_space<vmem_shared>>
        %dma_start3A_35 = arith.constant 9984 : i32
        %dma_start3A_36 = arith.constant 0 : i32
        %dma_start3A_37 = tpu.memref_slice %arg6[%dma_start3A_35, %dma_start3A_36] : memref<10000x128xf32, #tpu.memory_space<hbm>> -> memref<16x128xf32, #tpu.memory_space<hbm>>
        tpu.enqueue_dma source(%dma_start3A_37 : memref<16x128xf32, #tpu.memory_space<hbm>>) target(%dma_start3A_34 : memref<16x128xf32, #tpu.memory_space<vmem_shared>>) target_semaphore(%run_scoped3A : memref<!tpu.dma_semaphore, #tpu.memory_space<semaphore_mem>>)
        %dma_wait3A_38 = arith.constant 9984 : i32
        %dma_wait3A_39 = arith.constant 0 : i32
        %dma_wait3A_40 = tpu.memref_slice %arg16[%dma_wait3A_38, %dma_wait3A_39] : memref<10000x128xf32, #tpu.memory_space<vmem_shared>> -> memref<16x128xf32, #tpu.memory_space<vmem_shared>>
        %dma_wait3A_41 = arith.constant 9984 : i32
        %dma_wait3A_42 = arith.constant 0 : i32
        %dma_wait3A_43 = tpu.memref_slice %arg6[%dma_wait3A_41, %dma_wait3A_42] : memref<10000x128xf32, #tpu.memory_space<hbm>> -> memref<16x128xf32, #tpu.memory_space<hbm>>
        tpu.wait_dma2 semaphore(%run_scoped3A : memref<!tpu.dma_semaphore, #tpu.memory_space<semaphore_mem>>) src(%dma_wait3A_43 : memref<16x128xf32, #tpu.memory_space<hbm>>) dst(%dma_wait3A_40 : memref<16x128xf32, #tpu.memory_space<vmem_shared>>)
        tpu.yield
      }) : () -> ()
    } else {
    }
    %dma_wait3A = tpu.memref_slice %arg2[%mul3A_2] : memref<160000xi32, #tpu.memory_space<hbm>> -> memref<4992xi32, #tpu.memory_space<hbm>>
    %dma_wait3A_8 = tpu.memref_slice %arg2[%mul3A_2] : memref<160000xi32, #tpu.memory_space<hbm>> -> memref<4992xi32, #tpu.memory_space<hbm>>
    tpu.wait_dma2 semaphore(%arg19 : memref<!tpu.dma_semaphore, #tpu.memory_space<semaphore_mem>>) src(%dma_wait3A_8 : memref<4992xi32, #tpu.memory_space<hbm>>) dst(%arg9 : memref<4992xi32, #tpu.memory_space<vmem>>)
    %dma_wait3A_9 = tpu.memref_slice %arg3[%mul3A_2] : memref<160000xi32, #tpu.memory_space<hbm>> -> memref<4992xi32, #tpu.memory_space<hbm>>
    %dma_wait3A_10 = tpu.memref_slice %arg3[%mul3A_2] : memref<160000xi32, #tpu.memory_space<hbm>> -> memref<4992xi32, #tpu.memory_space<hbm>>
    tpu.wait_dma2 semaphore(%arg19 : memref<!tpu.dma_semaphore, #tpu.memory_space<semaphore_mem>>) src(%dma_wait3A_10 : memref<4992xi32, #tpu.memory_space<hbm>>) dst(%arg10 : memref<4992xi32, #tpu.memory_space<vmem>>)
    %barrier3A = arith.constant 0 : index
    tpu.barrier barrier_id(%barrier3A)
    %eq3A_11 = arith.constant 0 : i32
    %eq3A_12 = arith.cmpi eq, %arg0, %eq3A_11 : i32
    %convert_element_type3A_13 = arith.extui %eq3A_12 : i1 to i32
    %cond3A_14 = arith.constant 0 : i32
    %cond3A_15 = arith.cmpi ne, %convert_element_type3A_13, %cond3A_14 : i32
    scf.if %cond3A_15 {
      %dma_start3A_32 = arith.constant 0 : i32
      %dma_start3A_33 = tpu.memref_slice %arg9[%dma_start3A_32] : memref<4992xi32, #tpu.memory_space<vmem>> -> memref<128xi32, #tpu.memory_space<vmem>>
      %dma_start3A_34 = arith.constant 0 : i32
      %dma_start3A_35 = arith.constant 0 : i32
      %dma_start3A_36 = tpu.memref_slice %arg4[%dma_start3A_34, %dma_start3A_35] : memref<10000x128xf32, #tpu.memory_space<hbm>> -> memref<10000x128xf32, #tpu.memory_space<hbm>>
      tpu.enqueue_indirect_dma source(%dma_start3A_36 : memref<10000x128xf32, #tpu.memory_space<hbm>>) target(%arg14 : memref<128x128xf32, #tpu.memory_space<vmem>>) offsets(%dma_start3A_33 : memref<128xi32, #tpu.memory_space<vmem>>) semaphore(%arg17 : memref<!tpu.dma_semaphore, #tpu.memory_space<semaphore_mem>>)
      %dma_start3A_37 = arith.constant 128 : i32
      %dma_start3A_38 = tpu.memref_slice %arg9[%dma_start3A_37] : memref<4992xi32, #tpu.memory_space<vmem>> -> memref<128xi32, #tpu.memory_space<vmem>>
      %dma_start3A_39 = arith.constant 0 : i32
      %dma_start3A_40 = arith.constant 0 : i32
      %dma_start3A_41 = tpu.memref_slice %arg4[%dma_start3A_39, %dma_start3A_40] : memref<10000x128xf32, #tpu.memory_space<hbm>> -> memref<10000x128xf32, #tpu.memory_space<hbm>>
      tpu.enqueue_indirect_dma source(%dma_start3A_41 : memref<10000x128xf32, #tpu.memory_space<hbm>>) target(%arg15 : memref<128x128xf32, #tpu.memory_space<vmem>>) offsets(%dma_start3A_38 : memref<128xi32, #tpu.memory_space<vmem>>) semaphore(%arg18 : memref<!tpu.dma_semaphore, #tpu.memory_space<semaphore_mem>>)
      %scan3A = arith.constant 0 : i32
      %scan3A_42 = arith.constant 0 : i32
      %scan3A_43 = arith.constant 20 : i32
      %scan3A_44 = arith.addi %scan3A_42, %scan3A_43 : i32
      %scan3A_45 = arith.constant 1 : i32
      scf.for %scan3A_74 = %scan3A_42 to %scan3A_44 step %scan3A_45  : i32 {
        %mul3A_75 = arith.constant 2 : i32
        %mul3A_76 = arith.muli %scan3A_74, %mul3A_75 : i32
        %add3A_77 = arith.constant 0 : i32
        %add3A_78 = arith.addi %mul3A_76, %add3A_77 : i32
        %lt3A = arith.constant 39 : i32
        %lt3A_79 = arith.cmpi slt, %add3A_78, %lt3A : i32
        %convert_element_type3A_80 = arith.extui %lt3A_79 : i1 to i32
        %cond3A_81 = arith.constant 0 : i32
        %cond3A_82 = arith.cmpi ne, %convert_element_type3A_80, %cond3A_81 : i32
        scf.if %cond3A_82 {
          %dma_wait3A_92 = arith.constant 0 : i32
          %dma_wait3A_93 = tpu.memref_slice %arg9[%dma_wait3A_92] : memref<4992xi32, #tpu.memory_space<vmem>> -> memref<128xi32, #tpu.memory_space<vmem>>
          %dma_wait3A_94 = arith.constant 0 : i32
          %dma_wait3A_95 = arith.constant 0 : i32
          %dma_wait3A_96 = tpu.memref_slice %arg4[%dma_wait3A_94, %dma_wait3A_95] : memref<10000x128xf32, #tpu.memory_space<hbm>> -> memref<10000x128xf32, #tpu.memory_space<hbm>>
          tpu.wait_indirect_dma semaphore(%arg17 : memref<!tpu.dma_semaphore, #tpu.memory_space<semaphore_mem>>) src(%dma_wait3A_96 : memref<10000x128xf32, #tpu.memory_space<hbm>>) dst(%arg14 : memref<128x128xf32, #tpu.memory_space<vmem>>)
          %mul3A_97 = arith.constant 128 : i32
          %mul3A_98 = arith.muli %add3A_78, %mul3A_97 : i32
          "tpu.region"() ({
            %run_scoped3A = tpu.sem_alloc : memref<!tpu.dma_semaphore, #tpu.memory_space<semaphore_mem>>
            %dma_start3A_106 = tpu.memref_slice %arg10[%mul3A_98] : memref<4992xi32, #tpu.memory_space<vmem>> -> memref<128xi32, #tpu.memory_space<vmem>>
            %dma_start3A_107 = arith.constant 0 : i32
            %dma_start3A_108 = arith.constant 0 : i32
            %dma_start3A_109 = tpu.memref_slice %arg16[%dma_start3A_107, %dma_start3A_108] : memref<10000x128xf32, #tpu.memory_space<vmem_shared>> -> memref<10000x128xf32, #tpu.memory_space<vmem_shared>>
            tpu.enqueue_indirect_dma source(%arg14 : memref<128x128xf32, #tpu.memory_space<vmem>>) target(%dma_start3A_109 : memref<10000x128xf32, #tpu.memory_space<vmem_shared>>) offsets(%dma_start3A_106 : memref<128xi32, #tpu.memory_space<vmem>>) semaphore(%run_scoped3A : memref<!tpu.dma_semaphore, #tpu.memory_space<semaphore_mem>>) {add = true}
            %dma_wait3A_110 = tpu.memref_slice %arg10[%mul3A_98] : memref<4992xi32, #tpu.memory_space<vmem>> -> memref<128xi32, #tpu.memory_space<vmem>>
            %dma_wait3A_111 = arith.constant 0 : i32
            %dma_wait3A_112 = arith.constant 0 : i32
            %dma_wait3A_113 = tpu.memref_slice %arg16[%dma_wait3A_111, %dma_wait3A_112] : memref<10000x128xf32, #tpu.memory_space<vmem_shared>> -> memref<10000x128xf32, #tpu.memory_space<vmem_shared>>
            tpu.wait_indirect_dma semaphore(%run_scoped3A : memref<!tpu.dma_semaphore, #tpu.memory_space<semaphore_mem>>) src(%arg14 : memref<128x128xf32, #tpu.memory_space<vmem>>) dst(%dma_wait3A_113 : memref<10000x128xf32, #tpu.memory_space<vmem_shared>>)
            tpu.yield
          }) : () -> ()
          %add3A_99 = arith.constant 2 : i32
          %add3A_100 = arith.addi %add3A_78, %add3A_99 : i32
          %lt3A_101 = arith.constant 39 : i32
          %lt3A_102 = arith.cmpi slt, %add3A_100, %lt3A_101 : i32
          %convert_element_type3A_103 = arith.extui %lt3A_102 : i1 to i32
          %cond3A_104 = arith.constant 0 : i32
          %cond3A_105 = arith.cmpi ne, %convert_element_type3A_103, %cond3A_104 : i32
          scf.if %cond3A_105 {
            %mul3A_106 = arith.constant 128 : i32
            %mul3A_107 = arith.muli %add3A_100, %mul3A_106 : i32
            %dma_start3A_108 = tpu.memref_slice %arg9[%mul3A_107] : memref<4992xi32, #tpu.memory_space<vmem>> -> memref<128xi32, #tpu.memory_space<vmem>>
            %dma_start3A_109 = arith.constant 0 : i32
            %dma_start3A_110 = arith.constant 0 : i32
            %dma_start3A_111 = tpu.memref_slice %arg4[%dma_start3A_109, %dma_start3A_110] : memref<10000x128xf32, #tpu.memory_space<hbm>> -> memref<10000x128xf32, #tpu.memory_space<hbm>>
            tpu.enqueue_indirect_dma source(%dma_start3A_111 : memref<10000x128xf32, #tpu.memory_space<hbm>>) target(%arg14 : memref<128x128xf32, #tpu.memory_space<vmem>>) offsets(%dma_start3A_108 : memref<128xi32, #tpu.memory_space<vmem>>) semaphore(%arg17 : memref<!tpu.dma_semaphore, #tpu.memory_space<semaphore_mem>>)
          } else {
          }
        } else {
        }
        %mul3A_83 = arith.constant 2 : i32
        %mul3A_84 = arith.muli %scan3A_74, %mul3A_83 : i32
        %add3A_85 = arith.constant 1 : i32
        %add3A_86 = arith.addi %mul3A_84, %add3A_85 : i32
        %lt3A_87 = arith.constant 39 : i32
        %lt3A_88 = arith.cmpi slt, %add3A_86, %lt3A_87 : i32
        %convert_element_type3A_89 = arith.extui %lt3A_88 : i1 to i32
        %cond3A_90 = arith.constant 0 : i32
        %cond3A_91 = arith.cmpi ne, %convert_element_type3A_89, %cond3A_90 : i32
        scf.if %cond3A_91 {
          %dma_wait3A_92 = arith.constant 0 : i32
          %dma_wait3A_93 = tpu.memref_slice %arg9[%dma_wait3A_92] : memref<4992xi32, #tpu.memory_space<vmem>> -> memref<128xi32, #tpu.memory_space<vmem>>
          %dma_wait3A_94 = arith.constant 0 : i32
          %dma_wait3A_95 = arith.constant 0 : i32
          %dma_wait3A_96 = tpu.memref_slice %arg4[%dma_wait3A_94, %dma_wait3A_95] : memref<10000x128xf32, #tpu.memory_space<hbm>> -> memref<10000x128xf32, #tpu.memory_space<hbm>>
          tpu.wait_indirect_dma semaphore(%arg18 : memref<!tpu.dma_semaphore, #tpu.memory_space<semaphore_mem>>) src(%dma_wait3A_96 : memref<10000x128xf32, #tpu.memory_space<hbm>>) dst(%arg15 : memref<128x128xf32, #tpu.memory_space<vmem>>)
          %mul3A_97 = arith.constant 128 : i32
          %mul3A_98 = arith.muli %add3A_86, %mul3A_97 : i32
          "tpu.region"() ({
            %run_scoped3A = tpu.sem_alloc : memref<!tpu.dma_semaphore, #tpu.memory_space<semaphore_mem>>
            %dma_start3A_106 = tpu.memref_slice %arg10[%mul3A_98] : memref<4992xi32, #tpu.memory_space<vmem>> -> memref<128xi32, #tpu.memory_space<vmem>>
            %dma_start3A_107 = arith.constant 0 : i32
            %dma_start3A_108 = arith.constant 0 : i32
            %dma_start3A_109 = tpu.memref_slice %arg16[%dma_start3A_107, %dma_start3A_108] : memref<10000x128xf32, #tpu.memory_space<vmem_shared>> -> memref<10000x128xf32, #tpu.memory_space<vmem_shared>>
            tpu.enqueue_indirect_dma source(%arg15 : memref<128x128xf32, #tpu.memory_space<vmem>>) target(%dma_start3A_109 : memref<10000x128xf32, #tpu.memory_space<vmem_shared>>) offsets(%dma_start3A_106 : memref<128xi32, #tpu.memory_space<vmem>>) semaphore(%run_scoped3A : memref<!tpu.dma_semaphore, #tpu.memory_space<semaphore_mem>>) {add = true}
            %dma_wait3A_110 = tpu.memref_slice %arg10[%mul3A_98] : memref<4992xi32, #tpu.memory_space<vmem>> -> memref<128xi32, #tpu.memory_space<vmem>>
            %dma_wait3A_111 = arith.constant 0 : i32
            %dma_wait3A_112 = arith.constant 0 : i32
            %dma_wait3A_113 = tpu.memref_slice %arg16[%dma_wait3A_111, %dma_wait3A_112] : memref<10000x128xf32, #tpu.memory_space<vmem_shared>> -> memref<10000x128xf32, #tpu.memory_space<vmem_shared>>
            tpu.wait_indirect_dma semaphore(%run_scoped3A : memref<!tpu.dma_semaphore, #tpu.memory_space<semaphore_mem>>) src(%arg15 : memref<128x128xf32, #tpu.memory_space<vmem>>) dst(%dma_wait3A_113 : memref<10000x128xf32, #tpu.memory_space<vmem_shared>>)
            tpu.yield
          }) : () -> ()
          %add3A_99 = arith.constant 2 : i32
          %add3A_100 = arith.addi %add3A_86, %add3A_99 : i32
          %lt3A_101 = arith.constant 39 : i32
          %lt3A_102 = arith.cmpi slt, %add3A_100, %lt3A_101 : i32
          %convert_element_type3A_103 = arith.extui %lt3A_102 : i1 to i32
          %cond3A_104 = arith.constant 0 : i32
          %cond3A_105 = arith.cmpi ne, %convert_element_type3A_103, %cond3A_104 : i32
          scf.if %cond3A_105 {
            %mul3A_106 = arith.constant 128 : i32
            %mul3A_107 = arith.muli %add3A_100, %mul3A_106 : i32
            %dma_start3A_108 = tpu.memref_slice %arg9[%mul3A_107] : memref<4992xi32, #tpu.memory_space<vmem>> -> memref<128xi32, #tpu.memory_space<vmem>>
            %dma_start3A_109 = arith.constant 0 : i32
            %dma_start3A_110 = arith.constant 0 : i32
            %dma_start3A_111 = tpu.memref_slice %arg4[%dma_start3A_109, %dma_start3A_110] : memref<10000x128xf32, #tpu.memory_space<hbm>> -> memref<10000x128xf32, #tpu.memory_space<hbm>>
            tpu.enqueue_indirect_dma source(%dma_start3A_111 : memref<10000x128xf32, #tpu.memory_space<hbm>>) target(%arg15 : memref<128x128xf32, #tpu.memory_space<vmem>>) offsets(%dma_start3A_108 : memref<128xi32, #tpu.memory_space<vmem>>) semaphore(%arg18 : memref<!tpu.dma_semaphore, #tpu.memory_space<semaphore_mem>>)
          } else {
          }
        } else {
        }
      }
      %scan3A_46 = arith.constant 20 : i32
      %add3A = arith.constant 4992 : i32
      %add3A_47 = arith.addi %mul3A_2, %add3A : i32
      "tpu.region"() ({
        %run_scoped3A = tpu.sem_alloc : memref<!tpu.dma_semaphore, #tpu.memory_space<semaphore_mem>>
        %dma_start3A_74 = tpu.memref_slice %arg2[%add3A_47] : memref<160000xi32, #tpu.memory_space<hbm>> -> memref<4992xi32, #tpu.memory_space<hbm>>
        %dma_start3A_75 = tpu.memref_slice %arg2[%add3A_47] : memref<160000xi32, #tpu.memory_space<hbm>> -> memref<4992xi32, #tpu.memory_space<hbm>>
        tpu.enqueue_dma source(%dma_start3A_75 : memref<4992xi32, #tpu.memory_space<hbm>>) target(%arg9 : memref<4992xi32, #tpu.memory_space<vmem>>) target_semaphore(%run_scoped3A : memref<!tpu.dma_semaphore, #tpu.memory_space<semaphore_mem>>)
        %dma_wait3A_76 = tpu.memref_slice %arg2[%add3A_47] : memref<160000xi32, #tpu.memory_space<hbm>> -> memref<4992xi32, #tpu.memory_space<hbm>>
        %dma_wait3A_77 = tpu.memref_slice %arg2[%add3A_47] : memref<160000xi32, #tpu.memory_space<hbm>> -> memref<4992xi32, #tpu.memory_space<hbm>>
        tpu.wait_dma2 semaphore(%run_scoped3A : memref<!tpu.dma_semaphore, #tpu.memory_space<semaphore_mem>>) src(%dma_wait3A_77 : memref<4992xi32, #tpu.memory_space<hbm>>) dst(%arg9 : memref<4992xi32, #tpu.memory_space<vmem>>)
        tpu.yield
      }) : () -> ()
      %add3A_48 = arith.constant 4992 : i32
      %add3A_49 = arith.addi %mul3A_2, %add3A_48 : i32
      "tpu.region"() ({
        %run_scoped3A = tpu.sem_alloc : memref<!tpu.dma_semaphore, #tpu.memory_space<semaphore_mem>>
        %dma_start3A_74 = tpu.memref_slice %arg3[%add3A_49] : memref<160000xi32, #tpu.memory_space<hbm>> -> memref<4992xi32, #tpu.memory_space<hbm>>
        %dma_start3A_75 = tpu.memref_slice %arg3[%add3A_49] : memref<160000xi32, #tpu.memory_space<hbm>> -> memref<4992xi32, #tpu.memory_space<hbm>>
        tpu.enqueue_dma source(%dma_start3A_75 : memref<4992xi32, #tpu.memory_space<hbm>>) target(%arg10 : memref<4992xi32, #tpu.memory_space<vmem>>) target_semaphore(%run_scoped3A : memref<!tpu.dma_semaphore, #tpu.memory_space<semaphore_mem>>)
        %dma_wait3A_76 = tpu.memref_slice %arg3[%add3A_49] : memref<160000xi32, #tpu.memory_space<hbm>> -> memref<4992xi32, #tpu.memory_space<hbm>>
        %dma_wait3A_77 = tpu.memref_slice %arg3[%add3A_49] : memref<160000xi32, #tpu.memory_space<hbm>> -> memref<4992xi32, #tpu.memory_space<hbm>>
        tpu.wait_dma2 semaphore(%run_scoped3A : memref<!tpu.dma_semaphore, #tpu.memory_space<semaphore_mem>>) src(%dma_wait3A_77 : memref<4992xi32, #tpu.memory_space<hbm>>) dst(%arg10 : memref<4992xi32, #tpu.memory_space<vmem>>)
        tpu.yield
      }) : () -> ()
      %dma_start3A_50 = arith.constant 0 : i32
      %dma_start3A_51 = tpu.memref_slice %arg9[%dma_start3A_50] : memref<4992xi32, #tpu.memory_space<vmem>> -> memref<128xi32, #tpu.memory_space<vmem>>
      %dma_start3A_52 = arith.constant 0 : i32
      %dma_start3A_53 = arith.constant 0 : i32
      %dma_start3A_54 = tpu.memref_slice %arg4[%dma_start3A_52, %dma_start3A_53] : memref<10000x128xf32, #tpu.memory_space<hbm>> -> memref<10000x128xf32, #tpu.memory_space<hbm>>
      tpu.enqueue_indirect_dma source(%dma_start3A_54 : memref<10000x128xf32, #tpu.memory_space<hbm>>) target(%arg14 : memref<128x128xf32, #tpu.memory_space<vmem>>) offsets(%dma_start3A_51 : memref<128xi32, #tpu.memory_space<vmem>>) semaphore(%arg17 : memref<!tpu.dma_semaphore, #tpu.memory_space<semaphore_mem>>)
      %dma_start3A_55 = arith.constant 128 : i32
      %dma_start3A_56 = tpu.memref_slice %arg9[%dma_start3A_55] : memref<4992xi32, #tpu.memory_space<vmem>> -> memref<128xi32, #tpu.memory_space<vmem>>
      %dma_start3A_57 = arith.constant 0 : i32
      %dma_start3A_58 = arith.constant 0 : i32
      %dma_start3A_59 = tpu.memref_slice %arg4[%dma_start3A_57, %dma_start3A_58] : memref<10000x128xf32, #tpu.memory_space<hbm>> -> memref<10000x128xf32, #tpu.memory_space<hbm>>
      tpu.enqueue_indirect_dma source(%dma_start3A_59 : memref<10000x128xf32, #tpu.memory_space<hbm>>) target(%arg15 : memref<128x128xf32, #tpu.memory_space<vmem>>) offsets(%dma_start3A_56 : memref<128xi32, #tpu.memory_space<vmem>>) semaphore(%arg18 : memref<!tpu.dma_semaphore, #tpu.memory_space<semaphore_mem>>)
      %scan3A_60 = arith.constant 0 : i32
      %scan3A_61 = arith.constant 0 : i32
      %scan3A_62 = arith.constant 20 : i32
      %scan3A_63 = arith.addi %scan3A_61, %scan3A_62 : i32
      %scan3A_64 = arith.constant 1 : i32
      scf.for %scan3A_74 = %scan3A_61 to %scan3A_63 step %scan3A_64  : i32 {
        %mul3A_75 = arith.constant 2 : i32
        %mul3A_76 = arith.muli %scan3A_74, %mul3A_75 : i32
        %add3A_77 = arith.constant 0 : i32
        %add3A_78 = arith.addi %mul3A_76, %add3A_77 : i32
        %lt3A = arith.constant 39 : i32
        %lt3A_79 = arith.cmpi slt, %add3A_78, %lt3A : i32
        %convert_element_type3A_80 = arith.extui %lt3A_79 : i1 to i32
        %cond3A_81 = arith.constant 0 : i32
        %cond3A_82 = arith.cmpi ne, %convert_element_type3A_80, %cond3A_81 : i32
        scf.if %cond3A_82 {
          %dma_wait3A_92 = arith.constant 0 : i32
          %dma_wait3A_93 = tpu.memref_slice %arg9[%dma_wait3A_92] : memref<4992xi32, #tpu.memory_space<vmem>> -> memref<128xi32, #tpu.memory_space<vmem>>
          %dma_wait3A_94 = arith.constant 0 : i32
          %dma_wait3A_95 = arith.constant 0 : i32
          %dma_wait3A_96 = tpu.memref_slice %arg4[%dma_wait3A_94, %dma_wait3A_95] : memref<10000x128xf32, #tpu.memory_space<hbm>> -> memref<10000x128xf32, #tpu.memory_space<hbm>>
          tpu.wait_indirect_dma semaphore(%arg17 : memref<!tpu.dma_semaphore, #tpu.memory_space<semaphore_mem>>) src(%dma_wait3A_96 : memref<10000x128xf32, #tpu.memory_space<hbm>>) dst(%arg14 : memref<128x128xf32, #tpu.memory_space<vmem>>)
          %mul3A_97 = arith.constant 128 : i32
          %mul3A_98 = arith.muli %add3A_78, %mul3A_97 : i32
          "tpu.region"() ({
            %run_scoped3A = tpu.sem_alloc : memref<!tpu.dma_semaphore, #tpu.memory_space<semaphore_mem>>
            %dma_start3A_106 = tpu.memref_slice %arg10[%mul3A_98] : memref<4992xi32, #tpu.memory_space<vmem>> -> memref<128xi32, #tpu.memory_space<vmem>>
            %dma_start3A_107 = arith.constant 0 : i32
            %dma_start3A_108 = arith.constant 0 : i32
            %dma_start3A_109 = tpu.memref_slice %arg16[%dma_start3A_107, %dma_start3A_108] : memref<10000x128xf32, #tpu.memory_space<vmem_shared>> -> memref<10000x128xf32, #tpu.memory_space<vmem_shared>>
            tpu.enqueue_indirect_dma source(%arg14 : memref<128x128xf32, #tpu.memory_space<vmem>>) target(%dma_start3A_109 : memref<10000x128xf32, #tpu.memory_space<vmem_shared>>) offsets(%dma_start3A_106 : memref<128xi32, #tpu.memory_space<vmem>>) semaphore(%run_scoped3A : memref<!tpu.dma_semaphore, #tpu.memory_space<semaphore_mem>>) {add = true}
            %dma_wait3A_110 = tpu.memref_slice %arg10[%mul3A_98] : memref<4992xi32, #tpu.memory_space<vmem>> -> memref<128xi32, #tpu.memory_space<vmem>>
            %dma_wait3A_111 = arith.constant 0 : i32
            %dma_wait3A_112 = arith.constant 0 : i32
            %dma_wait3A_113 = tpu.memref_slice %arg16[%dma_wait3A_111, %dma_wait3A_112] : memref<10000x128xf32, #tpu.memory_space<vmem_shared>> -> memref<10000x128xf32, #tpu.memory_space<vmem_shared>>
            tpu.wait_indirect_dma semaphore(%run_scoped3A : memref<!tpu.dma_semaphore, #tpu.memory_space<semaphore_mem>>) src(%arg14 : memref<128x128xf32, #tpu.memory_space<vmem>>) dst(%dma_wait3A_113 : memref<10000x128xf32, #tpu.memory_space<vmem_shared>>)
            tpu.yield
          }) : () -> ()
          %add3A_99 = arith.constant 2 : i32
          %add3A_100 = arith.addi %add3A_78, %add3A_99 : i32
          %lt3A_101 = arith.constant 39 : i32
          %lt3A_102 = arith.cmpi slt, %add3A_100, %lt3A_101 : i32
          %convert_element_type3A_103 = arith.extui %lt3A_102 : i1 to i32
          %cond3A_104 = arith.constant 0 : i32
          %cond3A_105 = arith.cmpi ne, %convert_element_type3A_103, %cond3A_104 : i32
          scf.if %cond3A_105 {
            %mul3A_106 = arith.constant 128 : i32
            %mul3A_107 = arith.muli %add3A_100, %mul3A_106 : i32
            %dma_start3A_108 = tpu.memref_slice %arg9[%mul3A_107] : memref<4992xi32, #tpu.memory_space<vmem>> -> memref<128xi32, #tpu.memory_space<vmem>>
            %dma_start3A_109 = arith.constant 0 : i32
            %dma_start3A_110 = arith.constant 0 : i32
            %dma_start3A_111 = tpu.memref_slice %arg4[%dma_start3A_109, %dma_start3A_110] : memref<10000x128xf32, #tpu.memory_space<hbm>> -> memref<10000x128xf32, #tpu.memory_space<hbm>>
            tpu.enqueue_indirect_dma source(%dma_start3A_111 : memref<10000x128xf32, #tpu.memory_space<hbm>>) target(%arg14 : memref<128x128xf32, #tpu.memory_space<vmem>>) offsets(%dma_start3A_108 : memref<128xi32, #tpu.memory_space<vmem>>) semaphore(%arg17 : memref<!tpu.dma_semaphore, #tpu.memory_space<semaphore_mem>>)
          } else {
          }
        } else {
        }
        %mul3A_83 = arith.constant 2 : i32
        %mul3A_84 = arith.muli %scan3A_74, %mul3A_83 : i32
        %add3A_85 = arith.constant 1 : i32
        %add3A_86 = arith.addi %mul3A_84, %add3A_85 : i32
        %lt3A_87 = arith.constant 39 : i32
        %lt3A_88 = arith.cmpi slt, %add3A_86, %lt3A_87 : i32
        %convert_element_type3A_89 = arith.extui %lt3A_88 : i1 to i32
        %cond3A_90 = arith.constant 0 : i32
        %cond3A_91 = arith.cmpi ne, %convert_element_type3A_89, %cond3A_90 : i32
        scf.if %cond3A_91 {
          %dma_wait3A_92 = arith.constant 0 : i32
          %dma_wait3A_93 = tpu.memref_slice %arg9[%dma_wait3A_92] : memref<4992xi32, #tpu.memory_space<vmem>> -> memref<128xi32, #tpu.memory_space<vmem>>
          %dma_wait3A_94 = arith.constant 0 : i32
          %dma_wait3A_95 = arith.constant 0 : i32
          %dma_wait3A_96 = tpu.memref_slice %arg4[%dma_wait3A_94, %dma_wait3A_95] : memref<10000x128xf32, #tpu.memory_space<hbm>> -> memref<10000x128xf32, #tpu.memory_space<hbm>>
          tpu.wait_indirect_dma semaphore(%arg18 : memref<!tpu.dma_semaphore, #tpu.memory_space<semaphore_mem>>) src(%dma_wait3A_96 : memref<10000x128xf32, #tpu.memory_space<hbm>>) dst(%arg15 : memref<128x128xf32, #tpu.memory_space<vmem>>)
          %mul3A_97 = arith.constant 128 : i32
          %mul3A_98 = arith.muli %add3A_86, %mul3A_97 : i32
          "tpu.region"() ({
            %run_scoped3A = tpu.sem_alloc : memref<!tpu.dma_semaphore, #tpu.memory_space<semaphore_mem>>
            %dma_start3A_106 = tpu.memref_slice %arg10[%mul3A_98] : memref<4992xi32, #tpu.memory_space<vmem>> -> memref<128xi32, #tpu.memory_space<vmem>>
            %dma_start3A_107 = arith.constant 0 : i32
            %dma_start3A_108 = arith.constant 0 : i32
            %dma_start3A_109 = tpu.memref_slice %arg16[%dma_start3A_107, %dma_start3A_108] : memref<10000x128xf32, #tpu.memory_space<vmem_shared>> -> memref<10000x128xf32, #tpu.memory_space<vmem_shared>>
            tpu.enqueue_indirect_dma source(%arg15 : memref<128x128xf32, #tpu.memory_space<vmem>>) target(%dma_start3A_109 : memref<10000x128xf32, #tpu.memory_space<vmem_shared>>) offsets(%dma_start3A_106 : memref<128xi32, #tpu.memory_space<vmem>>) semaphore(%run_scoped3A : memref<!tpu.dma_semaphore, #tpu.memory_space<semaphore_mem>>) {add = true}
            %dma_wait3A_110 = tpu.memref_slice %arg10[%mul3A_98] : memref<4992xi32, #tpu.memory_space<vmem>> -> memref<128xi32, #tpu.memory_space<vmem>>
            %dma_wait3A_111 = arith.constant 0 : i32
            %dma_wait3A_112 = arith.constant 0 : i32
            %dma_wait3A_113 = tpu.memref_slice %arg16[%dma_wait3A_111, %dma_wait3A_112] : memref<10000x128xf32, #tpu.memory_space<vmem_shared>> -> memref<10000x128xf32, #tpu.memory_space<vmem_shared>>
            tpu.wait_indirect_dma semaphore(%run_scoped3A : memref<!tpu.dma_semaphore, #tpu.memory_space<semaphore_mem>>) src(%arg15 : memref<128x128xf32, #tpu.memory_space<vmem>>) dst(%dma_wait3A_113 : memref<10000x128xf32, #tpu.memory_space<vmem_shared>>)
            tpu.yield
          }) : () -> ()
          %add3A_99 = arith.constant 2 : i32
          %add3A_100 = arith.addi %add3A_86, %add3A_99 : i32
          %lt3A_101 = arith.constant 39 : i32
          %lt3A_102 = arith.cmpi slt, %add3A_100, %lt3A_101 : i32
          %convert_element_type3A_103 = arith.extui %lt3A_102 : i1 to i32
          %cond3A_104 = arith.constant 0 : i32
          %cond3A_105 = arith.cmpi ne, %convert_element_type3A_103, %cond3A_104 : i32
          scf.if %cond3A_105 {
            %mul3A_106 = arith.constant 128 : i32
            %mul3A_107 = arith.muli %add3A_100, %mul3A_106 : i32
            %dma_start3A_108 = tpu.memref_slice %arg9[%mul3A_107] : memref<4992xi32, #tpu.memory_space<vmem>> -> memref<128xi32, #tpu.memory_space<vmem>>
            %dma_start3A_109 = arith.constant 0 : i32
            %dma_start3A_110 = arith.constant 0 : i32
            %dma_start3A_111 = tpu.memref_slice %arg4[%dma_start3A_109, %dma_start3A_110] : memref<10000x128xf32, #tpu.memory_space<hbm>> -> memref<10000x128xf32, #tpu.memory_space<hbm>>
            tpu.enqueue_indirect_dma source(%dma_start3A_111 : memref<10000x128xf32, #tpu.memory_space<hbm>>) target(%arg15 : memref<128x128xf32, #tpu.memory_space<vmem>>) offsets(%dma_start3A_108 : memref<128xi32, #tpu.memory_space<vmem>>) semaphore(%arg18 : memref<!tpu.dma_semaphore, #tpu.memory_space<semaphore_mem>>)
          } else {
          }
        } else {
        }
      }
      %scan3A_65 = arith.constant 20 : i32
      %add3A_66 = arith.constant 9984 : i32
      %add3A_67 = arith.addi %mul3A_2, %add3A_66 : i32
      "tpu.region"() ({
        %run_scoped3A = tpu.sem_alloc : memref<!tpu.dma_semaphore, #tpu.memory_space<semaphore_mem>>
        %dma_start3A_74 = tpu.memref_slice %arg2[%add3A_67] : memref<160000xi32, #tpu.memory_space<hbm>> -> memref<16xi32, #tpu.memory_space<hbm>>
        %dma_start3A_75 = tpu.memref_slice %arg2[%add3A_67] : memref<160000xi32, #tpu.memory_space<hbm>> -> memref<16xi32, #tpu.memory_space<hbm>>
        tpu.enqueue_dma source(%dma_start3A_75 : memref<16xi32, #tpu.memory_space<hbm>>) target(%arg11 : memref<16xi32, #tpu.memory_space<vmem>>) target_semaphore(%run_scoped3A : memref<!tpu.dma_semaphore, #tpu.memory_space<semaphore_mem>>)
        %dma_wait3A_76 = tpu.memref_slice %arg2[%add3A_67] : memref<160000xi32, #tpu.memory_space<hbm>> -> memref<16xi32, #tpu.memory_space<hbm>>
        %dma_wait3A_77 = tpu.memref_slice %arg2[%add3A_67] : memref<160000xi32, #tpu.memory_space<hbm>> -> memref<16xi32, #tpu.memory_space<hbm>>
        tpu.wait_dma2 semaphore(%run_scoped3A : memref<!tpu.dma_semaphore, #tpu.memory_space<semaphore_mem>>) src(%dma_wait3A_77 : memref<16xi32, #tpu.memory_space<hbm>>) dst(%arg11 : memref<16xi32, #tpu.memory_space<vmem>>)
        tpu.yield
      }) : () -> ()
      "tpu.region"() ({
        %run_scoped3A = tpu.sem_alloc : memref<!tpu.dma_semaphore, #tpu.memory_space<semaphore_mem>>
        %dma_start3A_74 = tpu.memref_slice %arg3[%add3A_67] : memref<160000xi32, #tpu.memory_space<hbm>> -> memref<16xi32, #tpu.memory_space<hbm>>
        %dma_start3A_75 = tpu.memref_slice %arg3[%add3A_67] : memref<160000xi32, #tpu.memory_space<hbm>> -> memref<16xi32, #tpu.memory_space<hbm>>
        tpu.enqueue_dma source(%dma_start3A_75 : memref<16xi32, #tpu.memory_space<hbm>>) target(%arg12 : memref<16xi32, #tpu.memory_space<vmem>>) target_semaphore(%run_scoped3A : memref<!tpu.dma_semaphore, #tpu.memory_space<semaphore_mem>>)
        %dma_wait3A_76 = tpu.memref_slice %arg3[%add3A_67] : memref<160000xi32, #tpu.memory_space<hbm>> -> memref<16xi32, #tpu.memory_space<hbm>>
        %dma_wait3A_77 = tpu.memref_slice %arg3[%add3A_67] : memref<160000xi32, #tpu.memory_space<hbm>> -> memref<16xi32, #tpu.memory_space<hbm>>
        tpu.wait_dma2 semaphore(%run_scoped3A : memref<!tpu.dma_semaphore, #tpu.memory_space<semaphore_mem>>) src(%dma_wait3A_77 : memref<16xi32, #tpu.memory_space<hbm>>) dst(%arg12 : memref<16xi32, #tpu.memory_space<vmem>>)
        tpu.yield
      }) : () -> ()
      %dma_start3A_68 = arith.constant 0 : i32
      %dma_start3A_69 = arith.constant 0 : i32
      %dma_start3A_70 = tpu.memref_slice %arg4[%dma_start3A_68, %dma_start3A_69] : memref<10000x128xf32, #tpu.memory_space<hbm>> -> memref<10000x128xf32, #tpu.memory_space<hbm>>
      tpu.enqueue_indirect_dma source(%dma_start3A_70 : memref<10000x128xf32, #tpu.memory_space<hbm>>) target(%arg13 : memref<16x128xf32, #tpu.memory_space<vmem>>) offsets(%arg11 : memref<16xi32, #tpu.memory_space<vmem>>) semaphore(%arg19 : memref<!tpu.dma_semaphore, #tpu.memory_space<semaphore_mem>>)
      %dma_wait3A_71 = arith.constant 0 : i32
      %dma_wait3A_72 = arith.constant 0 : i32
      %dma_wait3A_73 = tpu.memref_slice %arg4[%dma_wait3A_71, %dma_wait3A_72] : memref<10000x128xf32, #tpu.memory_space<hbm>> -> memref<10000x128xf32, #tpu.memory_space<hbm>>
      tpu.wait_indirect_dma semaphore(%arg19 : memref<!tpu.dma_semaphore, #tpu.memory_space<semaphore_mem>>) src(%dma_wait3A_73 : memref<10000x128xf32, #tpu.memory_space<hbm>>) dst(%arg13 : memref<16x128xf32, #tpu.memory_space<vmem>>)
      "tpu.region"() ({
        %run_scoped3A = tpu.sem_alloc : memref<!tpu.dma_semaphore, #tpu.memory_space<semaphore_mem>>
        %dma_start3A_74 = arith.constant 0 : i32
        %dma_start3A_75 = arith.constant 0 : i32
        %dma_start3A_76 = tpu.memref_slice %arg16[%dma_start3A_74, %dma_start3A_75] : memref<10000x128xf32, #tpu.memory_space<vmem_shared>> -> memref<10000x128xf32, #tpu.memory_space<vmem_shared>>
        tpu.enqueue_indirect_dma source(%arg13 : memref<16x128xf32, #tpu.memory_space<vmem>>) target(%dma_start3A_76 : memref<10000x128xf32, #tpu.memory_space<vmem_shared>>) offsets(%arg12 : memref<16xi32, #tpu.memory_space<vmem>>) semaphore(%run_scoped3A : memref<!tpu.dma_semaphore, #tpu.memory_space<semaphore_mem>>) {add = true}
        %dma_wait3A_77 = arith.constant 0 : i32
        %dma_wait3A_78 = arith.constant 0 : i32
        %dma_wait3A_79 = tpu.memref_slice %arg16[%dma_wait3A_77, %dma_wait3A_78] : memref<10000x128xf32, #tpu.memory_space<vmem_shared>> -> memref<10000x128xf32, #tpu.memory_space<vmem_shared>>
        tpu.wait_indirect_dma semaphore(%run_scoped3A : memref<!tpu.dma_semaphore, #tpu.memory_space<semaphore_mem>>) src(%arg13 : memref<16x128xf32, #tpu.memory_space<vmem>>) dst(%dma_wait3A_79 : memref<10000x128xf32, #tpu.memory_space<vmem_shared>>)
        tpu.yield
      }) : () -> ()
    } else {
    }
    %eq3A_16 = arith.constant 1 : i32
    %eq3A_17 = arith.cmpi eq, %arg0, %eq3A_16 : i32
    %convert_element_type3A_18 = arith.extui %eq3A_17 : i1 to i32
    %cond3A_19 = arith.constant 0 : i32
    %cond3A_20 = arith.cmpi ne, %convert_element_type3A_18, %cond3A_19 : i32
    scf.if %cond3A_20 {
      %dma_start3A_32 = arith.constant 0 : i32
      %dma_start3A_33 = tpu.memref_slice %arg9[%dma_start3A_32] : memref<4992xi32, #tpu.memory_space<vmem>> -> memref<128xi32, #tpu.memory_space<vmem>>
      %dma_start3A_34 = arith.constant 0 : i32
      %dma_start3A_35 = arith.constant 0 : i32
      %dma_start3A_36 = tpu.memref_slice %arg5[%dma_start3A_34, %dma_start3A_35] : memref<10000x128xf32, #tpu.memory_space<hbm>> -> memref<10000x128xf32, #tpu.memory_space<hbm>>
      tpu.enqueue_indirect_dma source(%dma_start3A_36 : memref<10000x128xf32, #tpu.memory_space<hbm>>) target(%arg14 : memref<128x128xf32, #tpu.memory_space<vmem>>) offsets(%dma_start3A_33 : memref<128xi32, #tpu.memory_space<vmem>>) semaphore(%arg17 : memref<!tpu.dma_semaphore, #tpu.memory_space<semaphore_mem>>)
      %dma_start3A_37 = arith.constant 128 : i32
      %dma_start3A_38 = tpu.memref_slice %arg9[%dma_start3A_37] : memref<4992xi32, #tpu.memory_space<vmem>> -> memref<128xi32, #tpu.memory_space<vmem>>
      %dma_start3A_39 = arith.constant 0 : i32
      %dma_start3A_40 = arith.constant 0 : i32
      %dma_start3A_41 = tpu.memref_slice %arg5[%dma_start3A_39, %dma_start3A_40] : memref<10000x128xf32, #tpu.memory_space<hbm>> -> memref<10000x128xf32, #tpu.memory_space<hbm>>
      tpu.enqueue_indirect_dma source(%dma_start3A_41 : memref<10000x128xf32, #tpu.memory_space<hbm>>) target(%arg15 : memref<128x128xf32, #tpu.memory_space<vmem>>) offsets(%dma_start3A_38 : memref<128xi32, #tpu.memory_space<vmem>>) semaphore(%arg18 : memref<!tpu.dma_semaphore, #tpu.memory_space<semaphore_mem>>)
      %scan3A = arith.constant 0 : i32
      %scan3A_42 = arith.constant 0 : i32
      %scan3A_43 = arith.constant 20 : i32
      %scan3A_44 = arith.addi %scan3A_42, %scan3A_43 : i32
      %scan3A_45 = arith.constant 1 : i32
      scf.for %scan3A_74 = %scan3A_42 to %scan3A_44 step %scan3A_45  : i32 {
        %mul3A_75 = arith.constant 2 : i32
        %mul3A_76 = arith.muli %scan3A_74, %mul3A_75 : i32
        %add3A_77 = arith.constant 0 : i32
        %add3A_78 = arith.addi %mul3A_76, %add3A_77 : i32
        %lt3A = arith.constant 39 : i32
        %lt3A_79 = arith.cmpi slt, %add3A_78, %lt3A : i32
        %convert_element_type3A_80 = arith.extui %lt3A_79 : i1 to i32
        %cond3A_81 = arith.constant 0 : i32
        %cond3A_82 = arith.cmpi ne, %convert_element_type3A_80, %cond3A_81 : i32
        scf.if %cond3A_82 {
          %dma_wait3A_92 = arith.constant 0 : i32
          %dma_wait3A_93 = tpu.memref_slice %arg9[%dma_wait3A_92] : memref<4992xi32, #tpu.memory_space<vmem>> -> memref<128xi32, #tpu.memory_space<vmem>>
          %dma_wait3A_94 = arith.constant 0 : i32
          %dma_wait3A_95 = arith.constant 0 : i32
          %dma_wait3A_96 = tpu.memref_slice %arg5[%dma_wait3A_94, %dma_wait3A_95] : memref<10000x128xf32, #tpu.memory_space<hbm>> -> memref<10000x128xf32, #tpu.memory_space<hbm>>
          tpu.wait_indirect_dma semaphore(%arg17 : memref<!tpu.dma_semaphore, #tpu.memory_space<semaphore_mem>>) src(%dma_wait3A_96 : memref<10000x128xf32, #tpu.memory_space<hbm>>) dst(%arg14 : memref<128x128xf32, #tpu.memory_space<vmem>>)
          %mul3A_97 = arith.constant 128 : i32
          %mul3A_98 = arith.muli %add3A_78, %mul3A_97 : i32
          "tpu.region"() ({
            %run_scoped3A = tpu.sem_alloc : memref<!tpu.dma_semaphore, #tpu.memory_space<semaphore_mem>>
            %dma_start3A_106 = tpu.memref_slice %arg10[%mul3A_98] : memref<4992xi32, #tpu.memory_space<vmem>> -> memref<128xi32, #tpu.memory_space<vmem>>
            %dma_start3A_107 = arith.constant 0 : i32
            %dma_start3A_108 = arith.constant 0 : i32
            %dma_start3A_109 = tpu.memref_slice %arg16[%dma_start3A_107, %dma_start3A_108] : memref<10000x128xf32, #tpu.memory_space<vmem_shared>> -> memref<10000x128xf32, #tpu.memory_space<vmem_shared>>
            tpu.enqueue_indirect_dma source(%arg14 : memref<128x128xf32, #tpu.memory_space<vmem>>) target(%dma_start3A_109 : memref<10000x128xf32, #tpu.memory_space<vmem_shared>>) offsets(%dma_start3A_106 : memref<128xi32, #tpu.memory_space<vmem>>) semaphore(%run_scoped3A : memref<!tpu.dma_semaphore, #tpu.memory_space<semaphore_mem>>) {add = true}
            %dma_wait3A_110 = tpu.memref_slice %arg10[%mul3A_98] : memref<4992xi32, #tpu.memory_space<vmem>> -> memref<128xi32, #tpu.memory_space<vmem>>
            %dma_wait3A_111 = arith.constant 0 : i32
            %dma_wait3A_112 = arith.constant 0 : i32
            %dma_wait3A_113 = tpu.memref_slice %arg16[%dma_wait3A_111, %dma_wait3A_112] : memref<10000x128xf32, #tpu.memory_space<vmem_shared>> -> memref<10000x128xf32, #tpu.memory_space<vmem_shared>>
            tpu.wait_indirect_dma semaphore(%run_scoped3A : memref<!tpu.dma_semaphore, #tpu.memory_space<semaphore_mem>>) src(%arg14 : memref<128x128xf32, #tpu.memory_space<vmem>>) dst(%dma_wait3A_113 : memref<10000x128xf32, #tpu.memory_space<vmem_shared>>)
            tpu.yield
          }) : () -> ()
          %add3A_99 = arith.constant 2 : i32
          %add3A_100 = arith.addi %add3A_78, %add3A_99 : i32
          %lt3A_101 = arith.constant 39 : i32
          %lt3A_102 = arith.cmpi slt, %add3A_100, %lt3A_101 : i32
          %convert_element_type3A_103 = arith.extui %lt3A_102 : i1 to i32
          %cond3A_104 = arith.constant 0 : i32
          %cond3A_105 = arith.cmpi ne, %convert_element_type3A_103, %cond3A_104 : i32
          scf.if %cond3A_105 {
            %mul3A_106 = arith.constant 128 : i32
            %mul3A_107 = arith.muli %add3A_100, %mul3A_106 : i32
            %dma_start3A_108 = tpu.memref_slice %arg9[%mul3A_107] : memref<4992xi32, #tpu.memory_space<vmem>> -> memref<128xi32, #tpu.memory_space<vmem>>
            %dma_start3A_109 = arith.constant 0 : i32
            %dma_start3A_110 = arith.constant 0 : i32
            %dma_start3A_111 = tpu.memref_slice %arg5[%dma_start3A_109, %dma_start3A_110] : memref<10000x128xf32, #tpu.memory_space<hbm>> -> memref<10000x128xf32, #tpu.memory_space<hbm>>
            tpu.enqueue_indirect_dma source(%dma_start3A_111 : memref<10000x128xf32, #tpu.memory_space<hbm>>) target(%arg14 : memref<128x128xf32, #tpu.memory_space<vmem>>) offsets(%dma_start3A_108 : memref<128xi32, #tpu.memory_space<vmem>>) semaphore(%arg17 : memref<!tpu.dma_semaphore, #tpu.memory_space<semaphore_mem>>)
          } else {
          }
        } else {
        }
        %mul3A_83 = arith.constant 2 : i32
        %mul3A_84 = arith.muli %scan3A_74, %mul3A_83 : i32
        %add3A_85 = arith.constant 1 : i32
        %add3A_86 = arith.addi %mul3A_84, %add3A_85 : i32
        %lt3A_87 = arith.constant 39 : i32
        %lt3A_88 = arith.cmpi slt, %add3A_86, %lt3A_87 : i32
        %convert_element_type3A_89 = arith.extui %lt3A_88 : i1 to i32
        %cond3A_90 = arith.constant 0 : i32
        %cond3A_91 = arith.cmpi ne, %convert_element_type3A_89, %cond3A_90 : i32
        scf.if %cond3A_91 {
          %dma_wait3A_92 = arith.constant 0 : i32
          %dma_wait3A_93 = tpu.memref_slice %arg9[%dma_wait3A_92] : memref<4992xi32, #tpu.memory_space<vmem>> -> memref<128xi32, #tpu.memory_space<vmem>>
          %dma_wait3A_94 = arith.constant 0 : i32
          %dma_wait3A_95 = arith.constant 0 : i32
          %dma_wait3A_96 = tpu.memref_slice %arg5[%dma_wait3A_94, %dma_wait3A_95] : memref<10000x128xf32, #tpu.memory_space<hbm>> -> memref<10000x128xf32, #tpu.memory_space<hbm>>
          tpu.wait_indirect_dma semaphore(%arg18 : memref<!tpu.dma_semaphore, #tpu.memory_space<semaphore_mem>>) src(%dma_wait3A_96 : memref<10000x128xf32, #tpu.memory_space<hbm>>) dst(%arg15 : memref<128x128xf32, #tpu.memory_space<vmem>>)
          %mul3A_97 = arith.constant 128 : i32
          %mul3A_98 = arith.muli %add3A_86, %mul3A_97 : i32
          "tpu.region"() ({
            %run_scoped3A = tpu.sem_alloc : memref<!tpu.dma_semaphore, #tpu.memory_space<semaphore_mem>>
            %dma_start3A_106 = tpu.memref_slice %arg10[%mul3A_98] : memref<4992xi32, #tpu.memory_space<vmem>> -> memref<128xi32, #tpu.memory_space<vmem>>
            %dma_start3A_107 = arith.constant 0 : i32
            %dma_start3A_108 = arith.constant 0 : i32
            %dma_start3A_109 = tpu.memref_slice %arg16[%dma_start3A_107, %dma_start3A_108] : memref<10000x128xf32, #tpu.memory_space<vmem_shared>> -> memref<10000x128xf32, #tpu.memory_space<vmem_shared>>
            tpu.enqueue_indirect_dma source(%arg15 : memref<128x128xf32, #tpu.memory_space<vmem>>) target(%dma_start3A_109 : memref<10000x128xf32, #tpu.memory_space<vmem_shared>>) offsets(%dma_start3A_106 : memref<128xi32, #tpu.memory_space<vmem>>) semaphore(%run_scoped3A : memref<!tpu.dma_semaphore, #tpu.memory_space<semaphore_mem>>) {add = true}
            %dma_wait3A_110 = tpu.memref_slice %arg10[%mul3A_98] : memref<4992xi32, #tpu.memory_space<vmem>> -> memref<128xi32, #tpu.memory_space<vmem>>
            %dma_wait3A_111 = arith.constant 0 : i32
            %dma_wait3A_112 = arith.constant 0 : i32
            %dma_wait3A_113 = tpu.memref_slice %arg16[%dma_wait3A_111, %dma_wait3A_112] : memref<10000x128xf32, #tpu.memory_space<vmem_shared>> -> memref<10000x128xf32, #tpu.memory_space<vmem_shared>>
            tpu.wait_indirect_dma semaphore(%run_scoped3A : memref<!tpu.dma_semaphore, #tpu.memory_space<semaphore_mem>>) src(%arg15 : memref<128x128xf32, #tpu.memory_space<vmem>>) dst(%dma_wait3A_113 : memref<10000x128xf32, #tpu.memory_space<vmem_shared>>)
            tpu.yield
          }) : () -> ()
          %add3A_99 = arith.constant 2 : i32
          %add3A_100 = arith.addi %add3A_86, %add3A_99 : i32
          %lt3A_101 = arith.constant 39 : i32
          %lt3A_102 = arith.cmpi slt, %add3A_100, %lt3A_101 : i32
          %convert_element_type3A_103 = arith.extui %lt3A_102 : i1 to i32
          %cond3A_104 = arith.constant 0 : i32
          %cond3A_105 = arith.cmpi ne, %convert_element_type3A_103, %cond3A_104 : i32
          scf.if %cond3A_105 {
            %mul3A_106 = arith.constant 128 : i32
            %mul3A_107 = arith.muli %add3A_100, %mul3A_106 : i32
            %dma_start3A_108 = tpu.memref_slice %arg9[%mul3A_107] : memref<4992xi32, #tpu.memory_space<vmem>> -> memref<128xi32, #tpu.memory_space<vmem>>
            %dma_start3A_109 = arith.constant 0 : i32
            %dma_start3A_110 = arith.constant 0 : i32
            %dma_start3A_111 = tpu.memref_slice %arg5[%dma_start3A_109, %dma_start3A_110] : memref<10000x128xf32, #tpu.memory_space<hbm>> -> memref<10000x128xf32, #tpu.memory_space<hbm>>
            tpu.enqueue_indirect_dma source(%dma_start3A_111 : memref<10000x128xf32, #tpu.memory_space<hbm>>) target(%arg15 : memref<128x128xf32, #tpu.memory_space<vmem>>) offsets(%dma_start3A_108 : memref<128xi32, #tpu.memory_space<vmem>>) semaphore(%arg18 : memref<!tpu.dma_semaphore, #tpu.memory_space<semaphore_mem>>)
          } else {
          }
        } else {
        }
      }
      %scan3A_46 = arith.constant 20 : i32
      %add3A = arith.constant 4992 : i32
      %add3A_47 = arith.addi %mul3A_2, %add3A : i32
      "tpu.region"() ({
        %run_scoped3A = tpu.sem_alloc : memref<!tpu.dma_semaphore, #tpu.memory_space<semaphore_mem>>
        %dma_start3A_74 = tpu.memref_slice %arg2[%add3A_47] : memref<160000xi32, #tpu.memory_space<hbm>> -> memref<4992xi32, #tpu.memory_space<hbm>>
        %dma_start3A_75 = tpu.memref_slice %arg2[%add3A_47] : memref<160000xi32, #tpu.memory_space<hbm>> -> memref<4992xi32, #tpu.memory_space<hbm>>
        tpu.enqueue_dma source(%dma_start3A_75 : memref<4992xi32, #tpu.memory_space<hbm>>) target(%arg9 : memref<4992xi32, #tpu.memory_space<vmem>>) target_semaphore(%run_scoped3A : memref<!tpu.dma_semaphore, #tpu.memory_space<semaphore_mem>>)
        %dma_wait3A_76 = tpu.memref_slice %arg2[%add3A_47] : memref<160000xi32, #tpu.memory_space<hbm>> -> memref<4992xi32, #tpu.memory_space<hbm>>
        %dma_wait3A_77 = tpu.memref_slice %arg2[%add3A_47] : memref<160000xi32, #tpu.memory_space<hbm>> -> memref<4992xi32, #tpu.memory_space<hbm>>
        tpu.wait_dma2 semaphore(%run_scoped3A : memref<!tpu.dma_semaphore, #tpu.memory_space<semaphore_mem>>) src(%dma_wait3A_77 : memref<4992xi32, #tpu.memory_space<hbm>>) dst(%arg9 : memref<4992xi32, #tpu.memory_space<vmem>>)
        tpu.yield
      }) : () -> ()
      %add3A_48 = arith.constant 4992 : i32
      %add3A_49 = arith.addi %mul3A_2, %add3A_48 : i32
      "tpu.region"() ({
        %run_scoped3A = tpu.sem_alloc : memref<!tpu.dma_semaphore, #tpu.memory_space<semaphore_mem>>
        %dma_start3A_74 = tpu.memref_slice %arg3[%add3A_49] : memref<160000xi32, #tpu.memory_space<hbm>> -> memref<4992xi32, #tpu.memory_space<hbm>>
        %dma_start3A_75 = tpu.memref_slice %arg3[%add3A_49] : memref<160000xi32, #tpu.memory_space<hbm>> -> memref<4992xi32, #tpu.memory_space<hbm>>
        tpu.enqueue_dma source(%dma_start3A_75 : memref<4992xi32, #tpu.memory_space<hbm>>) target(%arg10 : memref<4992xi32, #tpu.memory_space<vmem>>) target_semaphore(%run_scoped3A : memref<!tpu.dma_semaphore, #tpu.memory_space<semaphore_mem>>)
        %dma_wait3A_76 = tpu.memref_slice %arg3[%add3A_49] : memref<160000xi32, #tpu.memory_space<hbm>> -> memref<4992xi32, #tpu.memory_space<hbm>>
        %dma_wait3A_77 = tpu.memref_slice %arg3[%add3A_49] : memref<160000xi32, #tpu.memory_space<hbm>> -> memref<4992xi32, #tpu.memory_space<hbm>>
        tpu.wait_dma2 semaphore(%run_scoped3A : memref<!tpu.dma_semaphore, #tpu.memory_space<semaphore_mem>>) src(%dma_wait3A_77 : memref<4992xi32, #tpu.memory_space<hbm>>) dst(%arg10 : memref<4992xi32, #tpu.memory_space<vmem>>)
        tpu.yield
      }) : () -> ()
      %dma_start3A_50 = arith.constant 0 : i32
      %dma_start3A_51 = tpu.memref_slice %arg9[%dma_start3A_50] : memref<4992xi32, #tpu.memory_space<vmem>> -> memref<128xi32, #tpu.memory_space<vmem>>
      %dma_start3A_52 = arith.constant 0 : i32
      %dma_start3A_53 = arith.constant 0 : i32
      %dma_start3A_54 = tpu.memref_slice %arg5[%dma_start3A_52, %dma_start3A_53] : memref<10000x128xf32, #tpu.memory_space<hbm>> -> memref<10000x128xf32, #tpu.memory_space<hbm>>
      tpu.enqueue_indirect_dma source(%dma_start3A_54 : memref<10000x128xf32, #tpu.memory_space<hbm>>) target(%arg14 : memref<128x128xf32, #tpu.memory_space<vmem>>) offsets(%dma_start3A_51 : memref<128xi32, #tpu.memory_space<vmem>>) semaphore(%arg17 : memref<!tpu.dma_semaphore, #tpu.memory_space<semaphore_mem>>)
      %dma_start3A_55 = arith.constant 128 : i32
      %dma_start3A_56 = tpu.memref_slice %arg9[%dma_start3A_55] : memref<4992xi32, #tpu.memory_space<vmem>> -> memref<128xi32, #tpu.memory_space<vmem>>
      %dma_start3A_57 = arith.constant 0 : i32
      %dma_start3A_58 = arith.constant 0 : i32
      %dma_start3A_59 = tpu.memref_slice %arg5[%dma_start3A_57, %dma_start3A_58] : memref<10000x128xf32, #tpu.memory_space<hbm>> -> memref<10000x128xf32, #tpu.memory_space<hbm>>
      tpu.enqueue_indirect_dma source(%dma_start3A_59 : memref<10000x128xf32, #tpu.memory_space<hbm>>) target(%arg15 : memref<128x128xf32, #tpu.memory_space<vmem>>) offsets(%dma_start3A_56 : memref<128xi32, #tpu.memory_space<vmem>>) semaphore(%arg18 : memref<!tpu.dma_semaphore, #tpu.memory_space<semaphore_mem>>)
      %scan3A_60 = arith.constant 0 : i32
      %scan3A_61 = arith.constant 0 : i32
      %scan3A_62 = arith.constant 20 : i32
      %scan3A_63 = arith.addi %scan3A_61, %scan3A_62 : i32
      %scan3A_64 = arith.constant 1 : i32
      scf.for %scan3A_74 = %scan3A_61 to %scan3A_63 step %scan3A_64  : i32 {
        %mul3A_75 = arith.constant 2 : i32
        %mul3A_76 = arith.muli %scan3A_74, %mul3A_75 : i32
        %add3A_77 = arith.constant 0 : i32
        %add3A_78 = arith.addi %mul3A_76, %add3A_77 : i32
        %lt3A = arith.constant 39 : i32
        %lt3A_79 = arith.cmpi slt, %add3A_78, %lt3A : i32
        %convert_element_type3A_80 = arith.extui %lt3A_79 : i1 to i32
        %cond3A_81 = arith.constant 0 : i32
        %cond3A_82 = arith.cmpi ne, %convert_element_type3A_80, %cond3A_81 : i32
        scf.if %cond3A_82 {
          %dma_wait3A_92 = arith.constant 0 : i32
          %dma_wait3A_93 = tpu.memref_slice %arg9[%dma_wait3A_92] : memref<4992xi32, #tpu.memory_space<vmem>> -> memref<128xi32, #tpu.memory_space<vmem>>
          %dma_wait3A_94 = arith.constant 0 : i32
          %dma_wait3A_95 = arith.constant 0 : i32
          %dma_wait3A_96 = tpu.memref_slice %arg5[%dma_wait3A_94, %dma_wait3A_95] : memref<10000x128xf32, #tpu.memory_space<hbm>> -> memref<10000x128xf32, #tpu.memory_space<hbm>>
          tpu.wait_indirect_dma semaphore(%arg17 : memref<!tpu.dma_semaphore, #tpu.memory_space<semaphore_mem>>) src(%dma_wait3A_96 : memref<10000x128xf32, #tpu.memory_space<hbm>>) dst(%arg14 : memref<128x128xf32, #tpu.memory_space<vmem>>)
          %mul3A_97 = arith.constant 128 : i32
          %mul3A_98 = arith.muli %add3A_78, %mul3A_97 : i32
          "tpu.region"() ({
            %run_scoped3A = tpu.sem_alloc : memref<!tpu.dma_semaphore, #tpu.memory_space<semaphore_mem>>
            %dma_start3A_106 = tpu.memref_slice %arg10[%mul3A_98] : memref<4992xi32, #tpu.memory_space<vmem>> -> memref<128xi32, #tpu.memory_space<vmem>>
            %dma_start3A_107 = arith.constant 0 : i32
            %dma_start3A_108 = arith.constant 0 : i32
            %dma_start3A_109 = tpu.memref_slice %arg16[%dma_start3A_107, %dma_start3A_108] : memref<10000x128xf32, #tpu.memory_space<vmem_shared>> -> memref<10000x128xf32, #tpu.memory_space<vmem_shared>>
            tpu.enqueue_indirect_dma source(%arg14 : memref<128x128xf32, #tpu.memory_space<vmem>>) target(%dma_start3A_109 : memref<10000x128xf32, #tpu.memory_space<vmem_shared>>) offsets(%dma_start3A_106 : memref<128xi32, #tpu.memory_space<vmem>>) semaphore(%run_scoped3A : memref<!tpu.dma_semaphore, #tpu.memory_space<semaphore_mem>>) {add = true}
            %dma_wait3A_110 = tpu.memref_slice %arg10[%mul3A_98] : memref<4992xi32, #tpu.memory_space<vmem>> -> memref<128xi32, #tpu.memory_space<vmem>>
            %dma_wait3A_111 = arith.constant 0 : i32
            %dma_wait3A_112 = arith.constant 0 : i32
            %dma_wait3A_113 = tpu.memref_slice %arg16[%dma_wait3A_111, %dma_wait3A_112] : memref<10000x128xf32, #tpu.memory_space<vmem_shared>> -> memref<10000x128xf32, #tpu.memory_space<vmem_shared>>
            tpu.wait_indirect_dma semaphore(%run_scoped3A : memref<!tpu.dma_semaphore, #tpu.memory_space<semaphore_mem>>) src(%arg14 : memref<128x128xf32, #tpu.memory_space<vmem>>) dst(%dma_wait3A_113 : memref<10000x128xf32, #tpu.memory_space<vmem_shared>>)
            tpu.yield
          }) : () -> ()
          %add3A_99 = arith.constant 2 : i32
          %add3A_100 = arith.addi %add3A_78, %add3A_99 : i32
          %lt3A_101 = arith.constant 39 : i32
          %lt3A_102 = arith.cmpi slt, %add3A_100, %lt3A_101 : i32
          %convert_element_type3A_103 = arith.extui %lt3A_102 : i1 to i32
          %cond3A_104 = arith.constant 0 : i32
          %cond3A_105 = arith.cmpi ne, %convert_element_type3A_103, %cond3A_104 : i32
          scf.if %cond3A_105 {
            %mul3A_106 = arith.constant 128 : i32
            %mul3A_107 = arith.muli %add3A_100, %mul3A_106 : i32
            %dma_start3A_108 = tpu.memref_slice %arg9[%mul3A_107] : memref<4992xi32, #tpu.memory_space<vmem>> -> memref<128xi32, #tpu.memory_space<vmem>>
            %dma_start3A_109 = arith.constant 0 : i32
            %dma_start3A_110 = arith.constant 0 : i32
            %dma_start3A_111 = tpu.memref_slice %arg5[%dma_start3A_109, %dma_start3A_110] : memref<10000x128xf32, #tpu.memory_space<hbm>> -> memref<10000x128xf32, #tpu.memory_space<hbm>>
            tpu.enqueue_indirect_dma source(%dma_start3A_111 : memref<10000x128xf32, #tpu.memory_space<hbm>>) target(%arg14 : memref<128x128xf32, #tpu.memory_space<vmem>>) offsets(%dma_start3A_108 : memref<128xi32, #tpu.memory_space<vmem>>) semaphore(%arg17 : memref<!tpu.dma_semaphore, #tpu.memory_space<semaphore_mem>>)
          } else {
          }
        } else {
        }
        %mul3A_83 = arith.constant 2 : i32
        %mul3A_84 = arith.muli %scan3A_74, %mul3A_83 : i32
        %add3A_85 = arith.constant 1 : i32
        %add3A_86 = arith.addi %mul3A_84, %add3A_85 : i32
        %lt3A_87 = arith.constant 39 : i32
        %lt3A_88 = arith.cmpi slt, %add3A_86, %lt3A_87 : i32
        %convert_element_type3A_89 = arith.extui %lt3A_88 : i1 to i32
        %cond3A_90 = arith.constant 0 : i32
        %cond3A_91 = arith.cmpi ne, %convert_element_type3A_89, %cond3A_90 : i32
        scf.if %cond3A_91 {
          %dma_wait3A_92 = arith.constant 0 : i32
          %dma_wait3A_93 = tpu.memref_slice %arg9[%dma_wait3A_92] : memref<4992xi32, #tpu.memory_space<vmem>> -> memref<128xi32, #tpu.memory_space<vmem>>
          %dma_wait3A_94 = arith.constant 0 : i32
          %dma_wait3A_95 = arith.constant 0 : i32
          %dma_wait3A_96 = tpu.memref_slice %arg5[%dma_wait3A_94, %dma_wait3A_95] : memref<10000x128xf32, #tpu.memory_space<hbm>> -> memref<10000x128xf32, #tpu.memory_space<hbm>>
          tpu.wait_indirect_dma semaphore(%arg18 : memref<!tpu.dma_semaphore, #tpu.memory_space<semaphore_mem>>) src(%dma_wait3A_96 : memref<10000x128xf32, #tpu.memory_space<hbm>>) dst(%arg15 : memref<128x128xf32, #tpu.memory_space<vmem>>)
          %mul3A_97 = arith.constant 128 : i32
          %mul3A_98 = arith.muli %add3A_86, %mul3A_97 : i32
          "tpu.region"() ({
            %run_scoped3A = tpu.sem_alloc : memref<!tpu.dma_semaphore, #tpu.memory_space<semaphore_mem>>
            %dma_start3A_106 = tpu.memref_slice %arg10[%mul3A_98] : memref<4992xi32, #tpu.memory_space<vmem>> -> memref<128xi32, #tpu.memory_space<vmem>>
            %dma_start3A_107 = arith.constant 0 : i32
            %dma_start3A_108 = arith.constant 0 : i32
            %dma_start3A_109 = tpu.memref_slice %arg16[%dma_start3A_107, %dma_start3A_108] : memref<10000x128xf32, #tpu.memory_space<vmem_shared>> -> memref<10000x128xf32, #tpu.memory_space<vmem_shared>>
            tpu.enqueue_indirect_dma source(%arg15 : memref<128x128xf32, #tpu.memory_space<vmem>>) target(%dma_start3A_109 : memref<10000x128xf32, #tpu.memory_space<vmem_shared>>) offsets(%dma_start3A_106 : memref<128xi32, #tpu.memory_space<vmem>>) semaphore(%run_scoped3A : memref<!tpu.dma_semaphore, #tpu.memory_space<semaphore_mem>>) {add = true}
            %dma_wait3A_110 = tpu.memref_slice %arg10[%mul3A_98] : memref<4992xi32, #tpu.memory_space<vmem>> -> memref<128xi32, #tpu.memory_space<vmem>>
            %dma_wait3A_111 = arith.constant 0 : i32
            %dma_wait3A_112 = arith.constant 0 : i32
            %dma_wait3A_113 = tpu.memref_slice %arg16[%dma_wait3A_111, %dma_wait3A_112] : memref<10000x128xf32, #tpu.memory_space<vmem_shared>> -> memref<10000x128xf32, #tpu.memory_space<vmem_shared>>
            tpu.wait_indirect_dma semaphore(%run_scoped3A : memref<!tpu.dma_semaphore, #tpu.memory_space<semaphore_mem>>) src(%arg15 : memref<128x128xf32, #tpu.memory_space<vmem>>) dst(%dma_wait3A_113 : memref<10000x128xf32, #tpu.memory_space<vmem_shared>>)
            tpu.yield
          }) : () -> ()
          %add3A_99 = arith.constant 2 : i32
          %add3A_100 = arith.addi %add3A_86, %add3A_99 : i32
          %lt3A_101 = arith.constant 39 : i32
          %lt3A_102 = arith.cmpi slt, %add3A_100, %lt3A_101 : i32
          %convert_element_type3A_103 = arith.extui %lt3A_102 : i1 to i32
          %cond3A_104 = arith.constant 0 : i32
          %cond3A_105 = arith.cmpi ne, %convert_element_type3A_103, %cond3A_104 : i32
          scf.if %cond3A_105 {
            %mul3A_106 = arith.constant 128 : i32
            %mul3A_107 = arith.muli %add3A_100, %mul3A_106 : i32
            %dma_start3A_108 = tpu.memref_slice %arg9[%mul3A_107] : memref<4992xi32, #tpu.memory_space<vmem>> -> memref<128xi32, #tpu.memory_space<vmem>>
            %dma_start3A_109 = arith.constant 0 : i32
            %dma_start3A_110 = arith.constant 0 : i32
            %dma_start3A_111 = tpu.memref_slice %arg5[%dma_start3A_109, %dma_start3A_110] : memref<10000x128xf32, #tpu.memory_space<hbm>> -> memref<10000x128xf32, #tpu.memory_space<hbm>>
            tpu.enqueue_indirect_dma source(%dma_start3A_111 : memref<10000x128xf32, #tpu.memory_space<hbm>>) target(%arg15 : memref<128x128xf32, #tpu.memory_space<vmem>>) offsets(%dma_start3A_108 : memref<128xi32, #tpu.memory_space<vmem>>) semaphore(%arg18 : memref<!tpu.dma_semaphore, #tpu.memory_space<semaphore_mem>>)
          } else {
          }
        } else {
        }
      }
      %scan3A_65 = arith.constant 20 : i32
      %add3A_66 = arith.constant 9984 : i32
      %add3A_67 = arith.addi %mul3A_2, %add3A_66 : i32
      "tpu.region"() ({
        %run_scoped3A = tpu.sem_alloc : memref<!tpu.dma_semaphore, #tpu.memory_space<semaphore_mem>>
        %dma_start3A_74 = tpu.memref_slice %arg2[%add3A_67] : memref<160000xi32, #tpu.memory_space<hbm>> -> memref<16xi32, #tpu.memory_space<hbm>>
        %dma_start3A_75 = tpu.memref_slice %arg2[%add3A_67] : memref<160000xi32, #tpu.memory_space<hbm>> -> memref<16xi32, #tpu.memory_space<hbm>>
        tpu.enqueue_dma source(%dma_start3A_75 : memref<16xi32, #tpu.memory_space<hbm>>) target(%arg11 : memref<16xi32, #tpu.memory_space<vmem>>) target_semaphore(%run_scoped3A : memref<!tpu.dma_semaphore, #tpu.memory_space<semaphore_mem>>)
        %dma_wait3A_76 = tpu.memref_slice %arg2[%add3A_67] : memref<160000xi32, #tpu.memory_space<hbm>> -> memref<16xi32, #tpu.memory_space<hbm>>
        %dma_wait3A_77 = tpu.memref_slice %arg2[%add3A_67] : memref<160000xi32, #tpu.memory_space<hbm>> -> memref<16xi32, #tpu.memory_space<hbm>>
        tpu.wait_dma2 semaphore(%run_scoped3A : memref<!tpu.dma_semaphore, #tpu.memory_space<semaphore_mem>>) src(%dma_wait3A_77 : memref<16xi32, #tpu.memory_space<hbm>>) dst(%arg11 : memref<16xi32, #tpu.memory_space<vmem>>)
        tpu.yield
      }) : () -> ()
      "tpu.region"() ({
        %run_scoped3A = tpu.sem_alloc : memref<!tpu.dma_semaphore, #tpu.memory_space<semaphore_mem>>
        %dma_start3A_74 = tpu.memref_slice %arg3[%add3A_67] : memref<160000xi32, #tpu.memory_space<hbm>> -> memref<16xi32, #tpu.memory_space<hbm>>
        %dma_start3A_75 = tpu.memref_slice %arg3[%add3A_67] : memref<160000xi32, #tpu.memory_space<hbm>> -> memref<16xi32, #tpu.memory_space<hbm>>
        tpu.enqueue_dma source(%dma_start3A_75 : memref<16xi32, #tpu.memory_space<hbm>>) target(%arg12 : memref<16xi32, #tpu.memory_space<vmem>>) target_semaphore(%run_scoped3A : memref<!tpu.dma_semaphore, #tpu.memory_space<semaphore_mem>>)
        %dma_wait3A_76 = tpu.memref_slice %arg3[%add3A_67] : memref<160000xi32, #tpu.memory_space<hbm>> -> memref<16xi32, #tpu.memory_space<hbm>>
        %dma_wait3A_77 = tpu.memref_slice %arg3[%add3A_67] : memref<160000xi32, #tpu.memory_space<hbm>> -> memref<16xi32, #tpu.memory_space<hbm>>
        tpu.wait_dma2 semaphore(%run_scoped3A : memref<!tpu.dma_semaphore, #tpu.memory_space<semaphore_mem>>) src(%dma_wait3A_77 : memref<16xi32, #tpu.memory_space<hbm>>) dst(%arg12 : memref<16xi32, #tpu.memory_space<vmem>>)
        tpu.yield
      }) : () -> ()
      %dma_start3A_68 = arith.constant 0 : i32
      %dma_start3A_69 = arith.constant 0 : i32
      %dma_start3A_70 = tpu.memref_slice %arg5[%dma_start3A_68, %dma_start3A_69] : memref<10000x128xf32, #tpu.memory_space<hbm>> -> memref<10000x128xf32, #tpu.memory_space<hbm>>
      tpu.enqueue_indirect_dma source(%dma_start3A_70 : memref<10000x128xf32, #tpu.memory_space<hbm>>) target(%arg13 : memref<16x128xf32, #tpu.memory_space<vmem>>) offsets(%arg11 : memref<16xi32, #tpu.memory_space<vmem>>) semaphore(%arg19 : memref<!tpu.dma_semaphore, #tpu.memory_space<semaphore_mem>>)
      %dma_wait3A_71 = arith.constant 0 : i32
      %dma_wait3A_72 = arith.constant 0 : i32
      %dma_wait3A_73 = tpu.memref_slice %arg5[%dma_wait3A_71, %dma_wait3A_72] : memref<10000x128xf32, #tpu.memory_space<hbm>> -> memref<10000x128xf32, #tpu.memory_space<hbm>>
      tpu.wait_indirect_dma semaphore(%arg19 : memref<!tpu.dma_semaphore, #tpu.memory_space<semaphore_mem>>) src(%dma_wait3A_73 : memref<10000x128xf32, #tpu.memory_space<hbm>>) dst(%arg13 : memref<16x128xf32, #tpu.memory_space<vmem>>)
      "tpu.region"() ({
        %run_scoped3A = tpu.sem_alloc : memref<!tpu.dma_semaphore, #tpu.memory_space<semaphore_mem>>
        %dma_start3A_74 = arith.constant 0 : i32
        %dma_start3A_75 = arith.constant 0 : i32
        %dma_start3A_76 = tpu.memref_slice %arg16[%dma_start3A_74, %dma_start3A_75] : memref<10000x128xf32, #tpu.memory_space<vmem_shared>> -> memref<10000x128xf32, #tpu.memory_space<vmem_shared>>
        tpu.enqueue_indirect_dma source(%arg13 : memref<16x128xf32, #tpu.memory_space<vmem>>) target(%dma_start3A_76 : memref<10000x128xf32, #tpu.memory_space<vmem_shared>>) offsets(%arg12 : memref<16xi32, #tpu.memory_space<vmem>>) semaphore(%run_scoped3A : memref<!tpu.dma_semaphore, #tpu.memory_space<semaphore_mem>>) {add = true}
        %dma_wait3A_77 = arith.constant 0 : i32
        %dma_wait3A_78 = arith.constant 0 : i32
        %dma_wait3A_79 = tpu.memref_slice %arg16[%dma_wait3A_77, %dma_wait3A_78] : memref<10000x128xf32, #tpu.memory_space<vmem_shared>> -> memref<10000x128xf32, #tpu.memory_space<vmem_shared>>
        tpu.wait_indirect_dma semaphore(%run_scoped3A : memref<!tpu.dma_semaphore, #tpu.memory_space<semaphore_mem>>) src(%arg13 : memref<16x128xf32, #tpu.memory_space<vmem>>) dst(%dma_wait3A_79 : memref<10000x128xf32, #tpu.memory_space<vmem_shared>>)
        tpu.yield
      }) : () -> ()
    } else {
    }
    %barrier3A_21 = arith.constant 0 : index
    tpu.barrier barrier_id(%barrier3A_21)
    %eq3A_22 = arith.constant 0 : i32
    %eq3A_23 = arith.cmpi eq, %arg0, %eq3A_22 : i32
    %convert_element_type3A_24 = arith.extui %eq3A_23 : i1 to i32
    %cond3A_25 = arith.constant 0 : i32
    %cond3A_26 = arith.cmpi ne, %convert_element_type3A_24, %cond3A_25 : i32
    scf.if %cond3A_26 {
      "tpu.region"() ({
        %run_scoped3A = tpu.sem_alloc : memref<!tpu.dma_semaphore, #tpu.memory_space<semaphore_mem>>
        %dma_start3A_37 = arith.constant 0 : i32
        %dma_start3A_38 = tpu.memref_slice %arg7[%mul3A_0, %dma_start3A_37] : memref<10000x128xf32, #tpu.memory_space<hbm>> -> memref<624x128xf32, #tpu.memory_space<hbm>>
        %dma_start3A_39 = arith.constant 0 : i32
        %dma_start3A_40 = tpu.memref_slice %arg16[%mul3A_0, %dma_start3A_39] : memref<10000x128xf32, #tpu.memory_space<vmem_shared>> -> memref<624x128xf32, #tpu.memory_space<vmem_shared>>
        tpu.enqueue_dma source(%dma_start3A_40 : memref<624x128xf32, #tpu.memory_space<vmem_shared>>) target(%dma_start3A_38 : memref<624x128xf32, #tpu.memory_space<hbm>>) target_semaphore(%run_scoped3A : memref<!tpu.dma_semaphore, #tpu.memory_space<semaphore_mem>>)
        %dma_wait3A_41 = arith.constant 0 : i32
        %dma_wait3A_42 = tpu.memref_slice %arg7[%mul3A_0, %dma_wait3A_41] : memref<10000x128xf32, #tpu.memory_space<hbm>> -> memref<624x128xf32, #tpu.memory_space<hbm>>
        %dma_wait3A_43 = arith.constant 0 : i32
        %dma_wait3A_44 = tpu.memref_slice %arg16[%mul3A_0, %dma_wait3A_43] : memref<10000x128xf32, #tpu.memory_space<vmem_shared>> -> memref<624x128xf32, #tpu.memory_space<vmem_shared>>
        tpu.wait_dma2 semaphore(%run_scoped3A : memref<!tpu.dma_semaphore, #tpu.memory_space<semaphore_mem>>) src(%dma_wait3A_44 : memref<624x128xf32, #tpu.memory_space<vmem_shared>>) dst(%dma_wait3A_42 : memref<624x128xf32, #tpu.memory_space<hbm>>)
        tpu.yield
      }) : () -> ()
      %eq3A_32 = arith.constant 15 : i32
      %eq3A_33 = arith.cmpi eq, %arg1, %eq3A_32 : i32
      %convert_element_type3A_34 = arith.extui %eq3A_33 : i1 to i32
      %cond3A_35 = arith.constant 0 : i32
      %cond3A_36 = arith.cmpi ne, %convert_element_type3A_34, %cond3A_35 : i32
      scf.if %cond3A_36 {
        "tpu.region"() ({
          %run_scoped3A = tpu.sem_alloc : memref<!tpu.dma_semaphore, #tpu.memory_space<semaphore_mem>>
          %dma_start3A_37 = arith.constant 9984 : i32
          %dma_start3A_38 = arith.constant 0 : i32
          %dma_start3A_39 = tpu.memref_slice %arg7[%dma_start3A_37, %dma_start3A_38] : memref<10000x128xf32, #tpu.memory_space<hbm>> -> memref<16x128xf32, #tpu.memory_space<hbm>>
          %dma_start3A_40 = arith.constant 9984 : i32
          %dma_start3A_41 = arith.constant 0 : i32
          %dma_start3A_42 = tpu.memref_slice %arg16[%dma_start3A_40, %dma_start3A_41] : memref<10000x128xf32, #tpu.memory_space<vmem_shared>> -> memref<16x128xf32, #tpu.memory_space<vmem_shared>>
          tpu.enqueue_dma source(%dma_start3A_42 : memref<16x128xf32, #tpu.memory_space<vmem_shared>>) target(%dma_start3A_39 : memref<16x128xf32, #tpu.memory_space<hbm>>) target_semaphore(%run_scoped3A : memref<!tpu.dma_semaphore, #tpu.memory_space<semaphore_mem>>)
          %dma_wait3A_43 = arith.constant 9984 : i32
          %dma_wait3A_44 = arith.constant 0 : i32
          %dma_wait3A_45 = tpu.memref_slice %arg7[%dma_wait3A_43, %dma_wait3A_44] : memref<10000x128xf32, #tpu.memory_space<hbm>> -> memref<16x128xf32, #tpu.memory_space<hbm>>
          %dma_wait3A_46 = arith.constant 9984 : i32
          %dma_wait3A_47 = arith.constant 0 : i32
          %dma_wait3A_48 = tpu.memref_slice %arg16[%dma_wait3A_46, %dma_wait3A_47] : memref<10000x128xf32, #tpu.memory_space<vmem_shared>> -> memref<16x128xf32, #tpu.memory_space<vmem_shared>>
          tpu.wait_dma2 semaphore(%run_scoped3A : memref<!tpu.dma_semaphore, #tpu.memory_space<semaphore_mem>>) src(%dma_wait3A_48 : memref<16x128xf32, #tpu.memory_space<vmem_shared>>) dst(%dma_wait3A_45 : memref<16x128xf32, #tpu.memory_space<hbm>>)
          tpu.yield
        }) : () -> ()
      } else {
      }
    } else {
    }
    %eq3A_27 = arith.constant 1 : i32
    %eq3A_28 = arith.cmpi eq, %arg0, %eq3A_27 : i32
    %convert_element_type3A_29 = arith.extui %eq3A_28 : i1 to i32
    %cond3A_30 = arith.constant 0 : i32
    %cond3A_31 = arith.cmpi ne, %convert_element_type3A_29, %cond3A_30 : i32
    scf.if %cond3A_31 {
      "tpu.region"() ({
        %run_scoped3A = tpu.sem_alloc : memref<!tpu.dma_semaphore, #tpu.memory_space<semaphore_mem>>
        %dma_start3A_37 = arith.constant 0 : i32
        %dma_start3A_38 = tpu.memref_slice %arg8[%mul3A_0, %dma_start3A_37] : memref<10000x128xf32, #tpu.memory_space<hbm>> -> memref<624x128xf32, #tpu.memory_space<hbm>>
        %dma_start3A_39 = arith.constant 0 : i32
        %dma_start3A_40 = tpu.memref_slice %arg16[%mul3A_0, %dma_start3A_39] : memref<10000x128xf32, #tpu.memory_space<vmem_shared>> -> memref<624x128xf32, #tpu.memory_space<vmem_shared>>
        tpu.enqueue_dma source(%dma_start3A_40 : memref<624x128xf32, #tpu.memory_space<vmem_shared>>) target(%dma_start3A_38 : memref<624x128xf32, #tpu.memory_space<hbm>>) target_semaphore(%run_scoped3A : memref<!tpu.dma_semaphore, #tpu.memory_space<semaphore_mem>>)
        %dma_wait3A_41 = arith.constant 0 : i32
        %dma_wait3A_42 = tpu.memref_slice %arg8[%mul3A_0, %dma_wait3A_41] : memref<10000x128xf32, #tpu.memory_space<hbm>> -> memref<624x128xf32, #tpu.memory_space<hbm>>
        %dma_wait3A_43 = arith.constant 0 : i32
        %dma_wait3A_44 = tpu.memref_slice %arg16[%mul3A_0, %dma_wait3A_43] : memref<10000x128xf32, #tpu.memory_space<vmem_shared>> -> memref<624x128xf32, #tpu.memory_space<vmem_shared>>
        tpu.wait_dma2 semaphore(%run_scoped3A : memref<!tpu.dma_semaphore, #tpu.memory_space<semaphore_mem>>) src(%dma_wait3A_44 : memref<624x128xf32, #tpu.memory_space<vmem_shared>>) dst(%dma_wait3A_42 : memref<624x128xf32, #tpu.memory_space<hbm>>)
        tpu.yield
      }) : () -> ()
      %eq3A_32 = arith.constant 15 : i32
      %eq3A_33 = arith.cmpi eq, %arg1, %eq3A_32 : i32
      %convert_element_type3A_34 = arith.extui %eq3A_33 : i1 to i32
      %cond3A_35 = arith.constant 0 : i32
      %cond3A_36 = arith.cmpi ne, %convert_element_type3A_34, %cond3A_35 : i32
      scf.if %cond3A_36 {
        "tpu.region"() ({
          %run_scoped3A = tpu.sem_alloc : memref<!tpu.dma_semaphore, #tpu.memory_space<semaphore_mem>>
          %dma_start3A_37 = arith.constant 9984 : i32
          %dma_start3A_38 = arith.constant 0 : i32
          %dma_start3A_39 = tpu.memref_slice %arg8[%dma_start3A_37, %dma_start3A_38] : memref<10000x128xf32, #tpu.memory_space<hbm>> -> memref<16x128xf32, #tpu.memory_space<hbm>>
          %dma_start3A_40 = arith.constant 9984 : i32
          %dma_start3A_41 = arith.constant 0 : i32
          %dma_start3A_42 = tpu.memref_slice %arg16[%dma_start3A_40, %dma_start3A_41] : memref<10000x128xf32, #tpu.memory_space<vmem_shared>> -> memref<16x128xf32, #tpu.memory_space<vmem_shared>>
          tpu.enqueue_dma source(%dma_start3A_42 : memref<16x128xf32, #tpu.memory_space<vmem_shared>>) target(%dma_start3A_39 : memref<16x128xf32, #tpu.memory_space<hbm>>) target_semaphore(%run_scoped3A : memref<!tpu.dma_semaphore, #tpu.memory_space<semaphore_mem>>)
          %dma_wait3A_43 = arith.constant 9984 : i32
          %dma_wait3A_44 = arith.constant 0 : i32
          %dma_wait3A_45 = tpu.memref_slice %arg8[%dma_wait3A_43, %dma_wait3A_44] : memref<10000x128xf32, #tpu.memory_space<hbm>> -> memref<16x128xf32, #tpu.memory_space<hbm>>
          %dma_wait3A_46 = arith.constant 9984 : i32
          %dma_wait3A_47 = arith.constant 0 : i32
          %dma_wait3A_48 = tpu.memref_slice %arg16[%dma_wait3A_46, %dma_wait3A_47] : memref<10000x128xf32, #tpu.memory_space<vmem_shared>> -> memref<16x128xf32, #tpu.memory_space<vmem_shared>>
          tpu.wait_dma2 semaphore(%run_scoped3A : memref<!tpu.dma_semaphore, #tpu.memory_space<semaphore_mem>>) src(%dma_wait3A_48 : memref<16x128xf32, #tpu.memory_space<vmem_shared>>) dst(%dma_wait3A_45 : memref<16x128xf32, #tpu.memory_space<hbm>>)
          tpu.yield
        }) : () -> ()
      } else {
      }
    } else {
    }
    return
  }
}

module attributes {stable_mosaic.version = 14 : i64} {
  func.func @_mm_body(%arg0: i32, %arg1: memref<1000x256xf32, #tpu.memory_space<vmem>>, %arg2: memref<256x256xf32, #tpu.memory_space<vmem>>, %arg3: memref<1000x256xf32, #tpu.memory_space<vmem>>) attributes {dimension_semantics = [#tpu.dimension_semantics<arbitrary>], iteration_bounds = array<i64: 10>, scalar_prefetch = 0 : i64, scratch_operands = 0 : i64, tpu.core_type = #tpu.core_type<tc>, window_params = [{transform_indices = @transform_0, window_bounds = array<i64: 1000, 256>}, {pipeline_mode = #tpu.pipeline_mode<synchronous>, transform_indices = @transform_1, window_bounds = array<i64: 256, 256>}, {transform_indices = @transform_2, window_bounds = array<i64: 1000, 256>}]} {
    %get3A = arith.constant 0 : index
    %get3A_0 = arith.constant 0 : index
    %get3A_1 = vector.load %arg1[%get3A, %get3A_0] : memref<1000x256xf32, #tpu.memory_space<vmem>>, vector<1000x256xf32>
    %get3A_2 = arith.constant 0 : index
    %get3A_3 = arith.constant 0 : index
    %get3A_4 = vector.load %arg2[%get3A_2, %get3A_3] : memref<256x256xf32, #tpu.memory_space<vmem>>, vector<256x256xf32>
    %dot_general3A = arith.constant dense<0.000000e+00> : vector<1000x256xf32>
    %dot_general3A_5 = tpu.matmul %get3A_1, %get3A_4, %dot_general3A {dimension_numbers = #tpu.dot_dimension_numbers<[1], [1], [0], [0], [0, 0, 1, 0], [], []>, transpose_lhs_hint = false} : vector<1000x256xf32>, vector<256x256xf32>, vector<1000x256xf32> -> vector<1000x256xf32>
    %swap3A = arith.constant 0 : index
    %swap3A_6 = arith.constant 0 : index
    %swap3A_7 = vector.load %arg3[%swap3A, %swap3A_6] : memref<1000x256xf32, #tpu.memory_space<vmem>>, vector<1000x256xf32>
    tpu.vector_store %arg3[%swap3A, %swap3A_6], %dot_general3A_5 {strides = array<i32>} : memref<1000x256xf32, #tpu.memory_space<vmem>>, vector<1000x256xf32>,
    return
  }
  func.func @transform_0(%arg0: i32) -> (i32, i32) {
    %c0_i32 = arith.constant 0 : i32
    %c0_i32_0 = arith.constant 0 : i32
    return %arg0, %c0_i32 : i32, i32
  }
  func.func @transform_1(%arg0: i32) -> (i32, i32) {
    %c0_i32 = arith.constant 0 : i32
    %c0_i32_0 = arith.constant 0 : i32
    %c0_i32_1 = arith.constant 0 : i32
    return %c0_i32, %c0_i32_0 : i32, i32
  }
  func.func @transform_2(%arg0: i32) -> (i32, i32) {
    %c0_i32 = arith.constant 0 : i32
    %c0_i32_0 = arith.constant 0 : i32
    return %arg0, %c0_i32 : i32, i32
  }
}

module attributes {stable_mosaic.version = 14 : i64} {
  func.func @_tc1b_body(%arg0: i32, %arg1: memref<1000x256xf32, #tpu.memory_space<vmem>>, %arg2: memref<1000x128xf32, #tpu.memory_space<vmem>>, %arg3: memref<1000x128xf32, #tpu.memory_space<vmem>>, %arg4: memref<1000x128xf32, #tpu.memory_space<vmem>>, %arg5: memref<1000x128xf32, #tpu.memory_space<vmem>>) attributes {dimension_semantics = [#tpu.dimension_semantics<arbitrary>], iteration_bounds = array<i64: 10>, scalar_prefetch = 0 : i64, scratch_operands = 0 : i64, tpu.core_type = #tpu.core_type<tc>, window_params = [{transform_indices = @transform_0, window_bounds = array<i64: 1000, 256>}, {transform_indices = @transform_1, window_bounds = array<i64: 1000, 128>}, {transform_indices = @transform_2, window_bounds = array<i64: 1000, 128>}, {transform_indices = @transform_3, window_bounds = array<i64: 1000, 128>}, {transform_indices = @transform_4, window_bounds = array<i64: 1000, 128>}]} {
    %get3A = arith.constant 0 : index
    %get3A_0 = arith.constant 0 : index
    %get3A_1 = vector.load %arg2[%get3A, %get3A_0] : memref<1000x128xf32, #tpu.memory_space<vmem>>, vector<1000x128xf32>
    %get3A_2 = arith.constant 0 : index
    %get3A_3 = arith.constant 0 : index
    %get3A_4 = vector.load %arg3[%get3A_2, %get3A_3] : memref<1000x128xf32, #tpu.memory_space<vmem>>, vector<1000x128xf32>
    %slice3A = vector.extract_strided_slice %get3A_1 {offsets = [0, 0], sizes = [1000, 1], strides = [1, 1]} : vector<1000x128xf32> to vector<1000x1xf32>
    %slice3A_5 = vector.extract_strided_slice %get3A_4 {offsets = [0, 0], sizes = [1000, 1], strides = [1, 1]} : vector<1000x128xf32> to vector<1000x1xf32>
    %add3A = arith.addf %slice3A, %slice3A_5 : vector<1000x1xf32>
    %add3A_6 = arith.constant 1.000000e+00 : f32
    %add3A_7 = vector.broadcast %add3A_6 : f32 to vector<1000x1xf32>
    %add3A_8 = arith.addf %add3A, %add3A_7 : vector<1000x1xf32>
    %rsqrt3A = math.rsqrt %add3A_8 : vector<1000x1xf32>
    %get3A_9 = arith.constant 0 : index
    %get3A_10 = arith.constant 0 : index
    %get3A_11 = vector.load %arg1[%get3A_9, %get3A_10] : memref<1000x256xf32, #tpu.memory_space<vmem>>, vector<1000x256xf32>
    %mul3A = vector.broadcast %rsqrt3A : vector<1000x1xf32> to vector<1000x256xf32>
    %mul3A_12 = arith.mulf %get3A_11, %mul3A : vector<1000x256xf32>
    %slice3A_13 = vector.extract_strided_slice %mul3A_12 {offsets = [0, 0], sizes = [1000, 128], strides = [1, 1]} : vector<1000x256xf32> to vector<1000x128xf32>
    %swap3A = arith.constant 0 : index
    %swap3A_14 = arith.constant 0 : index
    %swap3A_15 = vector.load %arg4[%swap3A, %swap3A_14] : memref<1000x128xf32, #tpu.memory_space<vmem>>, vector<1000x128xf32>
    tpu.vector_store %arg4[%swap3A, %swap3A_14], %slice3A_13 {strides = array<i32>} : memref<1000x128xf32, #tpu.memory_space<vmem>>, vector<1000x128xf32>,
    %slice3A_16 = vector.extract_strided_slice %mul3A_12 {offsets = [0, 128], sizes = [1000, 128], strides = [1, 1]} : vector<1000x256xf32> to vector<1000x128xf32>
    %swap3A_17 = arith.constant 0 : index
    %swap3A_18 = arith.constant 0 : index
    %swap3A_19 = vector.load %arg5[%swap3A_17, %swap3A_18] : memref<1000x128xf32, #tpu.memory_space<vmem>>, vector<1000x128xf32>
    tpu.vector_store %arg5[%swap3A_17, %swap3A_18], %slice3A_16 {strides = array<i32>} : memref<1000x128xf32, #tpu.memory_space<vmem>>, vector<1000x128xf32>,
    return
  }
  func.func @transform_0(%arg0: i32) -> (i32, i32) {
    %c0_i32 = arith.constant 0 : i32
    %c0_i32_0 = arith.constant 0 : i32
    return %arg0, %c0_i32 : i32, i32
  }
  func.func @transform_1(%arg0: i32) -> (i32, i32) {
    %c0_i32 = arith.constant 0 : i32
    %c0_i32_0 = arith.constant 0 : i32
    return %arg0, %c0_i32 : i32, i32
  }
  func.func @transform_2(%arg0: i32) -> (i32, i32) {
    %c0_i32 = arith.constant 0 : i32
    %c0_i32_0 = arith.constant 0 : i32
    return %arg0, %c0_i32 : i32, i32
  }
  func.func @transform_3(%arg0: i32) -> (i32, i32) {
    %c0_i32 = arith.constant 0 : i32
    %c0_i32_0 = arith.constant 0 : i32
    return %arg0, %c0_i32 : i32, i32
  }
  func.func @transform_4(%arg0: i32) -> (i32, i32) {
    %c0_i32 = arith.constant 0 : i32
    %c0_i32_0 = arith.constant 0 : i32
    return %arg0, %c0_i32 : i32, i32
  }
}

module attributes {stable_mosaic.version = 14 : i64} {
  func.func @_gate_body(%arg0: i32, %arg1: memref<1000x256xf32, #tpu.memory_space<vmem>>, %arg2: memref<256x256xf32, #tpu.memory_space<vmem>>, %arg3: memref<1x256xf32, #tpu.memory_space<vmem>>, %arg4: memref<1000x256xf32, #tpu.memory_space<vmem>>) attributes {dimension_semantics = [#tpu.dimension_semantics<arbitrary>], iteration_bounds = array<i64: 10>, scalar_prefetch = 0 : i64, scratch_operands = 0 : i64, tpu.core_type = #tpu.core_type<tc>, window_params = [{transform_indices = @transform_0, window_bounds = array<i64: 1000, 256>}, {pipeline_mode = #tpu.pipeline_mode<synchronous>, transform_indices = @transform_1, window_bounds = array<i64: 256, 256>}, {pipeline_mode = #tpu.pipeline_mode<synchronous>, transform_indices = @transform_2, window_bounds = array<i64: 1, 256>}, {transform_indices = @transform_3, window_bounds = array<i64: 1000, 256>}]} {
    %get3A = arith.constant 0 : index
    %get3A_0 = arith.constant 0 : index
    %get3A_1 = vector.load %arg1[%get3A, %get3A_0] : memref<1000x256xf32, #tpu.memory_space<vmem>>, vector<1000x256xf32>
    %get3A_2 = arith.constant 0 : index
    %get3A_3 = arith.constant 0 : index
    %get3A_4 = vector.load %arg2[%get3A_2, %get3A_3] : memref<256x256xf32, #tpu.memory_space<vmem>>, vector<256x256xf32>
    %dot_general3A = arith.constant dense<0.000000e+00> : vector<1000x256xf32>
    %dot_general3A_5 = tpu.matmul %get3A_1, %get3A_4, %dot_general3A {dimension_numbers = #tpu.dot_dimension_numbers<[1], [1], [0], [0], [0, 0, 1, 0], [], []>, transpose_lhs_hint = false} : vector<1000x256xf32>, vector<256x256xf32>, vector<1000x256xf32> -> vector<1000x256xf32>
    %get3A_6 = arith.constant 0 : index
    %get3A_7 = arith.constant 0 : index
    %get3A_8 = vector.load %arg3[%get3A_6, %get3A_7] : memref<1x256xf32, #tpu.memory_space<vmem>>, vector<1x256xf32>
    %add3A = vector.broadcast %get3A_8 : vector<1x256xf32> to vector<1000x256xf32>
    %add3A_9 = arith.addf %dot_general3A_5, %add3A : vector<1000x256xf32>
    %logistic3A = arith.negf %add3A_9 : vector<1000x256xf32>
    %logistic3A_10 = math.exp %logistic3A : vector<1000x256xf32>
    %logistic3A_11 = arith.constant 1.000000e+00 : f32
    %logistic3A_12 = vector.broadcast %logistic3A_11 : f32 to vector<1000x256xf32>
    %logistic3A_13 = arith.addf %logistic3A_12, %logistic3A_10 : vector<1000x256xf32>
    %logistic3A_14 = arith.divf %logistic3A_12, %logistic3A_13 : vector<1000x256xf32>
    %swap3A = arith.constant 0 : index
    %swap3A_15 = arith.constant 0 : index
    %swap3A_16 = vector.load %arg4[%swap3A, %swap3A_15] : memref<1000x256xf32, #tpu.memory_space<vmem>>, vector<1000x256xf32>
    tpu.vector_store %arg4[%swap3A, %swap3A_15], %logistic3A_14 {strides = array<i32>} : memref<1000x256xf32, #tpu.memory_space<vmem>>, vector<1000x256xf32>,
    return
  }
  func.func @transform_0(%arg0: i32) -> (i32, i32) {
    %c0_i32 = arith.constant 0 : i32
    %c0_i32_0 = arith.constant 0 : i32
    return %arg0, %c0_i32 : i32, i32
  }
  func.func @transform_1(%arg0: i32) -> (i32, i32) {
    %c0_i32 = arith.constant 0 : i32
    %c0_i32_0 = arith.constant 0 : i32
    %c0_i32_1 = arith.constant 0 : i32
    return %c0_i32, %c0_i32_0 : i32, i32
  }
  func.func @transform_2(%arg0: i32) -> (i32, i32) {
    %c0_i32 = arith.constant 0 : i32
    %c0_i32_0 = arith.constant 0 : i32
    %c0_i32_1 = arith.constant 0 : i32
    return %c0_i32, %c0_i32_0 : i32, i32
  }
  func.func @transform_3(%arg0: i32) -> (i32, i32) {
    %c0_i32 = arith.constant 0 : i32
    %c0_i32_0 = arith.constant 0 : i32
    return %arg0, %c0_i32 : i32, i32
  }
}

module attributes {stable_mosaic.version = 14 : i64} {
  func.func @_tc2a_body(%arg0: i32, %arg1: memref<1000x256xf32, #tpu.memory_space<vmem>>, %arg2: memref<1000x256xf32, #tpu.memory_space<vmem>>, %arg3: memref<1000x128xf32, #tpu.memory_space<vmem>>, %arg4: memref<1000x128xf32, #tpu.memory_space<vmem>>, %arg5: memref<1000x128xf32, #tpu.memory_space<vmem>>, %arg6: memref<1000x128xf32, #tpu.memory_space<vmem>>, %arg7: memref<1x256xf32, #tpu.memory_space<vmem>>, %arg8: memref<1000x128xf32, #tpu.memory_space<vmem>>, %arg9: memref<1000x128xf32, #tpu.memory_space<vmem>>, %arg10: memref<256x256xf32, #tpu.memory_space<vmem>>, %arg11: memref<1000x256xf32, #tpu.memory_space<vmem>>, %arg12: memref<1000x128xf32, #tpu.memory_space<vmem>>, %arg13: memref<1000x128xf32, #tpu.memory_space<vmem>>) attributes {dimension_semantics = [#tpu.dimension_semantics<arbitrary>], iteration_bounds = array<i64: 10>, scalar_prefetch = 0 : i64, scratch_operands = 0 : i64, tpu.core_type = #tpu.core_type<tc>, window_params = [{transform_indices = @transform_0, window_bounds = array<i64: 1000, 256>}, {transform_indices = @transform_1, window_bounds = array<i64: 1000, 256>}, {transform_indices = @transform_2, window_bounds = array<i64: 1000, 128>}, {transform_indices = @transform_3, window_bounds = array<i64: 1000, 128>}, {transform_indices = @transform_4, window_bounds = array<i64: 1000, 128>}, {transform_indices = @transform_5, window_bounds = array<i64: 1000, 128>}, {pipeline_mode = #tpu.pipeline_mode<synchronous>, transform_indices = @transform_6, window_bounds = array<i64: 1, 256>}, {transform_indices = @transform_7, window_bounds = array<i64: 1000, 128>}, {transform_indices = @transform_8, window_bounds = array<i64: 1000, 128>}, {pipeline_mode = #tpu.pipeline_mode<synchronous>, transform_indices = @transform_9, window_bounds = array<i64: 256, 256>}, {transform_indices = @transform_10, window_bounds = array<i64: 1000, 256>}, {transform_indices = @transform_11, window_bounds = array<i64: 1000, 128>}, {transform_indices = @transform_12, window_bounds = array<i64: 1000, 128>}]} {
    %get3A = arith.constant 0 : index
    %get3A_0 = arith.constant 0 : index
    %get3A_1 = vector.load %arg1[%get3A, %get3A_0] : memref<1000x256xf32, #tpu.memory_space<vmem>>, vector<1000x256xf32>
    %get3A_2 = arith.constant 0 : index
    %get3A_3 = arith.constant 0 : index
    %get3A_4 = vector.load %arg8[%get3A_2, %get3A_3] : memref<1000x128xf32, #tpu.memory_space<vmem>>, vector<1000x128xf32>
    %get3A_5 = arith.constant 0 : index
    %get3A_6 = arith.constant 0 : index
    %get3A_7 = vector.load %arg9[%get3A_5, %get3A_6] : memref<1000x128xf32, #tpu.memory_space<vmem>>, vector<1000x128xf32>
    %slice3A = vector.extract_strided_slice %get3A_4 {offsets = [0, 0], sizes = [1000, 1], strides = [1, 1]} : vector<1000x128xf32> to vector<1000x1xf32>
    %slice3A_8 = vector.extract_strided_slice %get3A_7 {offsets = [0, 0], sizes = [1000, 1], strides = [1, 1]} : vector<1000x128xf32> to vector<1000x1xf32>
    %add3A = arith.addf %slice3A, %slice3A_8 : vector<1000x1xf32>
    %add3A_9 = arith.constant 1.000000e+00 : f32
    %add3A_10 = vector.broadcast %add3A_9 : f32 to vector<1000x1xf32>
    %add3A_11 = arith.addf %add3A, %add3A_10 : vector<1000x1xf32>
    %rsqrt3A = math.rsqrt %add3A_11 : vector<1000x1xf32>
    %get3A_12 = arith.constant 0 : index
    %get3A_13 = arith.constant 0 : index
    %get3A_14 = vector.load %arg3[%get3A_12, %get3A_13] : memref<1000x128xf32, #tpu.memory_space<vmem>>, vector<1000x128xf32>
    %get3A_15 = arith.constant 0 : index
    %get3A_16 = arith.constant 0 : index
    %get3A_17 = vector.load %arg4[%get3A_15, %get3A_16] : memref<1000x128xf32, #tpu.memory_space<vmem>>, vector<1000x128xf32>
    %concatenate3A = tpu.concatenate %get3A_14, %get3A_17 in 1 : vector<1000x128xf32>, vector<1000x128xf32> -> vector<1000x256xf32>
    %get3A_18 = arith.constant 0 : index
    %get3A_19 = arith.constant 0 : index
    %get3A_20 = vector.load %arg5[%get3A_18, %get3A_19] : memref<1000x128xf32, #tpu.memory_space<vmem>>, vector<1000x128xf32>
    %get3A_21 = arith.constant 0 : index
    %get3A_22 = arith.constant 0 : index
    %get3A_23 = vector.load %arg6[%get3A_21, %get3A_22] : memref<1000x128xf32, #tpu.memory_space<vmem>>, vector<1000x128xf32>
    %concatenate3A_24 = tpu.concatenate %get3A_20, %get3A_23 in 1 : vector<1000x128xf32>, vector<1000x128xf32> -> vector<1000x256xf32>
    %add3A_25 = arith.addf %concatenate3A, %concatenate3A_24 : vector<1000x256xf32>
    %mul3A = vector.broadcast %rsqrt3A : vector<1000x1xf32> to vector<1000x256xf32>
    %mul3A_26 = arith.mulf %mul3A, %add3A_25 : vector<1000x256xf32>
    %get3A_27 = arith.constant 0 : index
    %get3A_28 = arith.constant 0 : index
    %get3A_29 = vector.load %arg7[%get3A_27, %get3A_28] : memref<1x256xf32, #tpu.memory_space<vmem>>, vector<1x256xf32>
    %add3A_30 = vector.broadcast %get3A_29 : vector<1x256xf32> to vector<1000x256xf32>
    %add3A_31 = arith.addf %mul3A_26, %add3A_30 : vector<1000x256xf32>
    %get3A_32 = arith.constant 0 : index
    %get3A_33 = arith.constant 0 : index
    %get3A_34 = vector.load %arg2[%get3A_32, %get3A_33] : memref<1000x256xf32, #tpu.memory_space<vmem>>, vector<1000x256xf32>
    %sub3A = arith.constant 1.000000e+00 : f32
    %sub3A_35 = vector.broadcast %sub3A : f32 to vector<1000x256xf32>
    %sub3A_36 = arith.subf %sub3A_35, %get3A_34 : vector<1000x256xf32>
    %mul3A_37 = arith.mulf %sub3A_36, %get3A_1 : vector<1000x256xf32>
    %mul3A_38 = arith.mulf %get3A_34, %add3A_31 : vector<1000x256xf32>
    %add3A_39 = arith.addf %mul3A_37, %mul3A_38 : vector<1000x256xf32>
    %max3A = arith.constant 0.000000e+00 : f32
    %max3A_40 = vector.broadcast %max3A : f32 to vector<1000x256xf32>
    %max3A_41 = arith.maximumf %add3A_39, %max3A_40 : vector<1000x256xf32>
    %swap3A = arith.constant 0 : index
    %swap3A_42 = arith.constant 0 : index
    %swap3A_43 = vector.load %arg11[%swap3A, %swap3A_42] : memref<1000x256xf32, #tpu.memory_space<vmem>>, vector<1000x256xf32>
    tpu.vector_store %arg11[%swap3A, %swap3A_42], %max3A_41 {strides = array<i32>} : memref<1000x256xf32, #tpu.memory_space<vmem>>, vector<1000x256xf32>,
    %get3A_44 = arith.constant 0 : index
    %get3A_45 = arith.constant 0 : index
    %get3A_46 = vector.load %arg10[%get3A_44, %get3A_45] : memref<256x256xf32, #tpu.memory_space<vmem>>, vector<256x256xf32>
    %dot_general3A = arith.constant dense<0.000000e+00> : vector<1000x256xf32>
    %dot_general3A_47 = tpu.matmul %max3A_41, %get3A_46, %dot_general3A {dimension_numbers = #tpu.dot_dimension_numbers<[1], [1], [0], [0], [0, 0, 1, 0], [], []>, transpose_lhs_hint = false} : vector<1000x256xf32>, vector<256x256xf32>, vector<1000x256xf32> -> vector<1000x256xf32>
    %mul3A_48 = vector.broadcast %rsqrt3A : vector<1000x1xf32> to vector<1000x256xf32>
    %mul3A_49 = arith.mulf %dot_general3A_47, %mul3A_48 : vector<1000x256xf32>
    %slice3A_50 = vector.extract_strided_slice %mul3A_49 {offsets = [0, 0], sizes = [1000, 128], strides = [1, 1]} : vector<1000x256xf32> to vector<1000x128xf32>
    %swap3A_51 = arith.constant 0 : index
    %swap3A_52 = arith.constant 0 : index
    %swap3A_53 = vector.load %arg12[%swap3A_51, %swap3A_52] : memref<1000x128xf32, #tpu.memory_space<vmem>>, vector<1000x128xf32>
    tpu.vector_store %arg12[%swap3A_51, %swap3A_52], %slice3A_50 {strides = array<i32>} : memref<1000x128xf32, #tpu.memory_space<vmem>>, vector<1000x128xf32>,
    %slice3A_54 = vector.extract_strided_slice %mul3A_49 {offsets = [0, 128], sizes = [1000, 128], strides = [1, 1]} : vector<1000x256xf32> to vector<1000x128xf32>
    %swap3A_55 = arith.constant 0 : index
    %swap3A_56 = arith.constant 0 : index
    %swap3A_57 = vector.load %arg13[%swap3A_55, %swap3A_56] : memref<1000x128xf32, #tpu.memory_space<vmem>>, vector<1000x128xf32>
    tpu.vector_store %arg13[%swap3A_55, %swap3A_56], %slice3A_54 {strides = array<i32>} : memref<1000x128xf32, #tpu.memory_space<vmem>>, vector<1000x128xf32>,
    return
  }
  func.func @transform_0(%arg0: i32) -> (i32, i32) {
    %c0_i32 = arith.constant 0 : i32
    %c0_i32_0 = arith.constant 0 : i32
    return %arg0, %c0_i32 : i32, i32
  }
  func.func @transform_1(%arg0: i32) -> (i32, i32) {
    %c0_i32 = arith.constant 0 : i32
    %c0_i32_0 = arith.constant 0 : i32
    return %arg0, %c0_i32 : i32, i32
  }
  func.func @transform_2(%arg0: i32) -> (i32, i32) {
    %c0_i32 = arith.constant 0 : i32
    %c0_i32_0 = arith.constant 0 : i32
    return %arg0, %c0_i32 : i32, i32
  }
  func.func @transform_3(%arg0: i32) -> (i32, i32) {
    %c0_i32 = arith.constant 0 : i32
    %c0_i32_0 = arith.constant 0 : i32
    return %arg0, %c0_i32 : i32, i32
  }
  func.func @transform_4(%arg0: i32) -> (i32, i32) {
    %c0_i32 = arith.constant 0 : i32
    %c0_i32_0 = arith.constant 0 : i32
    return %arg0, %c0_i32 : i32, i32
  }
  func.func @transform_5(%arg0: i32) -> (i32, i32) {
    %c0_i32 = arith.constant 0 : i32
    %c0_i32_0 = arith.constant 0 : i32
    return %arg0, %c0_i32 : i32, i32
  }
  func.func @transform_6(%arg0: i32) -> (i32, i32) {
    %c0_i32 = arith.constant 0 : i32
    %c0_i32_0 = arith.constant 0 : i32
    %c0_i32_1 = arith.constant 0 : i32
    return %c0_i32, %c0_i32_0 : i32, i32
  }
  func.func @transform_7(%arg0: i32) -> (i32, i32) {
    %c0_i32 = arith.constant 0 : i32
    %c0_i32_0 = arith.constant 0 : i32
    return %arg0, %c0_i32 : i32, i32
  }
  func.func @transform_8(%arg0: i32) -> (i32, i32) {
    %c0_i32 = arith.constant 0 : i32
    %c0_i32_0 = arith.constant 0 : i32
    return %arg0, %c0_i32 : i32, i32
  }
  func.func @transform_9(%arg0: i32) -> (i32, i32) {
    %c0_i32 = arith.constant 0 : i32
    %c0_i32_0 = arith.constant 0 : i32
    %c0_i32_1 = arith.constant 0 : i32
    return %c0_i32, %c0_i32_0 : i32, i32
  }
  func.func @transform_10(%arg0: i32) -> (i32, i32) {
    %c0_i32 = arith.constant 0 : i32
    %c0_i32_0 = arith.constant 0 : i32
    return %arg0, %c0_i32 : i32, i32
  }
  func.func @transform_11(%arg0: i32) -> (i32, i32) {
    %c0_i32 = arith.constant 0 : i32
    %c0_i32_0 = arith.constant 0 : i32
    return %arg0, %c0_i32 : i32, i32
  }
  func.func @transform_12(%arg0: i32) -> (i32, i32) {
    %c0_i32 = arith.constant 0 : i32
    %c0_i32_0 = arith.constant 0 : i32
    return %arg0, %c0_i32 : i32, i32
  }
}

module attributes {stable_mosaic.version = 14 : i64} {
  func.func @_tc3_body(%arg0: i32, %arg1: memref<1000x256xf32, #tpu.memory_space<vmem>>, %arg2: memref<1000x256xf32, #tpu.memory_space<vmem>>, %arg3: memref<1000x128xf32, #tpu.memory_space<vmem>>, %arg4: memref<1000x128xf32, #tpu.memory_space<vmem>>, %arg5: memref<1000x128xf32, #tpu.memory_space<vmem>>, %arg6: memref<1000x128xf32, #tpu.memory_space<vmem>>, %arg7: memref<1x256xf32, #tpu.memory_space<vmem>>, %arg8: memref<1000x128xf32, #tpu.memory_space<vmem>>, %arg9: memref<1000x128xf32, #tpu.memory_space<vmem>>, %arg10: memref<1000x256xf32, #tpu.memory_space<vmem>>) attributes {dimension_semantics = [#tpu.dimension_semantics<arbitrary>], iteration_bounds = array<i64: 10>, scalar_prefetch = 0 : i64, scratch_operands = 0 : i64, tpu.core_type = #tpu.core_type<tc>, window_params = [{transform_indices = @transform_0, window_bounds = array<i64: 1000, 256>}, {transform_indices = @transform_1, window_bounds = array<i64: 1000, 256>}, {transform_indices = @transform_2, window_bounds = array<i64: 1000, 128>}, {transform_indices = @transform_3, window_bounds = array<i64: 1000, 128>}, {transform_indices = @transform_4, window_bounds = array<i64: 1000, 128>}, {transform_indices = @transform_5, window_bounds = array<i64: 1000, 128>}, {pipeline_mode = #tpu.pipeline_mode<synchronous>, transform_indices = @transform_6, window_bounds = array<i64: 1, 256>}, {transform_indices = @transform_7, window_bounds = array<i64: 1000, 128>}, {transform_indices = @transform_8, window_bounds = array<i64: 1000, 128>}, {transform_indices = @transform_9, window_bounds = array<i64: 1000, 256>}]} {
    %get3A = arith.constant 0 : index
    %get3A_0 = arith.constant 0 : index
    %get3A_1 = vector.load %arg1[%get3A, %get3A_0] : memref<1000x256xf32, #tpu.memory_space<vmem>>, vector<1000x256xf32>
    %get3A_2 = arith.constant 0 : index
    %get3A_3 = arith.constant 0 : index
    %get3A_4 = vector.load %arg8[%get3A_2, %get3A_3] : memref<1000x128xf32, #tpu.memory_space<vmem>>, vector<1000x128xf32>
    %get3A_5 = arith.constant 0 : index
    %get3A_6 = arith.constant 0 : index
    %get3A_7 = vector.load %arg9[%get3A_5, %get3A_6] : memref<1000x128xf32, #tpu.memory_space<vmem>>, vector<1000x128xf32>
    %slice3A = vector.extract_strided_slice %get3A_4 {offsets = [0, 0], sizes = [1000, 1], strides = [1, 1]} : vector<1000x128xf32> to vector<1000x1xf32>
    %slice3A_8 = vector.extract_strided_slice %get3A_7 {offsets = [0, 0], sizes = [1000, 1], strides = [1, 1]} : vector<1000x128xf32> to vector<1000x1xf32>
    %add3A = arith.addf %slice3A, %slice3A_8 : vector<1000x1xf32>
    %add3A_9 = arith.constant 1.000000e+00 : f32
    %add3A_10 = vector.broadcast %add3A_9 : f32 to vector<1000x1xf32>
    %add3A_11 = arith.addf %add3A, %add3A_10 : vector<1000x1xf32>
    %rsqrt3A = math.rsqrt %add3A_11 : vector<1000x1xf32>
    %get3A_12 = arith.constant 0 : index
    %get3A_13 = arith.constant 0 : index
    %get3A_14 = vector.load %arg3[%get3A_12, %get3A_13] : memref<1000x128xf32, #tpu.memory_space<vmem>>, vector<1000x128xf32>
    %get3A_15 = arith.constant 0 : index
    %get3A_16 = arith.constant 0 : index
    %get3A_17 = vector.load %arg4[%get3A_15, %get3A_16] : memref<1000x128xf32, #tpu.memory_space<vmem>>, vector<1000x128xf32>
    %concatenate3A = tpu.concatenate %get3A_14, %get3A_17 in 1 : vector<1000x128xf32>, vector<1000x128xf32> -> vector<1000x256xf32>
    %get3A_18 = arith.constant 0 : index
    %get3A_19 = arith.constant 0 : index
    %get3A_20 = vector.load %arg5[%get3A_18, %get3A_19] : memref<1000x128xf32, #tpu.memory_space<vmem>>, vector<1000x128xf32>
    %get3A_21 = arith.constant 0 : index
    %get3A_22 = arith.constant 0 : index
    %get3A_23 = vector.load %arg6[%get3A_21, %get3A_22] : memref<1000x128xf32, #tpu.memory_space<vmem>>, vector<1000x128xf32>
    %concatenate3A_24 = tpu.concatenate %get3A_20, %get3A_23 in 1 : vector<1000x128xf32>, vector<1000x128xf32> -> vector<1000x256xf32>
    %add3A_25 = arith.addf %concatenate3A, %concatenate3A_24 : vector<1000x256xf32>
    %mul3A = vector.broadcast %rsqrt3A : vector<1000x1xf32> to vector<1000x256xf32>
    %mul3A_26 = arith.mulf %mul3A, %add3A_25 : vector<1000x256xf32>
    %get3A_27 = arith.constant 0 : index
    %get3A_28 = arith.constant 0 : index
    %get3A_29 = vector.load %arg7[%get3A_27, %get3A_28] : memref<1x256xf32, #tpu.memory_space<vmem>>, vector<1x256xf32>
    %add3A_30 = vector.broadcast %get3A_29 : vector<1x256xf32> to vector<1000x256xf32>
    %add3A_31 = arith.addf %mul3A_26, %add3A_30 : vector<1000x256xf32>
    %get3A_32 = arith.constant 0 : index
    %get3A_33 = arith.constant 0 : index
    %get3A_34 = vector.load %arg2[%get3A_32, %get3A_33] : memref<1000x256xf32, #tpu.memory_space<vmem>>, vector<1000x256xf32>
    %sub3A = arith.constant 1.000000e+00 : f32
    %sub3A_35 = vector.broadcast %sub3A : f32 to vector<1000x256xf32>
    %sub3A_36 = arith.subf %sub3A_35, %get3A_34 : vector<1000x256xf32>
    %mul3A_37 = arith.mulf %sub3A_36, %get3A_1 : vector<1000x256xf32>
    %mul3A_38 = arith.mulf %get3A_34, %add3A_31 : vector<1000x256xf32>
    %add3A_39 = arith.addf %mul3A_37, %mul3A_38 : vector<1000x256xf32>
    %max3A = arith.constant 0.000000e+00 : f32
    %max3A_40 = vector.broadcast %max3A : f32 to vector<1000x256xf32>
    %max3A_41 = arith.maximumf %add3A_39, %max3A_40 : vector<1000x256xf32>
    %swap3A = arith.constant 0 : index
    %swap3A_42 = arith.constant 0 : index
    %swap3A_43 = vector.load %arg10[%swap3A, %swap3A_42] : memref<1000x256xf32, #tpu.memory_space<vmem>>, vector<1000x256xf32>
    tpu.vector_store %arg10[%swap3A, %swap3A_42], %max3A_41 {strides = array<i32>} : memref<1000x256xf32, #tpu.memory_space<vmem>>, vector<1000x256xf32>,
    return
  }
  func.func @transform_0(%arg0: i32) -> (i32, i32) {
    %c0_i32 = arith.constant 0 : i32
    %c0_i32_0 = arith.constant 0 : i32
    return %arg0, %c0_i32 : i32, i32
  }
  func.func @transform_1(%arg0: i32) -> (i32, i32) {
    %c0_i32 = arith.constant 0 : i32
    %c0_i32_0 = arith.constant 0 : i32
    return %arg0, %c0_i32 : i32, i32
  }
  func.func @transform_2(%arg0: i32) -> (i32, i32) {
    %c0_i32 = arith.constant 0 : i32
    %c0_i32_0 = arith.constant 0 : i32
    return %arg0, %c0_i32 : i32, i32
  }
  func.func @transform_3(%arg0: i32) -> (i32, i32) {
    %c0_i32 = arith.constant 0 : i32
    %c0_i32_0 = arith.constant 0 : i32
    return %arg0, %c0_i32 : i32, i32
  }
  func.func @transform_4(%arg0: i32) -> (i32, i32) {
    %c0_i32 = arith.constant 0 : i32
    %c0_i32_0 = arith.constant 0 : i32
    return %arg0, %c0_i32 : i32, i32
  }
  func.func @transform_5(%arg0: i32) -> (i32, i32) {
    %c0_i32 = arith.constant 0 : i32
    %c0_i32_0 = arith.constant 0 : i32
    return %arg0, %c0_i32 : i32, i32
  }
  func.func @transform_6(%arg0: i32) -> (i32, i32) {
    %c0_i32 = arith.constant 0 : i32
    %c0_i32_0 = arith.constant 0 : i32
    %c0_i32_1 = arith.constant 0 : i32
    return %c0_i32, %c0_i32_0 : i32, i32
  }
  func.func @transform_7(%arg0: i32) -> (i32, i32) {
    %c0_i32 = arith.constant 0 : i32
    %c0_i32_0 = arith.constant 0 : i32
    return %arg0, %c0_i32 : i32, i32
  }
  func.func @transform_8(%arg0: i32) -> (i32, i32) {
    %c0_i32 = arith.constant 0 : i32
    %c0_i32_0 = arith.constant 0 : i32
    return %arg0, %c0_i32 : i32, i32
  }
  func.func @transform_9(%arg0: i32) -> (i32, i32) {
    %c0_i32 = arith.constant 0 : i32
    %c0_i32_0 = arith.constant 0 : i32
    return %arg0, %c0_i32 : i32, i32
  }
}

</mosaic_0001>

<sc_bundles>
// kernel: kernel.11.cloned.1.call-start
scs
__scs_entry_jumppad:
0x0: {  	(pc) =	sbr.rel $0x88, $3  }
0x1: {  	(tag) =	ssettag $0x0;
	lr =	simm.s32 $0x1  }
0x2: {  	[smem:$0x3F97] =	sst lr;
	_ =	strace $0xD0000000  }
0x3: {  	_ = 	snop  }
0x4: {  	_ = 	snop  }
0x5: {  	_ = 	snop  }
0x6: {  	_ = 	snop  }
0x7: {  	_ = 	snop  }
__scs_overlays_trampoline_lowered:
0x8: {  	[smem:$0x3FA6] =	sst s0  }
0x9: {  	[smem:$0x3FA7] =	sst s1  }
0xa: {  	[smem:$0x3FA8] =	sst s2  }
0xb: {  	[smem:$0x3FA9] =	sst s3  }
0xc: {  	[smem:$0x3FAA] =	sst s4  }
0xd: {  	[smem:$0x3FAB] =	sst s5  }
0xe: {  	[smem:$0x3FAC] =	sst s6  }
0xf: {  	[smem:$0x3FAD] =	sst s7  }
0x10: {  	[smem:$0x3FAE] =	sst s8  }
0x11: {  	[smem:$0x3FAF] =	sst s9;
	s0 =	simm.s32 @!p0 $0x0  }
0x12: {  	s1 =	sld [smem:$0x3F95];
	s0 =	simm.s32 @p0 $0x1  }
0x13: {  	[smem:$0x3FB0] =	sst s0;
	s0 =	simm.s32 @!p1 $0x0  }
0x14: {  	s2 =	sld [smem:$0x3F94];
	s0 =	simm.s32 @p1 $0x1  }
0x15: {  	[smem:$0x3FB1] =	sst s0;
	s0 =	simm.s32 @!p2 $0x0  }
0x16: {  	s3 =	sld [smem:$0x3FDB];
	s0 =	simm.s32 @p2 $0x1  }
0x17: {  	s4 =	simm.s32 $0x1BF5;
	[smem:$0x3FB3] =	sst s0  }
0x18: {  	s0 =	sld [smem:$0x3F96];
	_ =	swait.ge [sflag:s4], $0x0  }
0x19: {  	s7 =	sld [smem:$0x3F97]  }
0x1a: {  	s8 =	sadd.s32 $0xFFFFE003, lr  }
0x1b: {  	s9 =	sadd.s32 $0xFFFFFEF7, lr;
	s5 =	simm.s32 $0xFFFFFFFF;
	p2 =	slt.u32 s8, $0xFFFFF086  }
0x1c: {  	p1 =	slt.u32 s9, $0xF7A;
	s5 =	simm.s32 @!p2 $0x0  }
0x1d: {  	s5 =	simm.s32 @p1 $0x1;
	p0 =	seq.s32 s7, s2  }
0x1e: {  	s7 =	smul.u32 @!p0 $0xF7A, s2;
	p2 =	seq.s32 @!p0 s5, $0x0  }
0x1f: {  	s9 =	smul.u32 $0xF7A, s1;
	s8 =	simm.s32 @!p0 $0x1BF5;
	p2 =	por !p2, p0  }
0x20: {  	[sflag:s8] =	ssyncset.s32 @!p0 $0xFFFFF086;
	s6 =	sadd.s32 @!p0 s3, s7;
	s7 =	simm.s32 @!p0 $0x108  }
0x21: {  	s3 =	sadd.s32 s3, s9;
	s6 =	sadd.s32 @!p0 $0x88, s6;
	s7 =	simm.s32 @p2 $0x1082  }
0x22: {  	[simem:s7], [sflag:s8] =	dma.local @!p0 [hbm:s6], $0xF7A  }
0x23: {  	s9 =	sor.u32 $0xD0000000, s2;
	s6 =	simm.s32 $0x108;
	_ =	swait.ge @!p0 [sflag:s8], $0x0  }
0x24: {  	s3 =	sadd.s32 $0x88, s3;
	s6 =	simm.s32 @!p1 $0x1082;
	[sflag:s4] =	ssyncset.s32 $0xFFFFF086  }
0x25: {  	[simem:s6], [sflag:s4] =	dma.local [hbm:s3], $0xF7A  }
0x26: {  	[smem:$0x3F97] =	sst s1;
	(tag) =	ssettag s2;
	_ =	strace s9  }
0x27: {  	s1 =	sld [smem:$0x3FA7]  }
0x28: {  	s2 =	sld [smem:$0x3FA8]  }
0x29: {  	s4 =	sld [smem:$0x3FAA]  }
0x2a: {  	p0 =	seq.s32 s5, $0x0;
	s5 =	sld [smem:$0x3FAB]  }
0x2b: {  	s6 =	sld [smem:$0x3FAC]  }
0x2c: {  	s7 =	sld [smem:$0x3FAD]  }
0x2d: {  	s3 =	simm.s32 $0x108;
	s8 =	sld [smem:$0x3FAE]  }
0x2e: {  	s3 =	simm.s32 @!p0 $0x1082;
	s9 =	sld [smem:$0x3FAF]  }
0x2f: {  	lr =	sadd.s32 s0, s3;
	s0 =	sld [smem:$0x3FA6]  }
0x30: {  	s3 =	sld [smem:$0x3FA9]  }
0x31: {  	[smem:$0x3FB2] =	sst s10  }
0x32: {  	s10 =	sld [smem:$0x3FB0];
	_ =	sdelay $0x3  }
0x33: {  	p0 =	seq.s32 s10, $0x1;
	s10 =	sld [smem:$0x3FB2];
	_ =	sdelay $0x3  }
0x34: {  	[smem:$0x3FB2] =	sst s10  }
0x35: {  	s10 =	sld [smem:$0x3FB1];
	_ =	sdelay $0x3  }
0x36: {  	p1 =	seq.s32 s10, $0x1;
	s10 =	sld [smem:$0x3FB2];
	_ =	sdelay $0x3  }
0x37: {  	[smem:$0x3FB2] =	sst s10  }
0x38: {  	s10 =	sld [smem:$0x3FB3]  }
0x39: {  	_ = 	snop;
	(pc) =	sbr.ind lr, $3  }
0x3a: {  	_ = 	snop  }
0x3b: {  	_ = 	snop  }
0x3c: {  	p2 =	seq.s32 s10, $0x1;
	s10 =	sld [smem:$0x3FB2]  }
0x3d: {  	_ =	shalt  }
0x3e: {  	_ =	shalt  }
0x3f: {  	_ =	shalt  }
0x40: {  	_ =	shalt  }
0x41: {  	_ =	shalt  }
0x42: {  	_ =	shalt  }
0x43: {  	_ =	shalt  }
0x44: {  	_ =	shalt  }
0x45: {  	_ =	shalt  }
0x46: {  	_ =	shalt  }
0x47: {  	_ =	shalt  }
0x48: {  	_ =	shalt  }
0x49: {  	_ =	shalt  }
0x4a: {  	_ =	shalt  }
0x4b: {  	_ =	shalt  }
0x4c: {  	_ =	shalt  }
0x4d: {  	_ =	shalt  }
0x4e: {  	_ =	shalt  }
0x4f: {  	_ =	shalt  }
0x50: {  	_ =	shalt  }
0x51: {  	_ =	shalt  }
0x52: {  	_ =	shalt  }
0x53: {  	_ =	shalt  }
0x54: {  	_ =	shalt  }
0x55: {  	_ =	shalt  }
0x56: {  	_ =	shalt  }
0x57: {  	_ =	shalt  }
0x58: {  	_ =	shalt  }
0x59: {  	_ =	shalt  }
0x5a: {  	_ =	shalt  }
0x5b: {  	_ =	shalt  }
0x5c: {  	_ =	shalt  }
0x5d: {  	_ =	shalt  }
0x5e: {  	_ =	shalt  }
0x5f: {  	_ =	shalt  }
0x60: {  	_ =	shalt  }
0x61: {  	_ =	shalt  }
0x62: {  	_ =	shalt  }
0x63: {  	_ =	shalt  }
0x64: {  	_ =	shalt  }
0x65: {  	_ =	shalt  }
0x66: {  	_ =	shalt  }
0x67: {  	_ =	shalt  }
0x68: {  	_ =	shalt  }
0x69: {  	_ =	shalt  }
0x6a: {  	_ =	shalt  }
0x6b: {  	_ =	shalt  }
0x6c: {  	_ =	shalt  }
0x6d: {  	_ =	shalt  }
0x6e: {  	_ =	shalt  }
0x6f: {  	_ =	shalt  }
0x70: {  	_ =	shalt  }
0x71: {  	_ =	shalt  }
0x72: {  	_ =	shalt  }
0x73: {  	_ =	shalt  }
0x74: {  	_ =	shalt  }
0x75: {  	_ =	shalt  }
0x76: {  	_ =	shalt  }
0x77: {  	_ =	shalt  }
0x78: {  	_ =	shalt  }
0x79: {  	_ =	shalt  }
0x7a: {  	_ =	shalt  }
0x7b: {  	_ =	shalt  }
0x7c: {  	_ =	shalt  }
0x7d: {  	_ =	shalt  }
0x7e: {  	_ =	shalt  }
0x7f: {  	_ =	shalt  }
0x80: {  	_ =	shalt  }
0x81: {  	_ =	shalt  }
0x82: {  	_ =	shalt  }
0x83: {  	_ =	shalt  }
0x84: {  	_ =	shalt  }
0x85: {  	_ =	shalt  }
0x86: {  	_ =	shalt  }
0x87: {  	_ =	shalt  }
.Lfunc_end0:
.L_simem_size_0:
called_computation_lowered:
.L_overlay_start_0:
0x88: {  	s2 =	sld [smem:$0x3FD9]  }
0x89: {  	s3 =	sld [smem:$0x3FFE];
	_ =	sdelay $0x1  }
0x8a: {  	s1 =	srdreg.scid  }
0x8b: {  	s0 =	sand.u32 $0x1, s1  }
0x8c: {  	s16 =	sshll.u32 s0, $0xA;
	s2 =	sadd.s32 s3, s2  }
0x8d: {  	s2 =	sadd.s32 s2, s16  }
0x8e: {  	[smem:$0x3FBE] =	sst s2  }
0x8f: {  	_ = 	snop  }
0x90: {  	(tm) =	ssettm $0x1  }
0x91: {  	s17 =	sld [smem:$0x3FFB];
	_ =	sdelay $0x3  }
0x92: {  	_ =	strace s17  }
0x93: {  	s2 =	sld [smem:$0x3FFC];
	_ =	sdelay $0x3  }
0x94: {  	_ =	strace s2  }
0x95: {  	s2 =	sld [smem:$0x3FFD];
	_ =	sdelay $0x3  }
0x96: {  	_ =	strace s2  }
0x97: {  	_ =	strace $0x8FFFFFFF  }
0x98: {  	s18 =	sld [smem:$0x3FDB];
	_ =	sdelay $0x1  }
0x99: {  	s19 =	simm.s32 $_scs_section_size  }
0x9a: {  	s4 =	simm.s32 $_size__tile_overlayer_lowered;
	s5 =	simm.s32 $_tile_overlayer_lowered  }
0x9b: {  	s22 =	simm.s32 $0x1BFF;
	s21 =	sshll.u32 s5, $0x1;
	s2 =	sadd.s32 s19, s18  }
0x9c: {  	s6 =	simm.s32 $0x0;
	s20 =	sshll.u32 s4, $0x1;
	s4 =	sadd.s32 s21, s2  }
0x9d: {  	[timem:s6], [sflag:s22] =	dma.local [hbm:s4], s20  }
0x9e: {  	_ =	swait.ge [sflag:s22], s20  }
0x9f: {  	s3 =	ssub.s32 $0x0, s20;
	[sflag:s22] =	ssyncset.done $0x0  }
0xa0: {  	[sflag:s22] =	ssyncadd.s32 s3;
	_ =	sdelay $0x1  }
0xa1: {  	s23 =	simm.s32 $0x1B8B  }
0xa2: {  	_ =	swait.ge [sflag:s23], $0x1  }
0xa3: {  	[sflag:s23] =	ssyncset.done $0x0  }
0xa4: {  	s25 =	simm.s32 $0x1B8E;
	s24 =	sld [smem:$0x3FFE];
	[sflag:s23] =	ssyncadd.s32 $0xFFFFFFFF  }
0xa5: {  	s26 =	simm.s32 $execute0_lowered;
	[smem:$0x3FD2] =	sst s25  }
0xa6: {  	s4 =	sshll.u32 s26, $0x1;
	_ =	strace $0x80000046;
	[dreg:$0x1] =	wrdreg $0xFFFFFFFF  }
0xa7: {  	s28 =	simm.s32 $_size_execute0_lowered;
	s2 =	sadd.s32 s2, s4;
	[dreg:$0x0] =	wrdreg $0x0  }
0xa8: {  	s4 =	sshll.u32 s28, $0x1;
	[dreg:$0x2] =	wrdreg s2  }
0xa9: {  	[dreg:$0x3] =	wrdreg s4  }
0xaa: {  	[dreg:$0x4] =	wrdreg $0xC0  }
0xab: {  	_ =	task [dreg:s6], $0x5FFFF  }
0xac: {  	[dreg:$0x1] =	wrdreg $0xFFFFFFFF  }
0xad: {  	[dreg:$0x0] =	wrdreg $0x60  }
0xae: {  	[dreg:$0x2] =	wrdreg s24  }
0xaf: {  	[dreg:$0x3] =	wrdreg $0x54000  }
0xb0: {  	[dreg:$0x4] =	wrdreg $0x9  }
0xb1: {  	_ =	task.clear_ibuf [dreg:s6], $0x5FFFF;
	_ =	strace $0x90000046  }
0xb2: {  	s29 =	simm.s32 $0x9;
	_ =	strace $0x80000048  }
0xb3: {  	_ =	swait.ge [sflag:s29], $0x1  }
0xb4: {  	[sflag:s29] =	ssyncadd.s32 $0xFFFFFFFF  }
0xb5: {  	_ =	strace $0x90000048  }
0xb6: {  	_ =	sfence  }
0xb7: {  	s30 =	sld [smem:$0x0];
	_ =	sdelay $0x2  }
0xb8: {  	s31 =	sshll.u32 s1, $0xD;
	s1 =	sshrl.u32 s1, $0x2  }
0xb9: {  	s3 =	sand.u32 $0x4000, s31;
	s1 =	sadd.s32 s1, s30  }
0xba: {  	s0 =	sor.u32 s3, s0;
	s1 =	sshll.u32 s1, $0x11  }
0xbb: {  	s0 =	sor.u32 s1, s0  }
0xbc: {  	s0 =	sadd.s32 $0x8F2B, s0  }
0xbd: {  	[sflag:s0] =	ssyncadd.remote.s32 $0x1  }
0xbe: {  	_ =	sfence.sel $0xFFFF  }
0xbf: {  	[dreg:$0x0] =	wrdreg $0xFFFFFFFF;
	(pc) =	sbr.abs _section_cstart, $3  }
0xc0: {  	[dreg:$0x1] =	wrdreg $0xFFFFFFFF  }
0xc1: {  	_ =	task.clear_ibuf [dreg:s6], $0x2FFFF;
	_ =	strace $0x9FFFFFFF  }
0xc2: {  	(tm) =	ssettm $0x7FFFFFFF  }
0xc3: {  	_ =	shalt  }
tec
execute0_lowered:
.L_overlay_start_1:
0x0: {  	(tag) =	ssettag $0x1  }
0x1: {  	s10 =	rddreg [dreg:$0x0]  }
0x2: {  	s0 =	srdreg.scid;
	s2 =	rddreg [dreg:$0x1]  }
0x3: {  	s3 =	simm.s32 $0x0;
	s17 =	simm.s32 $0x1400;
	s18 =	simm.s32 $0x2  }
0x4: {  	s19 =	simm.s32 $0x80;
	s20 =	simm.s32 $0x1;
	s21 =	simm.s32 $0x8  }
0x5: {  	s22 =	simm.s32 $0x1380;
	s24 =	simm.s32 $0x0;
	s11 =	sand.u32 $0x1, s0  }
0x6: {  	s0 =	stileid.u32;
	[smem:$0x7FF] =	sst s3;
	s5 =	sadd.s32 $0x37400, s10  }
0x7: {  	s6 =	sadd.s32 $0x5E600, s10;
	s23 =	sadd.s32 $0x138000, s2;
	s12 =	smul.u32 $0x2700, s0  }
0x8: {  	s1 =	sshll.u32 s11, $0x4;
	s9 =	ssub.s32 $0x2, s11;
	s13 =	smul.u32 $0x4E000, s0  }
0x9: {  	s31 =	sshll.u32 s0, $0x6;
	p0 =	seq.s32 s11, $0x1;
	p1 =	sne.s32 s0, $0xF  }
0xa: {  	p2 =	seq.s32 s0, $0xF;
	s4 =	sor.u32 s0, s1;
	s1 =	rddreg [dreg:$0x2]  }
0xb: {  	_ =	strace $0x80000047;
	s14 =	sshrl.u32 s9, $0x1;
	s16 =	sshrl.u32 @!p1 s23, $0x3  }
0xc: {  	s23 =	sshrl.u32 s23, $0x3;
	s4 =	smul.u32 $0x271, s4;
	s8 =	sadd.s32 s12, s10  }
.Ltmp0:
0xd: {  	s14 =	ssub.s32 s9, s14;
	s30 =	sshrl.u32 s13, $0x2;
	(pc) =	sbr.rel .LBB2_1-.Ltmp0, $4  }
0xe: {  	s9 =	sor.u32 $0x1C03, s31;
	s11 =	sadd.s32 s5, s12;
	s12 =	sadd.s32 s6, s12  }
0xf: {  	s15 =	sadd.s32 s30, s2;
	s8 =	sadd.s32 $0x10200, s8;
	s13 =	smax.u32 s14, $0x1  }
0x10: {  	s7 =	sadd.s32 s4, s10;
	s4 =	sadd.s32 $0xFA00, s10;
	s10 =	sadd.s32 $0x37200, s10  }
0x11: {  	s14 =	sshrl.u32 s15, $0x3;
	s15 =	simm.s32 $0x3;
	s7 =	sadd.s32 $0x5A00, s7  }
.LBB2_6:
0x12: {  	s25 =	sadd.s32 $0x27000, s25  }
0x13: {  	[hbm:s25], [sflag:s9] =	dma.local [spmem:s23], $0x100  }
0x14: {  	_ =	swait.ge [sflag:s15], $0x100  }
0x15: {  	[sflag:s15] =	ssyncset.done $0x0  }
0x16: {  	[sflag:s15] =	ssyncadd.s32 $0xFFFFFF00  }
.LBB2_7:
0x17: {  	s24 =	sadd.s32 $0x1, s24  }
0x18: {  	p3 =	sne.s32 s24, s13  }
.Ltmp1:
0x19: {  	_ = 	snop;
	(pc) =	sbr.rel @!p3 .LBB2_8-.Ltmp1, $1  }
0x1a: {  	_ =	sdelay $0x3  }
.LBB2_1:
0x1b: {  	[tilespmem:s3], [sflag:$0x2] =	stream.linear.gather [hbm4b:s7+s3], $0x1388, $0x38;
	[tilespmem:$0x18C80] =	vst v63  }
0x1c: {  	[spmem:s14], [sflag:s9] =	dma.local [hbm:s8], $0x2700  }
0x1d: {  	_ =	swait.ge [sflag:s15], $0x2700  }
0x1e: {  	[sflag:s15] =	ssyncset.done $0x0  }
0x1f: {  	s25 =	simm.s32 @!p1 $0x3;
	[sflag:s15] =	ssyncadd.s32 $0xFFFFD900  }
0x20: {  	[spmem:s16], [sflag:s9] =	dma.local @!p1 [hbm:s10], $0x100  }
0x21: {  	_ =	swait.ge @!p1 [sflag:s25], $0x100  }
0x22: {  	[sflag:s25] =	ssyncset.done @!p1 $0x0  }
0x23: {  	[sflag:s25] =	ssyncadd.s32 @!p1 $0xFFFFFF00  }
0x24: {  	[tilespmem:s17], [sflag:$0x3] =	stream.linear.gather [hbm4b:s4+s3], $0x4000, $0x38;
	[tilespmem:$0x18C80] =	vst v63  }
0x25: {  	_ =	swait.ge [sflag:s15], $0x4000  }
0x26: {  	[sflag:s15] =	ssyncset.done $0x0  }
0x27: {  	[sflag:s15] =	ssyncadd.s32 $0xFFFFC000  }
0x28: {  	_ =	swait.ge [sflag:s18], $0x1388  }
0x29: {  	[sflag:s18] =	ssyncset.done $0x0  }
0x2a: {  	p3 =	por $0x1, $0x1;
	[sflag:s18] =	ssyncadd.s32 $0xFFFFEC78  }
0x2b: {  	s28 =	simm.s32 @!p3 $0x1;
	[bflag:$0x0] =	sbarrier.arrive $0xFFFF  }
0x2c: {  	[spmem:s2] =	stream.indirect.scatter.add.f32 [tilespmem:s17], [sflag:$0x1], $0x80, s3, s19, $0xb8;
	[tilespmem:$0x18C80] =	vst v63  }
0x2d: {  	_ =	swait.ge @!p3 [sflag:s28], $0x4000  }
0x2e: {  	s26 =	simm.s32 $0x0;
	s25 =	simm.s32 $0x1;
	[sflag:s28] =	ssyncset.done @!p3 $0x0  }
.LBB2_2:
0x2f: {  	[sflag:s28] =	ssyncadd.s32 @!p3 $0xFFFFC000  }
0x30: {  	s26 =	sadd.s32 $0x80, s26;
	s28 =	smov.u32 s25;
	s25 =	sadd.s32 $0x1, s25  }
0x31: {  	p4 =	sne.s32 s25, $0x27  }
0x32: {  	[spmem:s2] =	stream.indirect.scatter.add.f32 [tilespmem:s17], [sflag:$0x1], $0x80, s26, s19, $0xb8;
	[tilespmem:$0x18C80] =	vst v63  }
.Ltmp2:
0x33: {  	_ = 	snop;
	(pc) =	sbr.rel @p4 .LBB2_2-.Ltmp2, $4  }
0x34: {  	p3 =	slt.u32 s28, $0x10  }
0x35: {  	s28 =	simm.s32 @!p3 $0x1  }
0x36: {  	_ =	swait.ge @!p3 [sflag:s28], $0x4000  }
0x37: {  	[sflag:s28] =	ssyncset.done @!p3 $0x0  }
0x38: {  	[sflag:s28] =	ssyncadd.s32 @!p3 $0xFFFFC000  }
0x39: {  	_ =	swait.ge [sflag:s20], $0x4000  }
0x3a: {  	[sflag:s20] =	ssyncset.done $0x0  }
0x3b: {  	[sflag:s20] =	ssyncadd.s32 $0xFFFFC000  }
0x3c: {  	_ =	swait.ge [sflag:s20], $0x4000  }
0x3d: {  	[sflag:s20] =	ssyncset.done $0x0  }
0x3e: {  	[sflag:s20] =	ssyncadd.s32 $0xFFFFC000  }
0x3f: {  	_ =	swait.ge [sflag:s20], $0x4000  }
0x40: {  	[sflag:s20] =	ssyncset.done $0x0  }
0x41: {  	[sflag:s20] =	ssyncadd.s32 $0xFFFFC000  }
0x42: {  	_ =	swait.ge [sflag:s20], $0x4000  }
0x43: {  	[sflag:s20] =	ssyncset.done $0x0  }
0x44: {  	[sflag:s20] =	ssyncadd.s32 $0xFFFFC000  }
0x45: {  	_ =	swait.ge [sflag:s20], $0x4000  }
0x46: {  	[sflag:s20] =	ssyncset.done $0x0  }
0x47: {  	[sflag:s20] =	ssyncadd.s32 $0xFFFFC000  }
0x48: {  	_ =	swait.ge [sflag:s20], $0x4000  }
0x49: {  	[sflag:s20] =	ssyncset.done $0x0  }
0x4a: {  	[sflag:s20] =	ssyncadd.s32 $0xFFFFC000  }
0x4b: {  	_ =	swait.ge [sflag:s20], $0x4000  }
0x4c: {  	[sflag:s20] =	ssyncset.done $0x0  }
0x4d: {  	[sflag:s20] =	ssyncadd.s32 $0xFFFFC000  }
0x4e: {  	_ =	swait.ge [sflag:s20], $0x4000  }
0x4f: {  	[sflag:s20] =	ssyncset.done $0x0  }
0x50: {  	[sflag:s20] =	ssyncadd.s32 $0xFFFFC000  }
0x51: {  	_ =	swait.ge [sflag:s20], $0x4000  }
0x52: {  	[sflag:s20] =	ssyncset.done $0x0  }
0x53: {  	[sflag:s20] =	ssyncadd.s32 $0xFFFFC000  }
0x54: {  	_ =	swait.ge [sflag:s20], $0x4000  }
0x55: {  	[sflag:s20] =	ssyncset.done $0x0  }
0x56: {  	[sflag:s20] =	ssyncadd.s32 $0xFFFFC000  }
0x57: {  	_ =	swait.ge [sflag:s20], $0x4000  }
0x58: {  	[sflag:s20] =	ssyncset.done $0x0  }
0x59: {  	[sflag:s20] =	ssyncadd.s32 $0xFFFFC000  }
0x5a: {  	_ =	swait.ge [sflag:s20], $0x4000  }
0x5b: {  	[sflag:s20] =	ssyncset.done $0x0  }
0x5c: {  	[sflag:s20] =	ssyncadd.s32 $0xFFFFC000  }
0x5d: {  	_ =	swait.ge [sflag:s20], $0x4000  }
0x5e: {  	[sflag:s20] =	ssyncset.done $0x0  }
0x5f: {  	[sflag:s20] =	ssyncadd.s32 $0xFFFFC000  }
0x60: {  	_ =	swait.ge [sflag:s20], $0x4000  }
0x61: {  	[sflag:s20] =	ssyncset.done $0x0  }
0x62: {  	[sflag:s20] =	ssyncadd.s32 $0xFFFFC000  }
0x63: {  	_ =	swait.ge [sflag:s20], $0x4000  }
0x64: {  	[sflag:s20] =	ssyncset.done $0x0  }
0x65: {  	[sflag:s20] =	ssyncadd.s32 $0xFFFFC000  }
0x66: {  	_ =	swait.ge [sflag:s20], $0x4000  }
0x67: {  	[sflag:s20] =	ssyncset.done $0x0  }
0x68: {  	[sflag:s20] =	ssyncadd.s32 $0xFFFFC000  }
0x69: {  	[spmem:s2] =	stream.indirect.scatter.add.f32 [tilespmem:s17], [sflag:$0x2], $0x80, s22, s21, $0xb8;
	[tilespmem:$0x18C80] =	vst v63  }
.Ltmp3:
0x6a: {  	_ =	swait.ge [sflag:s18], $0x400;
	(pc) =	sbr.rel @!p0 .LBB2_4-.Ltmp3, $3  }
0x6b: {  	[sflag:s18] =	ssyncset.done $0x0  }
0x6c: {  	[sflag:s18] =	ssyncadd.s32 $0xFFFFFC00  }
0x6d: {  	[bflag:$0x0] =	sbarrier.arrive $0xFFFF;
	_ =	sdelay $0x1  }
0x6e: {  	[hbm:s12], [sflag:s9] =	dma.local [spmem:s14], $0x2700  }
.Ltmp4:
0x6f: {  	_ = 	snop;
	(pc) =	sbr.rel @p1 .LBB2_7-.Ltmp4, $4  }
.Ltmp5:
0x70: {  	_ = 	snop;
	(pc) =	sbr.rel @!p1 .LBB2_6-.Ltmp5, $4  }
0x71: {  	_ =	swait.ge [sflag:s15], $0x2700  }
0x72: {  	[sflag:s15] =	ssyncset.done $0x0  }
0x73: {  	s25 =	smov.u32 s6;
	[sflag:s15] =	ssyncadd.s32 $0xFFFFD900  }
0x74: {  	_ = 	snop  }
.LBB2_4:
0x75: {  	[hbm:s11], [sflag:s9] =	dma.local [spmem:s14], $0x2700  }
.Ltmp6:
0x76: {  	_ = 	snop;
	(pc) =	sbr.rel @p2 .LBB2_6-.Ltmp6, $4  }
.Ltmp7:
0x77: {  	_ = 	snop;
	(pc) =	sbr.rel @!p2 .LBB2_7-.Ltmp7, $4  }
0x78: {  	_ =	swait.ge [sflag:s15], $0x2700  }
0x79: {  	[sflag:s15] =	ssyncset.done $0x0  }
0x7a: {  	s25 =	smov.u32 s5;
	[sflag:s15] =	ssyncadd.s32 $0xFFFFD900  }
0x7b: {  	_ = 	snop  }
.LBB2_8:
0x7c: {  	_ =	sfence.sel $0x180000  }
0x7d: {  	[bflag:$0x0] =	sbarrier.arrive $0xFFFF  }
0x7e: {  	p0 =	sne.s32 s0, $0x0;
	_ =	strace $0x90000047  }
0x7f: {  	s0 =	sadd.s32 @!p0 $0x100000, s1;
	[bflag:$0x2] =	sbarrier.arrive $0xFFFF  }
0x80: {  	[sflag:s0] =	ssyncadd.tile.s32 @!p0 $0x1;
	_ =	shalt  }
.Lfunc_end2:
_tile_overlayer_lowered:
.L_overlay_start_2:
0x81: {  	(tag) =	ssettag $0x2  }
0x82: {  	s0 =	rddreg [dreg:$0x0];
	s2 =	stileid.u32  }
0x83: {  	s1 =	rddreg [dreg:$0x1];
	p0 =	sne.s32 s2, $0x0  }
0x84: {  	s3 =	rddreg [dreg:$0x2];
	[bflag:$0x3] =	sbarrier.arrive $0xFFFF;
	s2 =	simm.s32 @!p0 $0x1C03  }
0x85: {  	[timem:s3], [sflag:s2] =	dma.local @!p0 [hbm:s0], s1  }
0x86: {  	s0 =	simm.s32 @!p0 $0x3  }
0x87: {  	_ =	swait.ge @!p0 [sflag:s0], s1  }
0x88: {  	s1 =	ssub.s32 @!p0 $0x0, s1;
	[sflag:s0] =	ssyncset.done @!p0 $0x0  }
0x89: {  	[sflag:s0] =	ssyncadd.s32 @!p0 s1  }
0x8a: {  	[bflag:$0x3] =	sbarrier.arrive $0xFFFF  }
0x8b: {  	_ =	shalt  }

// kernel: kernel.14.cloned.1.call-start
scs
__scs_entry_jumppad:
0x0: {  	(pc) =	sbr.rel $0x88, $3  }
0x1: {  	(tag) =	ssettag $0x0;
	lr =	simm.s32 $0x1  }
0x2: {  	[smem:$0x3F97] =	sst lr;
	_ =	strace $0xD0000000  }
0x3: {  	_ = 	snop  }
0x4: {  	_ = 	snop  }
0x5: {  	_ = 	snop  }
0x6: {  	_ = 	snop  }
0x7: {  	_ = 	snop  }
__scs_overlays_trampoline_lowered:
0x8: {  	[smem:$0x3FA6] =	sst s0  }
0x9: {  	[smem:$0x3FA7] =	sst s1  }
0xa: {  	[smem:$0x3FA8] =	sst s2  }
0xb: {  	[smem:$0x3FA9] =	sst s3  }
0xc: {  	[smem:$0x3FAA] =	sst s4  }
0xd: {  	[smem:$0x3FAB] =	sst s5  }
0xe: {  	[smem:$0x3FAC] =	sst s6  }
0xf: {  	[smem:$0x3FAD] =	sst s7  }
0x10: {  	[smem:$0x3FAE] =	sst s8  }
0x11: {  	[smem:$0x3FAF] =	sst s9;
	s0 =	simm.s32 @!p0 $0x0  }
0x12: {  	s1 =	sld [smem:$0x3F95];
	s0 =	simm.s32 @p0 $0x1  }
0x13: {  	[smem:$0x3FB0] =	sst s0;
	s0 =	simm.s32 @!p1 $0x0  }
0x14: {  	s2 =	sld [smem:$0x3F94];
	s0 =	simm.s32 @p1 $0x1  }
0x15: {  	[smem:$0x3FB1] =	sst s0;
	s0 =	simm.s32 @!p2 $0x0  }
0x16: {  	s3 =	sld [smem:$0x3FDB];
	s0 =	simm.s32 @p2 $0x1  }
0x17: {  	s4 =	simm.s32 $0x1BF5;
	[smem:$0x3FB3] =	sst s0  }
0x18: {  	s0 =	sld [smem:$0x3F96];
	_ =	swait.ge [sflag:s4], $0x0  }
0x19: {  	s7 =	sld [smem:$0x3F97]  }
0x1a: {  	s8 =	sadd.s32 $0xFFFFE003, lr  }
0x1b: {  	s9 =	sadd.s32 $0xFFFFFEF7, lr;
	s5 =	simm.s32 $0xFFFFFFFF;
	p2 =	slt.u32 s8, $0xFFFFF086  }
0x1c: {  	p1 =	slt.u32 s9, $0xF7A;
	s5 =	simm.s32 @!p2 $0x0  }
0x1d: {  	s5 =	simm.s32 @p1 $0x1;
	p0 =	seq.s32 s7, s2  }
0x1e: {  	s7 =	smul.u32 @!p0 $0xF7A, s2;
	p2 =	seq.s32 @!p0 s5, $0x0  }
0x1f: {  	s9 =	smul.u32 $0xF7A, s1;
	s8 =	simm.s32 @!p0 $0x1BF5;
	p2 =	por !p2, p0  }
0x20: {  	[sflag:s8] =	ssyncset.s32 @!p0 $0xFFFFF086;
	s6 =	sadd.s32 @!p0 s3, s7;
	s7 =	simm.s32 @!p0 $0x108  }
0x21: {  	s3 =	sadd.s32 s3, s9;
	s6 =	sadd.s32 @!p0 $0x88, s6;
	s7 =	simm.s32 @p2 $0x1082  }
0x22: {  	[simem:s7], [sflag:s8] =	dma.local @!p0 [hbm:s6], $0xF7A  }
0x23: {  	s9 =	sor.u32 $0xD0000000, s2;
	s6 =	simm.s32 $0x108;
	_ =	swait.ge @!p0 [sflag:s8], $0x0  }
0x24: {  	s3 =	sadd.s32 $0x88, s3;
	s6 =	simm.s32 @!p1 $0x1082;
	[sflag:s4] =	ssyncset.s32 $0xFFFFF086  }
0x25: {  	[simem:s6], [sflag:s4] =	dma.local [hbm:s3], $0xF7A  }
0x26: {  	[smem:$0x3F97] =	sst s1;
	(tag) =	ssettag s2;
	_ =	strace s9  }
0x27: {  	s1 =	sld [smem:$0x3FA7]  }
0x28: {  	s2 =	sld [smem:$0x3FA8]  }
0x29: {  	s4 =	sld [smem:$0x3FAA]  }
0x2a: {  	p0 =	seq.s32 s5, $0x0;
	s5 =	sld [smem:$0x3FAB]  }
0x2b: {  	s6 =	sld [smem:$0x3FAC]  }
0x2c: {  	s7 =	sld [smem:$0x3FAD]  }
0x2d: {  	s3 =	simm.s32 $0x108;
	s8 =	sld [smem:$0x3FAE]  }
0x2e: {  	s3 =	simm.s32 @!p0 $0x1082;
	s9 =	sld [smem:$0x3FAF]  }
0x2f: {  	lr =	sadd.s32 s0, s3;
	s0 =	sld [smem:$0x3FA6]  }
0x30: {  	s3 =	sld [smem:$0x3FA9]  }
0x31: {  	[smem:$0x3FB2] =	sst s10  }
0x32: {  	s10 =	sld [smem:$0x3FB0];
	_ =	sdelay $0x3  }
0x33: {  	p0 =	seq.s32 s10, $0x1;
	s10 =	sld [smem:$0x3FB2];
	_ =	sdelay $0x3  }
0x34: {  	[smem:$0x3FB2] =	sst s10  }
0x35: {  	s10 =	sld [smem:$0x3FB1];
	_ =	sdelay $0x3  }
0x36: {  	p1 =	seq.s32 s10, $0x1;
	s10 =	sld [smem:$0x3FB2];
	_ =	sdelay $0x3  }
0x37: {  	[smem:$0x3FB2] =	sst s10  }
0x38: {  	s10 =	sld [smem:$0x3FB3]  }
0x39: {  	_ = 	snop;
	(pc) =	sbr.ind lr, $3  }
0x3a: {  	_ = 	snop  }
0x3b: {  	_ = 	snop  }
0x3c: {  	p2 =	seq.s32 s10, $0x1;
	s10 =	sld [smem:$0x3FB2]  }
0x3d: {  	_ =	shalt  }
0x3e: {  	_ =	shalt  }
0x3f: {  	_ =	shalt  }
0x40: {  	_ =	shalt  }
0x41: {  	_ =	shalt  }
0x42: {  	_ =	shalt  }
0x43: {  	_ =	shalt  }
0x44: {  	_ =	shalt  }
0x45: {  	_ =	shalt  }
0x46: {  	_ =	shalt  }
0x47: {  	_ =	shalt  }
0x48: {  	_ =	shalt  }
0x49: {  	_ =	shalt  }
0x4a: {  	_ =	shalt  }
0x4b: {  	_ =	shalt  }
0x4c: {  	_ =	shalt  }
0x4d: {  	_ =	shalt  }
0x4e: {  	_ =	shalt  }
0x4f: {  	_ =	shalt  }
0x50: {  	_ =	shalt  }
0x51: {  	_ =	shalt  }
0x52: {  	_ =	shalt  }
0x53: {  	_ =	shalt  }
0x54: {  	_ =	shalt  }
0x55: {  	_ =	shalt  }
0x56: {  	_ =	shalt  }
0x57: {  	_ =	shalt  }
0x58: {  	_ =	shalt  }
0x59: {  	_ =	shalt  }
0x5a: {  	_ =	shalt  }
0x5b: {  	_ =	shalt  }
0x5c: {  	_ =	shalt  }
0x5d: {  	_ =	shalt  }
0x5e: {  	_ =	shalt  }
0x5f: {  	_ =	shalt  }
0x60: {  	_ =	shalt  }
0x61: {  	_ =	shalt  }
0x62: {  	_ =	shalt  }
0x63: {  	_ =	shalt  }
0x64: {  	_ =	shalt  }
0x65: {  	_ =	shalt  }
0x66: {  	_ =	shalt  }
0x67: {  	_ =	shalt  }
0x68: {  	_ =	shalt  }
0x69: {  	_ =	shalt  }
0x6a: {  	_ =	shalt  }
0x6b: {  	_ =	shalt  }
0x6c: {  	_ =	shalt  }
0x6d: {  	_ =	shalt  }
0x6e: {  	_ =	shalt  }
0x6f: {  	_ =	shalt  }
0x70: {  	_ =	shalt  }
0x71: {  	_ =	shalt  }
0x72: {  	_ =	shalt  }
0x73: {  	_ =	shalt  }
0x74: {  	_ =	shalt  }
0x75: {  	_ =	shalt  }
0x76: {  	_ =	shalt  }
0x77: {  	_ =	shalt  }
0x78: {  	_ =	shalt  }
0x79: {  	_ =	shalt  }
0x7a: {  	_ =	shalt  }
0x7b: {  	_ =	shalt  }
0x7c: {  	_ =	shalt  }
0x7d: {  	_ =	shalt  }
0x7e: {  	_ =	shalt  }
0x7f: {  	_ =	shalt  }
0x80: {  	_ =	shalt  }
0x81: {  	_ =	shalt  }
0x82: {  	_ =	shalt  }
0x83: {  	_ =	shalt  }
0x84: {  	_ =	shalt  }
0x85: {  	_ =	shalt  }
0x86: {  	_ =	shalt  }
0x87: {  	_ =	shalt  }
.Lfunc_end0:
.L_simem_size_0:
called_computation.1_lowered:
.L_overlay_start_0:
0x88: {  	s2 =	sld [smem:$0x3FD9]  }
0x89: {  	s3 =	sld [smem:$0x3FFE];
	_ =	sdelay $0x1  }
0x8a: {  	s1 =	srdreg.scid  }
0x8b: {  	s0 =	sand.u32 $0x1, s1  }
0x8c: {  	s16 =	sshll.u32 s0, $0xA;
	s2 =	sadd.s32 s3, s2  }
0x8d: {  	s2 =	sadd.s32 s2, s16  }
0x8e: {  	[smem:$0x3FBE] =	sst s2  }
0x8f: {  	_ = 	snop  }
0x90: {  	(tm) =	ssettm $0x1  }
0x91: {  	s17 =	sld [smem:$0x3FFB];
	_ =	sdelay $0x3  }
0x92: {  	_ =	strace s17  }
0x93: {  	s2 =	sld [smem:$0x3FFC];
	_ =	sdelay $0x3  }
0x94: {  	_ =	strace s2  }
0x95: {  	s2 =	sld [smem:$0x3FFD];
	_ =	sdelay $0x3  }
0x96: {  	_ =	strace s2  }
0x97: {  	_ =	strace $0x8FFFFFFF  }
0x98: {  	s18 =	sld [smem:$0x3FDB];
	_ =	sdelay $0x1  }
0x99: {  	s19 =	simm.s32 $_scs_section_size  }
0x9a: {  	s4 =	simm.s32 $_size__tile_overlayer_lowered;
	s5 =	simm.s32 $_tile_overlayer_lowered  }
0x9b: {  	s22 =	simm.s32 $0x1BFF;
	s21 =	sshll.u32 s5, $0x1;
	s2 =	sadd.s32 s19, s18  }
0x9c: {  	s6 =	simm.s32 $0x0;
	s20 =	sshll.u32 s4, $0x1;
	s4 =	sadd.s32 s21, s2  }
0x9d: {  	[timem:s6], [sflag:s22] =	dma.local [hbm:s4], s20  }
0x9e: {  	_ =	swait.ge [sflag:s22], s20  }
0x9f: {  	s3 =	ssub.s32 $0x0, s20;
	[sflag:s22] =	ssyncset.done $0x0  }
0xa0: {  	[sflag:s22] =	ssyncadd.s32 s3;
	_ =	sdelay $0x1  }
0xa1: {  	s23 =	simm.s32 $0x1B8B  }
0xa2: {  	_ =	swait.ge [sflag:s23], $0x1  }
0xa3: {  	[sflag:s23] =	ssyncset.done $0x0  }
0xa4: {  	s25 =	simm.s32 $0x1B8E;
	s24 =	sld [smem:$0x3FFE];
	[sflag:s23] =	ssyncadd.s32 $0xFFFFFFFF  }
0xa5: {  	s26 =	simm.s32 $execute0_lowered;
	[smem:$0x3FD2] =	sst s25  }
0xa6: {  	s4 =	sshll.u32 s26, $0x1;
	_ =	strace $0x80000049;
	[dreg:$0x1] =	wrdreg $0xFFFFFFFF  }
0xa7: {  	s28 =	simm.s32 $_size_execute0_lowered;
	s2 =	sadd.s32 s2, s4;
	[dreg:$0x0] =	wrdreg $0x0  }
0xa8: {  	s4 =	sshll.u32 s28, $0x1;
	[dreg:$0x2] =	wrdreg s2  }
0xa9: {  	[dreg:$0x3] =	wrdreg s4  }
0xaa: {  	[dreg:$0x4] =	wrdreg $0xC0  }
0xab: {  	_ =	task [dreg:s6], $0x5FFFF  }
0xac: {  	[dreg:$0x1] =	wrdreg $0xFFFFFFFF  }
0xad: {  	[dreg:$0x0] =	wrdreg $0x60  }
0xae: {  	[dreg:$0x2] =	wrdreg s24  }
0xaf: {  	[dreg:$0x3] =	wrdreg $0xB0000  }
0xb0: {  	[dreg:$0x4] =	wrdreg $0x9  }
0xb1: {  	_ =	task.clear_ibuf [dreg:s6], $0x5FFFF;
	_ =	strace $0x90000049  }
0xb2: {  	s29 =	simm.s32 $0x9;
	_ =	strace $0x8000004B  }
0xb3: {  	_ =	swait.ge [sflag:s29], $0x1  }
0xb4: {  	[sflag:s29] =	ssyncadd.s32 $0xFFFFFFFF  }
0xb5: {  	_ =	strace $0x9000004B  }
0xb6: {  	_ =	sfence  }
0xb7: {  	s30 =	sld [smem:$0x0];
	_ =	sdelay $0x2  }
0xb8: {  	s31 =	sshll.u32 s1, $0xD;
	s1 =	sshrl.u32 s1, $0x2  }
0xb9: {  	s3 =	sand.u32 $0x4000, s31;
	s1 =	sadd.s32 s1, s30  }
0xba: {  	s0 =	sor.u32 s3, s0;
	s1 =	sshll.u32 s1, $0x11  }
0xbb: {  	s0 =	sor.u32 s1, s0  }
0xbc: {  	s0 =	sadd.s32 $0x8F2B, s0  }
0xbd: {  	[sflag:s0] =	ssyncadd.remote.s32 $0x1  }
0xbe: {  	_ =	sfence.sel $0xFFFF  }
0xbf: {  	[dreg:$0x0] =	wrdreg $0xFFFFFFFF;
	(pc) =	sbr.abs _section_cstart, $3  }
0xc0: {  	[dreg:$0x1] =	wrdreg $0xFFFFFFFF  }
0xc1: {  	_ =	task.clear_ibuf [dreg:s6], $0x2FFFF;
	_ =	strace $0x9FFFFFFF  }
0xc2: {  	(tm) =	ssettm $0x7FFFFFFF  }
0xc3: {  	_ =	shalt  }
tec
execute0_lowered:
.L_overlay_start_1:
0x0: {  	(tag) =	ssettag $0x1  }
0x1: {  	s0 =	rddreg [dreg:$0x0]  }
0x2: {  	s1 =	rddreg [dreg:$0x1]  }
0x3: {  	s3 =	simm.s32 $0x0;
	s14 =	stileid.u32;
	s8 =	srdreg.scid  }
0x4: {  	s28 =	simm.s32 $0x7000;
	s29 =	simm.s32 $0x1;
	s30 =	simm.s32 $0x2  }
0x5: {  	s31 =	simm.s32 $0x2580;
	[smem:$0x7FF] =	sst s3;
	s2 =	sadd.s32 $0xAA00, s0  }
0x6: {  	s6 =	sadd.s32 $0x5A00, s0;
	s7 =	smul.u32 $0x2700, s14;
	s4 =	sadd.s32 $0x85800, s0  }
0x7: {  	s5 =	sadd.s32 $0xACA00, s0;
	s8 =	sand.u32 $0x1, s8;
	s10 =	smul.u32 $0x2710, s14  }
0x8: {  	s15 =	sadd.s32 $0xD3C00, s0;
	s12 =	smul.u32 $0x4E000, s14;
	s19 =	sadd.s32 $0xFAE00, s0  }
0x9: {  	s21 =	sshll.u32 s14, $0x6;
	p0 =	sne.s32 s14, $0xF;
	p2 =	seq.s32 s14, $0xF  }
0xa: {  	_ =	strace $0x8000004A;
	s11 =	ssub.s32 $0x2, s8;
	[dreg:$0x4] =	wrdreg s19  }
0xb: {  	[dreg:$0x3] =	wrdreg s15;
	p1 =	sne.s32 s8, $0x0;
	s8 =	simm.s32 $0x2800  }
0xc: {  	s9 =	sadd.s32 s7, s0;
	s13 =	sshrl.u32 s11, $0x1;
	s10 =	sshrl.u32 s10, $0x3  }
0xd: {  	s12 =	sshrl.u32 s12, $0x2;
	s0 =	sadd.s32 $0x37200, s0;
	s25 =	sadd.s32 s19, s7  }
0xe: {  	s26 =	sadd.s32 s15, s7;
	s19 =	simm.s32 $0x2680;
	[dreg:$0x9] =	wrdreg s0  }
0xf: {  	s7 =	simm.s32 $0x10;
	s11 =	ssub.s32 s11, s13;
	[dreg:$0xb] =	wrdreg s25  }
0x10: {  	s18 =	sadd.s32 s2, s10;
	s20 =	sadd.s32 s6, s10;
	[dreg:$0xc] =	wrdreg s26  }
0x11: {  	s12 =	sadd.s32 s12, s1;
	s9 =	sadd.s32 $0x10200, s9;
	[dreg:$0x5] =	wrdreg s18  }
0x12: {  	s13 =	sadd.s32 $0x138000, s1;
	s22 =	sadd.s32 $0x270, s10;
	[dreg:$0x6] =	wrdreg s20  }
0x13: {  	s23 =	sadd.s32 $0x4E0, s10;
	s25 =	simm.s32 $0x80;
	[dreg:$0x7] =	wrdreg s12  }
0x14: {  	s26 =	simm.s32 $0x3000;
	s0 =	simm.s32 $0x1300;
	[dreg:$0x8] =	wrdreg s9  }
.Ltmp0:
0x15: {  	s12 =	sor.u32 $0x1C04, s21;
	s24 =	sadd.s32 s2, s22;
	(pc) =	sbr.rel .LBB2_1-.Ltmp0, $4  }
0x16: {  	s16 =	sadd.s32 s6, s22;
	s17 =	sadd.s32 s2, s23;
	s18 =	sadd.s32 s6, s23  }
0x17: {  	s21 =	smax.u32 s11, $0x1;
	s22 =	simm.s32 $0x1380;
	s23 =	simm.s32 $0x4  }
0x18: {  	s2 =	simm.s32 $0x2600;
	s20 =	simm.s32 $0x2700;
	s6 =	simm.s32 $0x2780  }
0x19: {  	s9 =	simm.s32 $0x0;
	[dreg:$0xa] =	wrdreg s24;
	s24 =	simm.s32 $0x3  }
.LBB2_12:
0x1a: {  	s10 =	sadd.s32 $0x27000, s10;
	s11 =	sshrl.u32 s13, $0x3  }
0x1b: {  	[hbm:s10], [sflag:s12] =	dma.local [spmem:s11], $0x100  }
0x1c: {  	_ =	swait.ge [sflag:s23], $0x100  }
0x1d: {  	[sflag:s23] =	ssyncset.done $0x0  }
0x1e: {  	[sflag:s23] =	ssyncadd.s32 $0xFFFFFF00  }
.LBB2_13:
0x1f: {  	s9 =	sadd.s32 $0x1, s9  }
0x20: {  	p3 =	sne.s32 s9, s21  }
.Ltmp1:
0x21: {  	_ = 	snop;
	(pc) =	sbr.rel @!p3 .LBB2_14-.Ltmp1, $1  }
0x22: {  	_ =	sdelay $0x3  }
.LBB2_1:
0x23: {  	s10 =	rddreg [dreg:$0x5]  }
0x24: {  	s14 =	rddreg [dreg:$0x6]  }
0x25: {  	s15 =	rddreg [dreg:$0x7]  }
0x26: {  	[tilespmem:s3], [sflag:$0x3] =	stream.linear.gather [hbm4b:s10+s3], $0x1380, $0x38;
	[tilespmem:$0x1E880] =	vst v63  }
0x27: {  	s11 =	rddreg [dreg:$0x8];
	s10 =	sshrl.u32 s15, $0x3  }
0x28: {  	[tilespmem:s22], [sflag:$0x3] =	stream.linear.gather [hbm4b:s14+s3], $0x1380, $0x38;
	[tilespmem:$0x1E880] =	vst v63  }
0x29: {  	[spmem:s10], [sflag:s12] =	dma.local [hbm:s11], $0x2700  }
0x2a: {  	_ =	swait.ge [sflag:s23], $0x2700  }
0x2b: {  	[sflag:s23] =	ssyncset.done $0x0  }
0x2c: {  	s11 =	sshrl.u32 @!p0 s13, $0x3;
	s14 =	rddreg [dreg:$0x9];
	[sflag:s23] =	ssyncadd.s32 $0xFFFFD900  }
0x2d: {  	[spmem:s11], [sflag:s12] =	dma.local @!p0 [hbm:s14], $0x100  }
0x2e: {  	s11 =	simm.s32 @!p0 $0x4  }
0x2f: {  	_ =	swait.ge @!p0 [sflag:s11], $0x100  }
0x30: {  	[sflag:s11] =	ssyncset.done @!p0 $0x0  }
0x31: {  	[sflag:s11] =	ssyncadd.s32 @!p0 $0xFFFFFF00  }
0x32: {  	_ =	swait.ge [sflag:s24], $0x1380  }
0x33: {  	[sflag:s24] =	ssyncset.done $0x0  }
0x34: {  	[sflag:s24] =	ssyncadd.s32 $0xFFFFEC80  }
.Ltmp2:
0x35: {  	_ =	swait.ge [sflag:s24], $0x1380;
	(pc) =	sbr.rel @p1 .LBB2_7-.Ltmp2, $4  }
0x36: {  	[sflag:s24] =	ssyncset.done $0x0  }
0x37: {  	[sflag:s24] =	ssyncadd.s32 $0xFFFFEC80  }
0x38: {  	[bflag:$0x0] =	sbarrier.arrive $0xFFFF  }
0x39: {  	s11 =	simm.s32 $0x0  }
0x3a: {  	[tilespmem:s26], [sflag:$0x1] =	stream.indirect.gather [hbm4b:s4+s25], $0x80, s11, s25, $0xb8;
	[tilespmem:$0x1E880] =	vst v63  }
0x3b: {  	_ = 	snop  }
0x3c: {  	[tilespmem:s28], [sflag:$0x2] =	stream.indirect.gather [hbm4b:s4+s25], $0x80, s25, s25, $0xb8;
	[tilespmem:$0x1E880] =	vst v63  }
0x3d: {  	_ =	swait.ge [sflag:s29], $0x4000  }
0x3e: {  	[sflag:s29] =	ssyncset.done $0x0  }
0x3f: {  	s15 =	simm.s32 $0x1380;
	[sflag:s29] =	ssyncadd.s32 $0xFFFFC000  }
0x40: {  	[spmem:s1] =	stream.indirect.scatter.add.f32 [tilespmem:s26], [sflag:$0x4], $0x80, s15, s25, $0xb8;
	[tilespmem:$0x1E880] =	vst v63  }
0x41: {  	_ =	swait.ge [sflag:s23], $0x4000  }
0x42: {  	[sflag:s23] =	ssyncset.done $0x0  }
0x43: {  	s14 =	simm.s32 $0x100;
	[sflag:s23] =	ssyncadd.s32 $0xFFFFC000  }
0x44: {  	[tilespmem:s26], [sflag:$0x1] =	stream.indirect.gather [hbm4b:s4+s25], $0x80, s14, s25, $0xb8;
	[tilespmem:$0x1E880] =	vst v63  }
0x45: {  	_ =	swait.ge [sflag:s30], $0x4000  }
0x46: {  	[sflag:s30] =	ssyncset.done $0x0  }
0x47: {  	s15 =	simm.s32 $0x1400;
	[sflag:s30] =	ssyncadd.s32 $0xFFFFC000  }
0x48: {  	[spmem:s1] =	stream.indirect.scatter.add.f32 [tilespmem:s28], [sflag:$0x4], $0x80, s15, s25, $0xb8;
	[tilespmem:$0x1E880] =	vst v63  }
0x49: {  	_ =	swait.ge [sflag:s23], $0x4000  }
0x4a: {  	[sflag:s23] =	ssyncset.done $0x0  }
0x4b: {  	s11 =	simm.s32 $0x400;
	s14 =	simm.s32 $0x180;
	[sflag:s23] =	ssyncadd.s32 $0xFFFFC000  }
.LBB2_3:
0x4c: {  	[tilespmem:s28], [sflag:$0x2] =	stream.indirect.gather [hbm4b:s4+s25], $0x80, s14, s25, $0xb8;
	[tilespmem:$0x1E880] =	vst v63  }
0x4d: {  	s14 =	smov.u32 s11  }
0x4e: {  	p3 =	sne.s32 s11, $0x4400;
	s11 =	sadd.s32 $0x400, s11;
	_ =	swait.ge [sflag:s29], $0x4000  }
0x4f: {  	s14 =	sshra.s32 s14, $0x2;
	[sflag:s29] =	ssyncset.done $0x0  }
0x50: {  	s15 =	sadd.s32 $0x1380, s14;
	[sflag:s29] =	ssyncadd.s32 $0xFFFFC000  }
0x51: {  	[spmem:s1] =	stream.indirect.scatter.add.f32 [tilespmem:s26], [sflag:$0x4], $0x80, s15, s25, $0xb8;
	[tilespmem:$0x1E880] =	vst v63  }
0x52: {  	_ =	swait.ge [sflag:s23], $0x4000  }
0x53: {  	[sflag:s23] =	ssyncset.done $0x0  }
0x54: {  	s15 =	sadd.s32 $0x100, s14;
	[sflag:s23] =	ssyncadd.s32 $0xFFFFC000  }
0x55: {  	[tilespmem:s26], [sflag:$0x1] =	stream.indirect.gather [hbm4b:s4+s25], $0x80, s15, s25, $0xb8;
	[tilespmem:$0x1E880] =	vst v63  }
0x56: {  	_ =	swait.ge [sflag:s30], $0x4000  }
0x57: {  	[sflag:s30] =	ssyncset.done $0x0  }
.Ltmp3:
0x58: {  	s15 =	sadd.s32 $0x1400, s14;
	[sflag:s30] =	ssyncadd.s32 $0xFFFFC000;
	(pc) =	sbr.rel @p3 .LBB2_3-.Ltmp3, $4  }
0x59: {  	[spmem:s1] =	stream.indirect.scatter.add.f32 [tilespmem:s28], [sflag:$0x4], $0x80, s15, s25, $0xb8;
	[tilespmem:$0x1E880] =	vst v63  }
0x5a: {  	_ =	swait.ge [sflag:s23], $0x4000  }
0x5b: {  	[sflag:s23] =	ssyncset.done $0x0  }
0x5c: {  	s14 =	sadd.s32 $0x180, s14;
	[sflag:s23] =	ssyncadd.s32 $0xFFFFC000  }
0x5d: {  	[tilespmem:s28], [sflag:$0x2] =	stream.indirect.gather [hbm4b:s4+s25], $0x80, s14, s25, $0xb8;
	[tilespmem:$0x1E880] =	vst v63  }
0x5e: {  	_ =	swait.ge [sflag:s29], $0x4000  }
0x5f: {  	[sflag:s29] =	ssyncset.done $0x0  }
0x60: {  	[sflag:s29] =	ssyncadd.s32 $0xFFFFC000  }
0x61: {  	[spmem:s1] =	stream.indirect.scatter.add.f32 [tilespmem:s26], [sflag:$0x4], $0x80, s31, s25, $0xb8;
	[tilespmem:$0x1E880] =	vst v63  }
0x62: {  	_ =	swait.ge [sflag:s23], $0x4000  }
0x63: {  	[sflag:s23] =	ssyncset.done $0x0  }
0x64: {  	[sflag:s23] =	ssyncadd.s32 $0xFFFFC000  }
0x65: {  	[tilespmem:s26], [sflag:$0x1] =	stream.indirect.gather [hbm4b:s4+s25], $0x80, s0, s25, $0xb8;
	[tilespmem:$0x1E880] =	vst v63  }
0x66: {  	_ =	swait.ge [sflag:s30], $0x4000  }
0x67: {  	[sflag:s30] =	ssyncset.done $0x0  }
0x68: {  	[sflag:s30] =	ssyncadd.s32 $0xFFFFC000  }
0x69: {  	[spmem:s1] =	stream.indirect.scatter.add.f32 [tilespmem:s28], [sflag:$0x4], $0x80, s2, s25, $0xb8;
	[tilespmem:$0x1E880] =	vst v63  }
0x6a: {  	_ =	swait.ge [sflag:s23], $0x4000  }
0x6b: {  	[sflag:s23] =	ssyncset.done $0x0  }
0x6c: {  	[sflag:s23] =	ssyncadd.s32 $0xFFFFC000  }
0x6d: {  	_ =	swait.ge [sflag:s29], $0x4000  }
0x6e: {  	[sflag:s29] =	ssyncset.done $0x0  }
0x6f: {  	[sflag:s29] =	ssyncadd.s32 $0xFFFFC000  }
0x70: {  	[spmem:s1] =	stream.indirect.scatter.add.f32 [tilespmem:s26], [sflag:$0x4], $0x80, s19, s25, $0xb8;
	[tilespmem:$0x1E880] =	vst v63  }
0x71: {  	_ =	swait.ge [sflag:s23], $0x4000  }
0x72: {  	[sflag:s23] =	ssyncset.done $0x0  }
0x73: {  	s11 =	simm.s32 $0x0;
	s15 =	rddreg [dreg:$0xa];
	[sflag:s23] =	ssyncadd.s32 $0xFFFFC000  }
0x74: {  	[tilespmem:s11], [sflag:$0x4] =	stream.linear.gather [hbm4b:s15+s11], $0x1380, $0x38;
	[tilespmem:$0x1E880] =	vst v63  }
0x75: {  	_ =	swait.ge [sflag:s23], $0x1380  }
0x76: {  	[sflag:s23] =	ssyncset.done $0x0  }
0x77: {  	[sflag:s23] =	ssyncadd.s32 $0xFFFFEC80  }
0x78: {  	[tilespmem:s22], [sflag:$0x4] =	stream.linear.gather [hbm4b:s16+s11], $0x1380, $0x38;
	[tilespmem:$0x1E880] =	vst v63  }
0x79: {  	_ =	swait.ge [sflag:s23], $0x1380  }
0x7a: {  	[sflag:s23] =	ssyncset.done $0x0  }
0x7b: {  	[sflag:s23] =	ssyncadd.s32 $0xFFFFEC80  }
0x7c: {  	[tilespmem:s26], [sflag:$0x1] =	stream.indirect.gather [hbm4b:s4+s25], $0x80, s11, s25, $0xb8;
	[tilespmem:$0x1E880] =	vst v63  }
0x7d: {  	_ = 	snop  }
0x7e: {  	[tilespmem:s28], [sflag:$0x2] =	stream.indirect.gather [hbm4b:s4+s25], $0x80, s25, s25, $0xb8;
	[tilespmem:$0x1E880] =	vst v63  }
0x7f: {  	_ =	swait.ge [sflag:s29], $0x4000  }
0x80: {  	[sflag:s29] =	ssyncset.done $0x0  }
0x81: {  	s15 =	simm.s32 $0x1380;
	[sflag:s29] =	ssyncadd.s32 $0xFFFFC000  }
0x82: {  	[spmem:s1] =	stream.indirect.scatter.add.f32 [tilespmem:s26], [sflag:$0x4], $0x80, s15, s25, $0xb8;
	[tilespmem:$0x1E880] =	vst v63  }
0x83: {  	_ =	swait.ge [sflag:s23], $0x4000  }
0x84: {  	[sflag:s23] =	ssyncset.done $0x0  }
0x85: {  	s14 =	simm.s32 $0x100;
	[sflag:s23] =	ssyncadd.s32 $0xFFFFC000  }
0x86: {  	[tilespmem:s26], [sflag:$0x1] =	stream.indirect.gather [hbm4b:s4+s25], $0x80, s14, s25, $0xb8;
	[tilespmem:$0x1E880] =	vst v63  }
0x87: {  	_ =	swait.ge [sflag:s30], $0x4000  }
0x88: {  	[sflag:s30] =	ssyncset.done $0x0  }
0x89: {  	s15 =	simm.s32 $0x1400;
	[sflag:s30] =	ssyncadd.s32 $0xFFFFC000  }
0x8a: {  	[spmem:s1] =	stream.indirect.scatter.add.f32 [tilespmem:s28], [sflag:$0x4], $0x80, s15, s25, $0xb8;
	[tilespmem:$0x1E880] =	vst v63  }
0x8b: {  	_ =	swait.ge [sflag:s23], $0x4000  }
0x8c: {  	[sflag:s23] =	ssyncset.done $0x0  }
0x8d: {  	s11 =	simm.s32 $0x400;
	s14 =	simm.s32 $0x180;
	[sflag:s23] =	ssyncadd.s32 $0xFFFFC000  }
.LBB2_5:
0x8e: {  	[tilespmem:s28], [sflag:$0x2] =	stream.indirect.gather [hbm4b:s4+s25], $0x80, s14, s25, $0xb8;
	[tilespmem:$0x1E880] =	vst v63  }
0x8f: {  	s14 =	smov.u32 s11  }
0x90: {  	p3 =	sne.s32 s11, $0x4400;
	s11 =	sadd.s32 $0x400, s11;
	_ =	swait.ge [sflag:s29], $0x4000  }
0x91: {  	s14 =	sshra.s32 s14, $0x2;
	[sflag:s29] =	ssyncset.done $0x0  }
0x92: {  	s15 =	sadd.s32 $0x1380, s14;
	[sflag:s29] =	ssyncadd.s32 $0xFFFFC000  }
0x93: {  	[spmem:s1] =	stream.indirect.scatter.add.f32 [tilespmem:s26], [sflag:$0x4], $0x80, s15, s25, $0xb8;
	[tilespmem:$0x1E880] =	vst v63  }
0x94: {  	_ =	swait.ge [sflag:s23], $0x4000  }
0x95: {  	[sflag:s23] =	ssyncset.done $0x0  }
0x96: {  	s15 =	sadd.s32 $0x100, s14;
	[sflag:s23] =	ssyncadd.s32 $0xFFFFC000  }
0x97: {  	[tilespmem:s26], [sflag:$0x1] =	stream.indirect.gather [hbm4b:s4+s25], $0x80, s15, s25, $0xb8;
	[tilespmem:$0x1E880] =	vst v63  }
0x98: {  	_ =	swait.ge [sflag:s30], $0x4000  }
0x99: {  	[sflag:s30] =	ssyncset.done $0x0  }
.Ltmp4:
0x9a: {  	s15 =	sadd.s32 $0x1400, s14;
	[sflag:s30] =	ssyncadd.s32 $0xFFFFC000;
	(pc) =	sbr.rel @p3 .LBB2_5-.Ltmp4, $4  }
0x9b: {  	[spmem:s1] =	stream.indirect.scatter.add.f32 [tilespmem:s28], [sflag:$0x4], $0x80, s15, s25, $0xb8;
	[tilespmem:$0x1E880] =	vst v63  }
0x9c: {  	_ =	swait.ge [sflag:s23], $0x4000  }
0x9d: {  	[sflag:s23] =	ssyncset.done $0x0  }
0x9e: {  	s14 =	sadd.s32 $0x180, s14;
	[sflag:s23] =	ssyncadd.s32 $0xFFFFC000  }
0x9f: {  	[tilespmem:s28], [sflag:$0x2] =	stream.indirect.gather [hbm4b:s4+s25], $0x80, s14, s25, $0xb8;
	[tilespmem:$0x1E880] =	vst v63  }
0xa0: {  	_ =	swait.ge [sflag:s29], $0x4000  }
0xa1: {  	[sflag:s29] =	ssyncset.done $0x0  }
0xa2: {  	[sflag:s29] =	ssyncadd.s32 $0xFFFFC000  }
0xa3: {  	[spmem:s1] =	stream.indirect.scatter.add.f32 [tilespmem:s26], [sflag:$0x4], $0x80, s31, s25, $0xb8;
	[tilespmem:$0x1E880] =	vst v63  }
0xa4: {  	_ =	swait.ge [sflag:s23], $0x4000  }
0xa5: {  	[sflag:s23] =	ssyncset.done $0x0  }
0xa6: {  	[sflag:s23] =	ssyncadd.s32 $0xFFFFC000  }
0xa7: {  	[tilespmem:s26], [sflag:$0x1] =	stream.indirect.gather [hbm4b:s4+s25], $0x80, s0, s25, $0xb8;
	[tilespmem:$0x1E880] =	vst v63  }
0xa8: {  	_ =	swait.ge [sflag:s30], $0x4000  }
0xa9: {  	[sflag:s30] =	ssyncset.done $0x0  }
0xaa: {  	[sflag:s30] =	ssyncadd.s32 $0xFFFFC000  }
0xab: {  	[spmem:s1] =	stream.indirect.scatter.add.f32 [tilespmem:s28], [sflag:$0x4], $0x80, s2, s25, $0xb8;
	[tilespmem:$0x1E880] =	vst v63  }
0xac: {  	_ =	swait.ge [sflag:s23], $0x4000  }
0xad: {  	[sflag:s23] =	ssyncset.done $0x0  }
0xae: {  	[sflag:s23] =	ssyncadd.s32 $0xFFFFC000  }
0xaf: {  	_ =	swait.ge [sflag:s29], $0x4000  }
0xb0: {  	[sflag:s29] =	ssyncset.done $0x0  }
0xb1: {  	[sflag:s29] =	ssyncadd.s32 $0xFFFFC000  }
0xb2: {  	[spmem:s1] =	stream.indirect.scatter.add.f32 [tilespmem:s26], [sflag:$0x4], $0x80, s19, s25, $0xb8;
	[tilespmem:$0x1E880] =	vst v63  }
0xb3: {  	_ =	swait.ge [sflag:s23], $0x4000  }
0xb4: {  	[sflag:s23] =	ssyncset.done $0x0  }
0xb5: {  	[sflag:s23] =	ssyncadd.s32 $0xFFFFC000  }
0xb6: {  	[tilespmem:s20], [sflag:$0x4] =	stream.linear.gather [hbm4b:s17+s3], $0x10, $0x38;
	[tilespmem:$0x1E880] =	vst v63  }
0xb7: {  	_ =	swait.ge [sflag:s23], $0x10  }
0xb8: {  	[sflag:s23] =	ssyncset.done $0x0  }
0xb9: {  	[sflag:s23] =	ssyncadd.s32 $0xFFFFFFF0  }
0xba: {  	[tilespmem:s6], [sflag:$0x4] =	stream.linear.gather [hbm4b:s18+s3], $0x10, $0x38;
	[tilespmem:$0x1E880] =	vst v63  }
0xbb: {  	_ =	swait.ge [sflag:s23], $0x10  }
0xbc: {  	[sflag:s23] =	ssyncset.done $0x0  }
0xbd: {  	[sflag:s23] =	ssyncadd.s32 $0xFFFFFFF0  }
0xbe: {  	[tilespmem:s8], [sflag:$0x3] =	stream.indirect.gather [hbm4b:s4+s7], $0x80, s20, s7, $0xb8;
	[tilespmem:$0x1E880] =	vst v63  }
0xbf: {  	_ =	swait.ge [sflag:s24], $0x800  }
0xc0: {  	[sflag:s24] =	ssyncset.done $0x0  }
0xc1: {  	[sflag:s24] =	ssyncadd.s32 $0xFFFFF800  }
0xc2: {  	[spmem:s1] =	stream.indirect.scatter.add.f32 [tilespmem:s8], [sflag:$0x4], $0x80, s6, s7, $0xb8;
	[tilespmem:$0x1E880] =	vst v63  }
0xc3: {  	_ =	swait.ge [sflag:s23], $0x800  }
0xc4: {  	[sflag:s23] =	ssyncset.done $0x0  }
0xc5: {  	[sflag:s23] =	ssyncadd.s32 $0xFFFFF800  }
0xc6: {  	[bflag:$0x0] =	sbarrier.arrive $0xFFFF  }
0xc7: {  	s11 =	rddreg [dreg:$0xc]  }
0xc8: {  	[hbm:s11], [sflag:s12] =	dma.local [spmem:s10], $0x2700  }
.Ltmp5:
0xc9: {  	_ = 	snop;
	(pc) =	sbr.rel @p2 .LBB2_12-.Ltmp5, $4  }
.Ltmp6:
0xca: {  	_ = 	snop;
	(pc) =	sbr.rel @!p2 .LBB2_13-.Ltmp6, $4  }
0xcb: {  	_ =	swait.ge [sflag:s23], $0x2700  }
0xcc: {  	[sflag:s23] =	ssyncset.done $0x0  }
0xcd: {  	s10 =	rddreg [dreg:$0x3];
	[sflag:s23] =	ssyncadd.s32 $0xFFFFD900  }
0xce: {  	_ = 	snop  }
.LBB2_7:
0xcf: {  	[tilespmem:s26], [sflag:$0x1] =	stream.indirect.gather [hbm4b:s5+s25], $0x80, s11, s25, $0xb8;
	[tilespmem:$0x1E880] =	vst v63  }
0xd0: {  	_ = 	snop  }
0xd1: {  	[tilespmem:s28], [sflag:$0x2] =	stream.indirect.gather [hbm4b:s5+s25], $0x80, s25, s25, $0xb8;
	[tilespmem:$0x1E880] =	vst v63  }
0xd2: {  	_ =	swait.ge [sflag:s29], $0x4000  }
0xd3: {  	[sflag:s29] =	ssyncset.done $0x0  }
0xd4: {  	s15 =	simm.s32 $0x1380;
	[sflag:s29] =	ssyncadd.s32 $0xFFFFC000  }
0xd5: {  	[spmem:s1] =	stream.indirect.scatter.add.f32 [tilespmem:s26], [sflag:$0x4], $0x80, s15, s25, $0xb8;
	[tilespmem:$0x1E880] =	vst v63  }
0xd6: {  	_ =	swait.ge [sflag:s23], $0x4000  }
0xd7: {  	[sflag:s23] =	ssyncset.done $0x0  }
0xd8: {  	s14 =	simm.s32 $0x100;
	[sflag:s23] =	ssyncadd.s32 $0xFFFFC000  }
0xd9: {  	[tilespmem:s26], [sflag:$0x1] =	stream.indirect.gather [hbm4b:s5+s25], $0x80, s14, s25, $0xb8;
	[tilespmem:$0x1E880] =	vst v63  }
0xda: {  	_ =	swait.ge [sflag:s30], $0x4000  }
0xdb: {  	[sflag:s30] =	ssyncset.done $0x0  }
0xdc: {  	s15 =	simm.s32 $0x1400;
	[sflag:s30] =	ssyncadd.s32 $0xFFFFC000  }
0xdd: {  	[spmem:s1] =	stream.indirect.scatter.add.f32 [tilespmem:s28], [sflag:$0x4], $0x80, s15, s25, $0xb8;
	[tilespmem:$0x1E880] =	vst v63  }
0xde: {  	_ =	swait.ge [sflag:s23], $0x4000  }
0xdf: {  	[sflag:s23] =	ssyncset.done $0x0  }
0xe0: {  	s11 =	simm.s32 $0x400;
	s14 =	simm.s32 $0x180;
	[sflag:s23] =	ssyncadd.s32 $0xFFFFC000  }
.LBB2_8:
0xe1: {  	[tilespmem:s28], [sflag:$0x2] =	stream.indirect.gather [hbm4b:s5+s25], $0x80, s14, s25, $0xb8;
	[tilespmem:$0x1E880] =	vst v63  }
0xe2: {  	s14 =	smov.u32 s11  }
0xe3: {  	p3 =	sne.s32 s11, $0x4400;
	s11 =	sadd.s32 $0x400, s11;
	_ =	swait.ge [sflag:s29], $0x4000  }
0xe4: {  	s14 =	sshra.s32 s14, $0x2;
	[sflag:s29] =	ssyncset.done $0x0  }
0xe5: {  	s15 =	sadd.s32 $0x1380, s14;
	[sflag:s29] =	ssyncadd.s32 $0xFFFFC000  }
0xe6: {  	[spmem:s1] =	stream.indirect.scatter.add.f32 [tilespmem:s26], [sflag:$0x4], $0x80, s15, s25, $0xb8;
	[tilespmem:$0x1E880] =	vst v63  }
0xe7: {  	_ =	swait.ge [sflag:s23], $0x4000  }
0xe8: {  	[sflag:s23] =	ssyncset.done $0x0  }
0xe9: {  	s15 =	sadd.s32 $0x100, s14;
	[sflag:s23] =	ssyncadd.s32 $0xFFFFC000  }
0xea: {  	[tilespmem:s26], [sflag:$0x1] =	stream.indirect.gather [hbm4b:s5+s25], $0x80, s15, s25, $0xb8;
	[tilespmem:$0x1E880] =	vst v63  }
0xeb: {  	_ =	swait.ge [sflag:s30], $0x4000  }
0xec: {  	[sflag:s30] =	ssyncset.done $0x0  }
.Ltmp7:
0xed: {  	s15 =	sadd.s32 $0x1400, s14;
	[sflag:s30] =	ssyncadd.s32 $0xFFFFC000;
	(pc) =	sbr.rel @p3 .LBB2_8-.Ltmp7, $4  }
0xee: {  	[spmem:s1] =	stream.indirect.scatter.add.f32 [tilespmem:s28], [sflag:$0x4], $0x80, s15, s25, $0xb8;
	[tilespmem:$0x1E880] =	vst v63  }
0xef: {  	_ =	swait.ge [sflag:s23], $0x4000  }
0xf0: {  	[sflag:s23] =	ssyncset.done $0x0  }
0xf1: {  	s14 =	sadd.s32 $0x180, s14;
	[sflag:s23] =	ssyncadd.s32 $0xFFFFC000  }
0xf2: {  	[tilespmem:s28], [sflag:$0x2] =	stream.indirect.gather [hbm4b:s5+s25], $0x80, s14, s25, $0xb8;
	[tilespmem:$0x1E880] =	vst v63  }
0xf3: {  	_ =	swait.ge [sflag:s29], $0x4000  }
0xf4: {  	[sflag:s29] =	ssyncset.done $0x0  }
0xf5: {  	[sflag:s29] =	ssyncadd.s32 $0xFFFFC000  }
0xf6: {  	[spmem:s1] =	stream.indirect.scatter.add.f32 [tilespmem:s26], [sflag:$0x4], $0x80, s31, s25, $0xb8;
	[tilespmem:$0x1E880] =	vst v63  }
0xf7: {  	_ =	swait.ge [sflag:s23], $0x4000  }
0xf8: {  	[sflag:s23] =	ssyncset.done $0x0  }
0xf9: {  	[sflag:s23] =	ssyncadd.s32 $0xFFFFC000  }
0xfa: {  	[tilespmem:s26], [sflag:$0x1] =	stream.indirect.gather [hbm4b:s5+s25], $0x80, s0, s25, $0xb8;
	[tilespmem:$0x1E880] =	vst v63  }
0xfb: {  	_ =	swait.ge [sflag:s30], $0x4000  }
0xfc: {  	[sflag:s30] =	ssyncset.done $0x0  }
0xfd: {  	[sflag:s30] =	ssyncadd.s32 $0xFFFFC000  }
0xfe: {  	[spmem:s1] =	stream.indirect.scatter.add.f32 [tilespmem:s28], [sflag:$0x4], $0x80, s2, s25, $0xb8;
	[tilespmem:$0x1E880] =	vst v63  }
0xff: {  	_ =	swait.ge [sflag:s23], $0x4000  }
0x100: {  	[sflag:s23] =	ssyncset.done $0x0  }
0x101: {  	[sflag:s23] =	ssyncadd.s32 $0xFFFFC000  }
0x102: {  	_ =	swait.ge [sflag:s29], $0x4000  }
0x103: {  	[sflag:s29] =	ssyncset.done $0x0  }
0x104: {  	[sflag:s29] =	ssyncadd.s32 $0xFFFFC000  }
0x105: {  	[spmem:s1] =	stream.indirect.scatter.add.f32 [tilespmem:s26], [sflag:$0x4], $0x80, s19, s25, $0xb8;
	[tilespmem:$0x1E880] =	vst v63  }
0x106: {  	_ =	swait.ge [sflag:s23], $0x4000  }
0x107: {  	[sflag:s23] =	ssyncset.done $0x0  }
0x108: {  	s11 =	simm.s32 $0x0;
	s15 =	rddreg [dreg:$0xa];
	[sflag:s23] =	ssyncadd.s32 $0xFFFFC000  }
0x109: {  	[tilespmem:s11], [sflag:$0x4] =	stream.linear.gather [hbm4b:s15+s11], $0x1380, $0x38;
	[tilespmem:$0x1E880] =	vst v63  }
0x10a: {  	_ =	swait.ge [sflag:s23], $0x1380  }
0x10b: {  	[sflag:s23] =	ssyncset.done $0x0  }
0x10c: {  	[sflag:s23] =	ssyncadd.s32 $0xFFFFEC80  }
0x10d: {  	[tilespmem:s22], [sflag:$0x4] =	stream.linear.gather [hbm4b:s16+s11], $0x1380, $0x38;
	[tilespmem:$0x1E880] =	vst v63  }
0x10e: {  	_ =	swait.ge [sflag:s23], $0x1380  }
0x10f: {  	[sflag:s23] =	ssyncset.done $0x0  }
0x110: {  	[sflag:s23] =	ssyncadd.s32 $0xFFFFEC80  }
0x111: {  	[tilespmem:s26], [sflag:$0x1] =	stream.indirect.gather [hbm4b:s5+s25], $0x80, s11, s25, $0xb8;
	[tilespmem:$0x1E880] =	vst v63  }
0x112: {  	_ = 	snop  }
0x113: {  	[tilespmem:s28], [sflag:$0x2] =	stream.indirect.gather [hbm4b:s5+s25], $0x80, s25, s25, $0xb8;
	[tilespmem:$0x1E880] =	vst v63  }
0x114: {  	_ =	swait.ge [sflag:s29], $0x4000  }
0x115: {  	[sflag:s29] =	ssyncset.done $0x0  }
0x116: {  	s15 =	simm.s32 $0x1380;
	[sflag:s29] =	ssyncadd.s32 $0xFFFFC000  }
0x117: {  	[spmem:s1] =	stream.indirect.scatter.add.f32 [tilespmem:s26], [sflag:$0x4], $0x80, s15, s25, $0xb8;
	[tilespmem:$0x1E880] =	vst v63  }
0x118: {  	_ =	swait.ge [sflag:s23], $0x4000  }
0x119: {  	[sflag:s23] =	ssyncset.done $0x0  }
0x11a: {  	s14 =	simm.s32 $0x100;
	[sflag:s23] =	ssyncadd.s32 $0xFFFFC000  }
0x11b: {  	[tilespmem:s26], [sflag:$0x1] =	stream.indirect.gather [hbm4b:s5+s25], $0x80, s14, s25, $0xb8;
	[tilespmem:$0x1E880] =	vst v63  }
0x11c: {  	_ =	swait.ge [sflag:s30], $0x4000  }
0x11d: {  	[sflag:s30] =	ssyncset.done $0x0  }
0x11e: {  	s15 =	simm.s32 $0x1400;
	[sflag:s30] =	ssyncadd.s32 $0xFFFFC000  }
0x11f: {  	[spmem:s1] =	stream.indirect.scatter.add.f32 [tilespmem:s28], [sflag:$0x4], $0x80, s15, s25, $0xb8;
	[tilespmem:$0x1E880] =	vst v63  }
0x120: {  	_ =	swait.ge [sflag:s23], $0x4000  }
0x121: {  	[sflag:s23] =	ssyncset.done $0x0  }
0x122: {  	s11 =	simm.s32 $0x400;
	s14 =	simm.s32 $0x180;
	[sflag:s23] =	ssyncadd.s32 $0xFFFFC000  }
.LBB2_10:
0x123: {  	[tilespmem:s28], [sflag:$0x2] =	stream.indirect.gather [hbm4b:s5+s25], $0x80, s14, s25, $0xb8;
	[tilespmem:$0x1E880] =	vst v63  }
0x124: {  	s14 =	smov.u32 s11  }
0x125: {  	p3 =	sne.s32 s11, $0x4400;
	s11 =	sadd.s32 $0x400, s11;
	_ =	swait.ge [sflag:s29], $0x4000  }
0x126: {  	s14 =	sshra.s32 s14, $0x2;
	[sflag:s29] =	ssyncset.done $0x0  }
0x127: {  	s15 =	sadd.s32 $0x1380, s14;
	[sflag:s29] =	ssyncadd.s32 $0xFFFFC000  }
0x128: {  	[spmem:s1] =	stream.indirect.scatter.add.f32 [tilespmem:s26], [sflag:$0x4], $0x80, s15, s25, $0xb8;
	[tilespmem:$0x1E880] =	vst v63  }
0x129: {  	_ =	swait.ge [sflag:s23], $0x4000  }
0x12a: {  	[sflag:s23] =	ssyncset.done $0x0  }
0x12b: {  	s15 =	sadd.s32 $0x100, s14;
	[sflag:s23] =	ssyncadd.s32 $0xFFFFC000  }
0x12c: {  	[tilespmem:s26], [sflag:$0x1] =	stream.indirect.gather [hbm4b:s5+s25], $0x80, s15, s25, $0xb8;
	[tilespmem:$0x1E880] =	vst v63  }
0x12d: {  	_ =	swait.ge [sflag:s30], $0x4000  }
0x12e: {  	[sflag:s30] =	ssyncset.done $0x0  }
.Ltmp8:
0x12f: {  	s15 =	sadd.s32 $0x1400, s14;
	[sflag:s30] =	ssyncadd.s32 $0xFFFFC000;
	(pc) =	sbr.rel @p3 .LBB2_10-.Ltmp8, $4  }
0x130: {  	[spmem:s1] =	stream.indirect.scatter.add.f32 [tilespmem:s28], [sflag:$0x4], $0x80, s15, s25, $0xb8;
	[tilespmem:$0x1E880] =	vst v63  }
0x131: {  	_ =	swait.ge [sflag:s23], $0x4000  }
0x132: {  	[sflag:s23] =	ssyncset.done $0x0  }
0x133: {  	s14 =	sadd.s32 $0x180, s14;
	[sflag:s23] =	ssyncadd.s32 $0xFFFFC000  }
0x134: {  	[tilespmem:s28], [sflag:$0x2] =	stream.indirect.gather [hbm4b:s5+s25], $0x80, s14, s25, $0xb8;
	[tilespmem:$0x1E880] =	vst v63  }
0x135: {  	_ =	swait.ge [sflag:s29], $0x4000  }
0x136: {  	[sflag:s29] =	ssyncset.done $0x0  }
0x137: {  	[sflag:s29] =	ssyncadd.s32 $0xFFFFC000  }
0x138: {  	[spmem:s1] =	stream.indirect.scatter.add.f32 [tilespmem:s26], [sflag:$0x4], $0x80, s31, s25, $0xb8;
	[tilespmem:$0x1E880] =	vst v63  }
0x139: {  	_ =	swait.ge [sflag:s23], $0x4000  }
0x13a: {  	[sflag:s23] =	ssyncset.done $0x0  }
0x13b: {  	[sflag:s23] =	ssyncadd.s32 $0xFFFFC000  }
0x13c: {  	[tilespmem:s26], [sflag:$0x1] =	stream.indirect.gather [hbm4b:s5+s25], $0x80, s0, s25, $0xb8;
	[tilespmem:$0x1E880] =	vst v63  }
0x13d: {  	_ =	swait.ge [sflag:s30], $0x4000  }
0x13e: {  	[sflag:s30] =	ssyncset.done $0x0  }
0x13f: {  	[sflag:s30] =	ssyncadd.s32 $0xFFFFC000  }
0x140: {  	[spmem:s1] =	stream.indirect.scatter.add.f32 [tilespmem:s28], [sflag:$0x4], $0x80, s2, s25, $0xb8;
	[tilespmem:$0x1E880] =	vst v63  }
0x141: {  	_ =	swait.ge [sflag:s23], $0x4000  }
0x142: {  	[sflag:s23] =	ssyncset.done $0x0  }
0x143: {  	[sflag:s23] =	ssyncadd.s32 $0xFFFFC000  }
0x144: {  	_ =	swait.ge [sflag:s29], $0x4000  }
0x145: {  	[sflag:s29] =	ssyncset.done $0x0  }
0x146: {  	[sflag:s29] =	ssyncadd.s32 $0xFFFFC000  }
0x147: {  	[spmem:s1] =	stream.indirect.scatter.add.f32 [tilespmem:s26], [sflag:$0x4], $0x80, s19, s25, $0xb8;
	[tilespmem:$0x1E880] =	vst v63  }
0x148: {  	_ =	swait.ge [sflag:s23], $0x4000  }
0x149: {  	[sflag:s23] =	ssyncset.done $0x0  }
0x14a: {  	[sflag:s23] =	ssyncadd.s32 $0xFFFFC000  }
0x14b: {  	[tilespmem:s20], [sflag:$0x4] =	stream.linear.gather [hbm4b:s17+s3], $0x10, $0x38;
	[tilespmem:$0x1E880] =	vst v63  }
0x14c: {  	_ =	swait.ge [sflag:s23], $0x10  }
0x14d: {  	[sflag:s23] =	ssyncset.done $0x0  }
0x14e: {  	[sflag:s23] =	ssyncadd.s32 $0xFFFFFFF0  }
0x14f: {  	[tilespmem:s6], [sflag:$0x4] =	stream.linear.gather [hbm4b:s18+s3], $0x10, $0x38;
	[tilespmem:$0x1E880] =	vst v63  }
0x150: {  	_ =	swait.ge [sflag:s23], $0x10  }
0x151: {  	[sflag:s23] =	ssyncset.done $0x0  }
0x152: {  	[sflag:s23] =	ssyncadd.s32 $0xFFFFFFF0  }
0x153: {  	[tilespmem:s8], [sflag:$0x3] =	stream.indirect.gather [hbm4b:s5+s7], $0x80, s20, s7, $0xb8;
	[tilespmem:$0x1E880] =	vst v63  }
0x154: {  	_ =	swait.ge [sflag:s24], $0x800  }
0x155: {  	[sflag:s24] =	ssyncset.done $0x0  }
0x156: {  	[sflag:s24] =	ssyncadd.s32 $0xFFFFF800  }
0x157: {  	[spmem:s1] =	stream.indirect.scatter.add.f32 [tilespmem:s8], [sflag:$0x4], $0x80, s6, s7, $0xb8;
	[tilespmem:$0x1E880] =	vst v63  }
0x158: {  	_ =	swait.ge [sflag:s23], $0x800  }
0x159: {  	[sflag:s23] =	ssyncset.done $0x0  }
0x15a: {  	[sflag:s23] =	ssyncadd.s32 $0xFFFFF800  }
0x15b: {  	[bflag:$0x0] =	sbarrier.arrive $0xFFFF  }
0x15c: {  	s11 =	rddreg [dreg:$0xb]  }
0x15d: {  	[hbm:s11], [sflag:s12] =	dma.local [spmem:s10], $0x2700  }
.Ltmp9:
0x15e: {  	_ = 	snop;
	(pc) =	sbr.rel @p0 .LBB2_13-.Ltmp9, $4  }
.Ltmp10:
0x15f: {  	_ = 	snop;
	(pc) =	sbr.rel @!p0 .LBB2_12-.Ltmp10, $4  }
0x160: {  	_ =	swait.ge [sflag:s23], $0x2700  }
0x161: {  	[sflag:s23] =	ssyncset.done $0x0  }
0x162: {  	s10 =	rddreg [dreg:$0x4];
	[sflag:s23] =	ssyncadd.s32 $0xFFFFD900  }
0x163: {  	_ = 	snop  }
.LBB2_14:
0x164: {  	_ =	sfence.sel $0x180000  }
0x165: {  	[bflag:$0x0] =	sbarrier.arrive $0xFFFF  }
0x166: {  	_ =	strace $0x9000004A  }
0x167: {  	s0 =	stileid.u32;
	[bflag:$0x2] =	sbarrier.arrive $0xFFFF  }
0x168: {  	p0 =	sne.s32 s0, $0x0;
	s0 =	rddreg [dreg:$0x2]  }
0x169: {  	s0 =	sadd.s32 @!p0 $0x100000, s0  }
0x16a: {  	[sflag:s0] =	ssyncadd.tile.s32 @!p0 $0x1;
	_ =	shalt  }
.Lfunc_end2:
_tile_overlayer_lowered:
.L_overlay_start_2:
0x16b: {  	(tag) =	ssettag $0x2  }
0x16c: {  	s0 =	rddreg [dreg:$0x0];
	s2 =	stileid.u32  }
0x16d: {  	s1 =	rddreg [dreg:$0x1];
	p0 =	sne.s32 s2, $0x0  }
0x16e: {  	s3 =	rddreg [dreg:$0x2];
	[bflag:$0x3] =	sbarrier.arrive $0xFFFF;
	s2 =	simm.s32 @!p0 $0x1C04  }
0x16f: {  	[timem:s3], [sflag:s2] =	dma.local @!p0 [hbm:s0], s1  }
0x170: {  	s0 =	simm.s32 @!p0 $0x4  }
0x171: {  	_ =	swait.ge @!p0 [sflag:s0], s1  }
0x172: {  	s1 =	ssub.s32 @!p0 $0x0, s1;
	[sflag:s0] =	ssyncset.done @!p0 $0x0  }
0x173: {  	[sflag:s0] =	ssyncadd.s32 @!p0 s1  }
0x174: {  	[bflag:$0x3] =	sbarrier.arrive $0xFFFF  }
0x175: {  	_ =	shalt  }

// kernel: kernel.17.cloned.1.call-start
scs
__scs_entry_jumppad:
0x0: {  	(pc) =	sbr.rel $0x88, $3  }
0x1: {  	(tag) =	ssettag $0x0;
	lr =	simm.s32 $0x1  }
0x2: {  	[smem:$0x3F97] =	sst lr;
	_ =	strace $0xD0000000  }
0x3: {  	_ = 	snop  }
0x4: {  	_ = 	snop  }
0x5: {  	_ = 	snop  }
0x6: {  	_ = 	snop  }
0x7: {  	_ = 	snop  }
__scs_overlays_trampoline_lowered:
0x8: {  	[smem:$0x3FA6] =	sst s0  }
0x9: {  	[smem:$0x3FA7] =	sst s1  }
0xa: {  	[smem:$0x3FA8] =	sst s2  }
0xb: {  	[smem:$0x3FA9] =	sst s3  }
0xc: {  	[smem:$0x3FAA] =	sst s4  }
0xd: {  	[smem:$0x3FAB] =	sst s5  }
0xe: {  	[smem:$0x3FAC] =	sst s6  }
0xf: {  	[smem:$0x3FAD] =	sst s7  }
0x10: {  	[smem:$0x3FAE] =	sst s8  }
0x11: {  	[smem:$0x3FAF] =	sst s9;
	s0 =	simm.s32 @!p0 $0x0  }
0x12: {  	s1 =	sld [smem:$0x3F95];
	s0 =	simm.s32 @p0 $0x1  }
0x13: {  	[smem:$0x3FB0] =	sst s0;
	s0 =	simm.s32 @!p1 $0x0  }
0x14: {  	s2 =	sld [smem:$0x3F94];
	s0 =	simm.s32 @p1 $0x1  }
0x15: {  	[smem:$0x3FB1] =	sst s0;
	s0 =	simm.s32 @!p2 $0x0  }
0x16: {  	s3 =	sld [smem:$0x3FDB];
	s0 =	simm.s32 @p2 $0x1  }
0x17: {  	s4 =	simm.s32 $0x1BF5;
	[smem:$0x3FB3] =	sst s0  }
0x18: {  	s0 =	sld [smem:$0x3F96];
	_ =	swait.ge [sflag:s4], $0x0  }
0x19: {  	s7 =	sld [smem:$0x3F97]  }
0x1a: {  	s8 =	sadd.s32 $0xFFFFE003, lr  }
0x1b: {  	s9 =	sadd.s32 $0xFFFFFEF7, lr;
	s5 =	simm.s32 $0xFFFFFFFF;
	p2 =	slt.u32 s8, $0xFFFFF086  }
0x1c: {  	p1 =	slt.u32 s9, $0xF7A;
	s5 =	simm.s32 @!p2 $0x0  }
0x1d: {  	s5 =	simm.s32 @p1 $0x1;
	p0 =	seq.s32 s7, s2  }
0x1e: {  	s7 =	smul.u32 @!p0 $0xF7A, s2;
	p2 =	seq.s32 @!p0 s5, $0x0  }
0x1f: {  	s9 =	smul.u32 $0xF7A, s1;
	s8 =	simm.s32 @!p0 $0x1BF5;
	p2 =	por !p2, p0  }
0x20: {  	[sflag:s8] =	ssyncset.s32 @!p0 $0xFFFFF086;
	s6 =	sadd.s32 @!p0 s3, s7;
	s7 =	simm.s32 @!p0 $0x108  }
0x21: {  	s3 =	sadd.s32 s3, s9;
	s6 =	sadd.s32 @!p0 $0x88, s6;
	s7 =	simm.s32 @p2 $0x1082  }
0x22: {  	[simem:s7], [sflag:s8] =	dma.local @!p0 [hbm:s6], $0xF7A  }
0x23: {  	s9 =	sor.u32 $0xD0000000, s2;
	s6 =	simm.s32 $0x108;
	_ =	swait.ge @!p0 [sflag:s8], $0x0  }
0x24: {  	s3 =	sadd.s32 $0x88, s3;
	s6 =	simm.s32 @!p1 $0x1082;
	[sflag:s4] =	ssyncset.s32 $0xFFFFF086  }
0x25: {  	[simem:s6], [sflag:s4] =	dma.local [hbm:s3], $0xF7A  }
0x26: {  	[smem:$0x3F97] =	sst s1;
	(tag) =	ssettag s2;
	_ =	strace s9  }
0x27: {  	s1 =	sld [smem:$0x3FA7]  }
0x28: {  	s2 =	sld [smem:$0x3FA8]  }
0x29: {  	s4 =	sld [smem:$0x3FAA]  }
0x2a: {  	p0 =	seq.s32 s5, $0x0;
	s5 =	sld [smem:$0x3FAB]  }
0x2b: {  	s6 =	sld [smem:$0x3FAC]  }
0x2c: {  	s7 =	sld [smem:$0x3FAD]  }
0x2d: {  	s3 =	simm.s32 $0x108;
	s8 =	sld [smem:$0x3FAE]  }
0x2e: {  	s3 =	simm.s32 @!p0 $0x1082;
	s9 =	sld [smem:$0x3FAF]  }
0x2f: {  	lr =	sadd.s32 s0, s3;
	s0 =	sld [smem:$0x3FA6]  }
0x30: {  	s3 =	sld [smem:$0x3FA9]  }
0x31: {  	[smem:$0x3FB2] =	sst s10  }
0x32: {  	s10 =	sld [smem:$0x3FB0];
	_ =	sdelay $0x3  }
0x33: {  	p0 =	seq.s32 s10, $0x1;
	s10 =	sld [smem:$0x3FB2];
	_ =	sdelay $0x3  }
0x34: {  	[smem:$0x3FB2] =	sst s10  }
0x35: {  	s10 =	sld [smem:$0x3FB1];
	_ =	sdelay $0x3  }
0x36: {  	p1 =	seq.s32 s10, $0x1;
	s10 =	sld [smem:$0x3FB2];
	_ =	sdelay $0x3  }
0x37: {  	[smem:$0x3FB2] =	sst s10  }
0x38: {  	s10 =	sld [smem:$0x3FB3]  }
0x39: {  	_ = 	snop;
	(pc) =	sbr.ind lr, $3  }
0x3a: {  	_ = 	snop  }
0x3b: {  	_ = 	snop  }
0x3c: {  	p2 =	seq.s32 s10, $0x1;
	s10 =	sld [smem:$0x3FB2]  }
0x3d: {  	_ =	shalt  }
0x3e: {  	_ =	shalt  }
0x3f: {  	_ =	shalt  }
0x40: {  	_ =	shalt  }
0x41: {  	_ =	shalt  }
0x42: {  	_ =	shalt  }
0x43: {  	_ =	shalt  }
0x44: {  	_ =	shalt  }
0x45: {  	_ =	shalt  }
0x46: {  	_ =	shalt  }
0x47: {  	_ =	shalt  }
0x48: {  	_ =	shalt  }
0x49: {  	_ =	shalt  }
0x4a: {  	_ =	shalt  }
0x4b: {  	_ =	shalt  }
0x4c: {  	_ =	shalt  }
0x4d: {  	_ =	shalt  }
0x4e: {  	_ =	shalt  }
0x4f: {  	_ =	shalt  }
0x50: {  	_ =	shalt  }
0x51: {  	_ =	shalt  }
0x52: {  	_ =	shalt  }
0x53: {  	_ =	shalt  }
0x54: {  	_ =	shalt  }
0x55: {  	_ =	shalt  }
0x56: {  	_ =	shalt  }
0x57: {  	_ =	shalt  }
0x58: {  	_ =	shalt  }
0x59: {  	_ =	shalt  }
0x5a: {  	_ =	shalt  }
0x5b: {  	_ =	shalt  }
0x5c: {  	_ =	shalt  }
0x5d: {  	_ =	shalt  }
0x5e: {  	_ =	shalt  }
0x5f: {  	_ =	shalt  }
0x60: {  	_ =	shalt  }
0x61: {  	_ =	shalt  }
0x62: {  	_ =	shalt  }
0x63: {  	_ =	shalt  }
0x64: {  	_ =	shalt  }
0x65: {  	_ =	shalt  }
0x66: {  	_ =	shalt  }
0x67: {  	_ =	shalt  }
0x68: {  	_ =	shalt  }
0x69: {  	_ =	shalt  }
0x6a: {  	_ =	shalt  }
0x6b: {  	_ =	shalt  }
0x6c: {  	_ =	shalt  }
0x6d: {  	_ =	shalt  }
0x6e: {  	_ =	shalt  }
0x6f: {  	_ =	shalt  }
0x70: {  	_ =	shalt  }
0x71: {  	_ =	shalt  }
0x72: {  	_ =	shalt  }
0x73: {  	_ =	shalt  }
0x74: {  	_ =	shalt  }
0x75: {  	_ =	shalt  }
0x76: {  	_ =	shalt  }
0x77: {  	_ =	shalt  }
0x78: {  	_ =	shalt  }
0x79: {  	_ =	shalt  }
0x7a: {  	_ =	shalt  }
0x7b: {  	_ =	shalt  }
0x7c: {  	_ =	shalt  }
0x7d: {  	_ =	shalt  }
0x7e: {  	_ =	shalt  }
0x7f: {  	_ =	shalt  }
0x80: {  	_ =	shalt  }
0x81: {  	_ =	shalt  }
0x82: {  	_ =	shalt  }
0x83: {  	_ =	shalt  }
0x84: {  	_ =	shalt  }
0x85: {  	_ =	shalt  }
0x86: {  	_ =	shalt  }
0x87: {  	_ =	shalt  }
.Lfunc_end0:
.L_simem_size_0:
called_computation.2_lowered:
.L_overlay_start_0:
0x88: {  	s2 =	sld [smem:$0x3FD9]  }
0x89: {  	s3 =	sld [smem:$0x3FFE];
	_ =	sdelay $0x1  }
0x8a: {  	s1 =	srdreg.scid  }
0x8b: {  	s0 =	sand.u32 $0x1, s1  }
0x8c: {  	s17 =	sshll.u32 s0, $0xA;
	s2 =	sadd.s32 s3, s2  }
0x8d: {  	s2 =	sadd.s32 s2, s17  }
0x8e: {  	[smem:$0x3FBE] =	sst s2  }
0x8f: {  	_ = 	snop  }
0x90: {  	s2 =	sld [smem:$0x3FD0];
	(tm) =	ssettm $0x1  }
0x91: {  	s18 =	sld [smem:$0x3FFB];
	_ =	sdelay $0x3  }
0x92: {  	_ =	strace s18  }
0x93: {  	s3 =	sld [smem:$0x3FFC];
	_ =	sdelay $0x3  }
0x94: {  	_ =	strace s3  }
0x95: {  	s3 =	sld [smem:$0x3FFD];
	_ =	sdelay $0x3  }
0x96: {  	_ =	strace s3  }
0x97: {  	_ =	strace $0x8FFFFFFF  }
0x98: {  	s19 =	sld [smem:$0x3FDB];
	_ =	sdelay $0x1  }
0x99: {  	s4 =	simm.s32 $_scs_section_size  }
0x9a: {  	s5 =	simm.s32 $_size__tile_overlayer_lowered;
	s6 =	simm.s32 $_tile_overlayer_lowered  }
0x9b: {  	s22 =	simm.s32 $0x1BFF;
	s21 =	sshll.u32 s6, $0x1;
	s3 =	sadd.s32 s4, s19  }
0x9c: {  	s7 =	simm.s32 $0x0;
	s20 =	sshll.u32 s5, $0x1;
	s5 =	sadd.s32 s21, s3  }
0x9d: {  	[timem:s7], [sflag:s22] =	dma.local [hbm:s5], s20  }
0x9e: {  	_ =	swait.ge [sflag:s22], s20  }
0x9f: {  	s4 =	ssub.s32 $0x0, s20;
	[sflag:s22] =	ssyncset.done $0x0  }
0xa0: {  	[sflag:s22] =	ssyncadd.s32 s4;
	_ =	sdelay $0x1  }
0xa1: {  	s23 =	simm.s32 $0x1B8B  }
0xa2: {  	_ =	swait.ge [sflag:s23], $0x1  }
0xa3: {  	[sflag:s23] =	ssyncset.done $0x0  }
0xa4: {  	s25 =	simm.s32 $0x1B8E;
	s24 =	sld [smem:$0x3FFE];
	[sflag:s23] =	ssyncadd.s32 $0xFFFFFFFF  }
0xa5: {  	s26 =	simm.s32 $execute0_lowered;
	[smem:$0x3FD2] =	sst s25  }
0xa6: {  	s5 =	sshll.u32 s26, $0x1;
	_ =	strace $0x8000004C;
	[dreg:$0x1] =	wrdreg $0xFFFFFFFF  }
0xa7: {  	s28 =	simm.s32 $_size_execute0_lowered;
	s3 =	sadd.s32 s3, s5;
	[dreg:$0x0] =	wrdreg $0x0  }
0xa8: {  	s5 =	sshll.u32 s28, $0x1;
	[dreg:$0x2] =	wrdreg s3  }
0xa9: {  	[dreg:$0x3] =	wrdreg s5  }
0xaa: {  	[dreg:$0x4] =	wrdreg $0xC0  }
0xab: {  	_ =	task [dreg:s7], $0x5FFFF  }
0xac: {  	[dreg:$0x1] =	wrdreg $0xFFFFFFFF  }
0xad: {  	[dreg:$0x0] =	wrdreg $0x60  }
0xae: {  	[dreg:$0x2] =	wrdreg s24  }
0xaf: {  	[dreg:$0x3] =	wrdreg s2  }
0xb0: {  	[dreg:$0x4] =	wrdreg $0xB0000  }
0xb1: {  	[dreg:$0x5] =	wrdreg $0x9  }
0xb2: {  	_ =	task.clear_ibuf [dreg:s7], $0x6FFFF;
	_ =	strace $0x9000004C  }
0xb3: {  	s29 =	simm.s32 $0x9;
	_ =	strace $0x8000004E  }
0xb4: {  	_ =	swait.ge [sflag:s29], $0x1  }
0xb5: {  	[sflag:s29] =	ssyncadd.s32 $0xFFFFFFFF  }
0xb6: {  	_ =	strace $0x9000004E  }
0xb7: {  	_ =	sfence  }
0xb8: {  	s30 =	sld [smem:$0x0];
	_ =	sdelay $0x2  }
0xb9: {  	s31 =	sshll.u32 s1, $0xD;
	s1 =	sshrl.u32 s1, $0x2  }
0xba: {  	s3 =	sand.u32 $0x4000, s31;
	s1 =	sadd.s32 s1, s30  }
0xbb: {  	s0 =	sor.u32 s3, s0;
	s1 =	sshll.u32 s1, $0x11  }
0xbc: {  	s0 =	sor.u32 s1, s0  }
0xbd: {  	s0 =	sadd.s32 $0x8F2B, s0  }
0xbe: {  	[sflag:s0] =	ssyncadd.remote.s32 $0x1  }
0xbf: {  	_ =	sfence.sel $0xFFFF  }
0xc0: {  	[dreg:$0x0] =	wrdreg $0xFFFFFFFF;
	(pc) =	sbr.abs _section_cstart, $3  }
0xc1: {  	[dreg:$0x1] =	wrdreg $0xFFFFFFFF  }
0xc2: {  	_ =	task.clear_ibuf [dreg:s7], $0x2FFFF;
	_ =	strace $0x9FFFFFFF  }
0xc3: {  	(tm) =	ssettm $0x7FFFFFFF  }
tec
execute0_lowered:
.L_overlay_start_1:
0x0: {  	(tag) =	ssettag $0x1  }
0x1: {  	s0 =	rddreg [dreg:$0x0]  }
0x2: {  	s1 =	rddreg [dreg:$0x1]  }
0x3: {  	s3 =	rddreg [dreg:$0x2];
	s4 =	simm.s32 $0x0;
	s14 =	stileid.u32  }
0x4: {  	s8 =	srdreg.scid;
	s28 =	simm.s32 $0x7000;
	s29 =	simm.s32 $0x1  }
0x5: {  	s30 =	simm.s32 $0x2;
	s31 =	simm.s32 $0x2580;
	[smem:$0x7FF] =	sst s4  }
0x6: {  	s2 =	sadd.s32 $0xAA00, s0;
	s6 =	smul.u32 $0x2700, s14;
	s7 =	sadd.s32 $0x5A00, s0  }
0x7: {  	s5 =	sadd.s32 $0x85800, s0;
	s8 =	sand.u32 $0x1, s8;
	s10 =	smul.u32 $0x2710, s14  }
0x8: {  	s15 =	sadd.s32 $0xACA00, s0;
	s12 =	smul.u32 $0x4E000, s14;
	s19 =	sadd.s32 $0x121E00, s0  }
0x9: {  	s21 =	sshll.u32 s14, $0x6;
	p0 =	sne.s32 s14, $0xF;
	p2 =	seq.s32 s14, $0xF  }
0xa: {  	_ =	strace $0x8000004D;
	s11 =	ssub.s32 $0x2, s8;
	[dreg:$0x5] =	wrdreg s19  }
0xb: {  	[dreg:$0x4] =	wrdreg s15;
	p1 =	sne.s32 s8, $0x0;
	s8 =	simm.s32 $0x2800  }
0xc: {  	s9 =	sadd.s32 s6, s0;
	s13 =	sshrl.u32 s11, $0x1;
	s10 =	sshrl.u32 s10, $0x3  }
0xd: {  	s12 =	sshrl.u32 s12, $0x2;
	s0 =	sadd.s32 $0x37200, s0;
	s25 =	sadd.s32 s19, s6  }
0xe: {  	s26 =	sadd.s32 s15, s6;
	s19 =	simm.s32 $0x2680;
	[dreg:$0xa] =	wrdreg s0  }
0xf: {  	s6 =	simm.s32 $0x2780;
	s11 =	ssub.s32 s11, s13;
	[dreg:$0xc] =	wrdreg s25  }
0x10: {  	s18 =	sadd.s32 s2, s10;
	s20 =	sadd.s32 s7, s10;
	[dreg:$0xd] =	wrdreg s26  }
0x11: {  	s12 =	sadd.s32 s12, s3;
	s9 =	sadd.s32 $0x10200, s9;
	[dreg:$0x6] =	wrdreg s18  }
0x12: {  	s13 =	sadd.s32 $0x138000, s3;
	s22 =	sadd.s32 $0x270, s10;
	[dreg:$0x7] =	wrdreg s20  }
0x13: {  	s23 =	sadd.s32 $0x4E0, s10;
	s25 =	simm.s32 $0x80;
	[dreg:$0x8] =	wrdreg s12  }
0x14: {  	s26 =	simm.s32 $0x3000;
	s0 =	simm.s32 $0x1300;
	[dreg:$0x9] =	wrdreg s9  }
.Ltmp0:
0x15: {  	s12 =	sor.u32 $0x1C04, s21;
	s24 =	sadd.s32 s2, s22;
	(pc) =	sbr.rel .LBB2_1-.Ltmp0, $4  }
0x16: {  	s16 =	sadd.s32 s7, s22;
	s17 =	sadd.s32 s2, s23;
	s18 =	sadd.s32 s7, s23  }
0x17: {  	s21 =	smax.u32 s11, $0x1;
	s22 =	simm.s32 $0x1380;
	s23 =	simm.s32 $0x4  }
0x18: {  	s2 =	simm.s32 $0x2600;
	s20 =	simm.s32 $0x2700;
	s7 =	simm.s32 $0x10  }
0x19: {  	s9 =	simm.s32 $0x0;
	[dreg:$0xb] =	wrdreg s24;
	s24 =	simm.s32 $0x3  }
.LBB2_12:
0x1a: {  	s10 =	sadd.s32 $0x27000, s10;
	s11 =	sshrl.u32 s13, $0x3  }
0x1b: {  	[hbm:s10], [sflag:s12] =	dma.local [spmem:s11], $0x100  }
0x1c: {  	_ =	swait.ge [sflag:s23], $0x100  }
0x1d: {  	[sflag:s23] =	ssyncset.done $0x0  }
0x1e: {  	[sflag:s23] =	ssyncadd.s32 $0xFFFFFF00  }
.LBB2_13:
0x1f: {  	s9 =	sadd.s32 $0x1, s9  }
0x20: {  	p3 =	sne.s32 s9, s21  }
.Ltmp1:
0x21: {  	_ = 	snop;
	(pc) =	sbr.rel @!p3 .LBB2_14-.Ltmp1, $1  }
0x22: {  	_ =	sdelay $0x3  }
.LBB2_1:
0x23: {  	s10 =	rddreg [dreg:$0x6]  }
0x24: {  	s14 =	rddreg [dreg:$0x7]  }
0x25: {  	s15 =	rddreg [dreg:$0x8]  }
0x26: {  	[tilespmem:s4], [sflag:$0x3] =	stream.linear.gather [hbm4b:s10+s4], $0x1380, $0x38;
	[tilespmem:$0x1E880] =	vst v63  }
0x27: {  	s11 =	rddreg [dreg:$0x9];
	s10 =	sshrl.u32 s15, $0x3  }
0x28: {  	[tilespmem:s22], [sflag:$0x3] =	stream.linear.gather [hbm4b:s14+s4], $0x1380, $0x38;
	[tilespmem:$0x1E880] =	vst v63  }
0x29: {  	[spmem:s10], [sflag:s12] =	dma.local [hbm:s11], $0x2700  }
0x2a: {  	_ =	swait.ge [sflag:s23], $0x2700  }
0x2b: {  	[sflag:s23] =	ssyncset.done $0x0  }
0x2c: {  	s11 =	sshrl.u32 @!p0 s13, $0x3;
	s14 =	rddreg [dreg:$0xa];
	[sflag:s23] =	ssyncadd.s32 $0xFFFFD900  }
0x2d: {  	[spmem:s11], [sflag:s12] =	dma.local @!p0 [hbm:s14], $0x100  }
0x2e: {  	s11 =	simm.s32 @!p0 $0x4  }
0x2f: {  	_ =	swait.ge @!p0 [sflag:s11], $0x100  }
0x30: {  	[sflag:s11] =	ssyncset.done @!p0 $0x0  }
0x31: {  	[sflag:s11] =	ssyncadd.s32 @!p0 $0xFFFFFF00  }
0x32: {  	_ =	swait.ge [sflag:s24], $0x1380  }
0x33: {  	[sflag:s24] =	ssyncset.done $0x0  }
0x34: {  	[sflag:s24] =	ssyncadd.s32 $0xFFFFEC80  }
.Ltmp2:
0x35: {  	_ =	swait.ge [sflag:s24], $0x1380;
	(pc) =	sbr.rel @p1 .LBB2_7-.Ltmp2, $4  }
0x36: {  	[sflag:s24] =	ssyncset.done $0x0  }
0x37: {  	[sflag:s24] =	ssyncadd.s32 $0xFFFFEC80  }
0x38: {  	[bflag:$0x0] =	sbarrier.arrive $0xFFFF  }
0x39: {  	s11 =	simm.s32 $0x0  }
0x3a: {  	[tilespmem:s26], [sflag:$0x1] =	stream.indirect.gather [hbm4b:s1+s25], $0x80, s11, s25, $0xb8;
	[tilespmem:$0x1E880] =	vst v63  }
0x3b: {  	_ = 	snop  }
0x3c: {  	[tilespmem:s28], [sflag:$0x2] =	stream.indirect.gather [hbm4b:s1+s25], $0x80, s25, s25, $0xb8;
	[tilespmem:$0x1E880] =	vst v63  }
0x3d: {  	_ =	swait.ge [sflag:s29], $0x4000  }
0x3e: {  	[sflag:s29] =	ssyncset.done $0x0  }
0x3f: {  	s15 =	simm.s32 $0x1380;
	[sflag:s29] =	ssyncadd.s32 $0xFFFFC000  }
0x40: {  	[spmem:s3] =	stream.indirect.scatter.add.f32 [tilespmem:s26], [sflag:$0x4], $0x80, s15, s25, $0xb8;
	[tilespmem:$0x1E880] =	vst v63  }
0x41: {  	_ =	swait.ge [sflag:s23], $0x4000  }
0x42: {  	[sflag:s23] =	ssyncset.done $0x0  }
0x43: {  	s14 =	simm.s32 $0x100;
	[sflag:s23] =	ssyncadd.s32 $0xFFFFC000  }
0x44: {  	[tilespmem:s26], [sflag:$0x1] =	stream.indirect.gather [hbm4b:s1+s25], $0x80, s14, s25, $0xb8;
	[tilespmem:$0x1E880] =	vst v63  }
0x45: {  	_ =	swait.ge [sflag:s30], $0x4000  }
0x46: {  	[sflag:s30] =	ssyncset.done $0x0  }
0x47: {  	s15 =	simm.s32 $0x1400;
	[sflag:s30] =	ssyncadd.s32 $0xFFFFC000  }
0x48: {  	[spmem:s3] =	stream.indirect.scatter.add.f32 [tilespmem:s28], [sflag:$0x4], $0x80, s15, s25, $0xb8;
	[tilespmem:$0x1E880] =	vst v63  }
0x49: {  	_ =	swait.ge [sflag:s23], $0x4000  }
0x4a: {  	[sflag:s23] =	ssyncset.done $0x0  }
0x4b: {  	s11 =	simm.s32 $0x400;
	s14 =	simm.s32 $0x180;
	[sflag:s23] =	ssyncadd.s32 $0xFFFFC000  }
.LBB2_3:
0x4c: {  	[tilespmem:s28], [sflag:$0x2] =	stream.indirect.gather [hbm4b:s1+s25], $0x80, s14, s25, $0xb8;
	[tilespmem:$0x1E880] =	vst v63  }
0x4d: {  	s14 =	smov.u32 s11  }
0x4e: {  	p3 =	sne.s32 s11, $0x4400;
	s11 =	sadd.s32 $0x400, s11;
	_ =	swait.ge [sflag:s29], $0x4000  }
0x4f: {  	s14 =	sshra.s32 s14, $0x2;
	[sflag:s29] =	ssyncset.done $0x0  }
0x50: {  	s15 =	sadd.s32 $0x1380, s14;
	[sflag:s29] =	ssyncadd.s32 $0xFFFFC000  }
0x51: {  	[spmem:s3] =	stream.indirect.scatter.add.f32 [tilespmem:s26], [sflag:$0x4], $0x80, s15, s25, $0xb8;
	[tilespmem:$0x1E880] =	vst v63  }
0x52: {  	_ =	swait.ge [sflag:s23], $0x4000  }
0x53: {  	[sflag:s23] =	ssyncset.done $0x0  }
0x54: {  	s15 =	sadd.s32 $0x100, s14;
	[sflag:s23] =	ssyncadd.s32 $0xFFFFC000  }
0x55: {  	[tilespmem:s26], [sflag:$0x1] =	stream.indirect.gather [hbm4b:s1+s25], $0x80, s15, s25, $0xb8;
	[tilespmem:$0x1E880] =	vst v63  }
0x56: {  	_ =	swait.ge [sflag:s30], $0x4000  }
0x57: {  	[sflag:s30] =	ssyncset.done $0x0  }
.Ltmp3:
0x58: {  	s15 =	sadd.s32 $0x1400, s14;
	[sflag:s30] =	ssyncadd.s32 $0xFFFFC000;
	(pc) =	sbr.rel @p3 .LBB2_3-.Ltmp3, $4  }
0x59: {  	[spmem:s3] =	stream.indirect.scatter.add.f32 [tilespmem:s28], [sflag:$0x4], $0x80, s15, s25, $0xb8;
	[tilespmem:$0x1E880] =	vst v63  }
0x5a: {  	_ =	swait.ge [sflag:s23], $0x4000  }
0x5b: {  	[sflag:s23] =	ssyncset.done $0x0  }
0x5c: {  	s14 =	sadd.s32 $0x180, s14;
	[sflag:s23] =	ssyncadd.s32 $0xFFFFC000  }
0x5d: {  	[tilespmem:s28], [sflag:$0x2] =	stream.indirect.gather [hbm4b:s1+s25], $0x80, s14, s25, $0xb8;
	[tilespmem:$0x1E880] =	vst v63  }
0x5e: {  	_ =	swait.ge [sflag:s29], $0x4000  }
0x5f: {  	[sflag:s29] =	ssyncset.done $0x0  }
0x60: {  	[sflag:s29] =	ssyncadd.s32 $0xFFFFC000  }
0x61: {  	[spmem:s3] =	stream.indirect.scatter.add.f32 [tilespmem:s26], [sflag:$0x4], $0x80, s31, s25, $0xb8;
	[tilespmem:$0x1E880] =	vst v63  }
0x62: {  	_ =	swait.ge [sflag:s23], $0x4000  }
0x63: {  	[sflag:s23] =	ssyncset.done $0x0  }
0x64: {  	[sflag:s23] =	ssyncadd.s32 $0xFFFFC000  }
0x65: {  	[tilespmem:s26], [sflag:$0x1] =	stream.indirect.gather [hbm4b:s1+s25], $0x80, s0, s25, $0xb8;
	[tilespmem:$0x1E880] =	vst v63  }
0x66: {  	_ =	swait.ge [sflag:s30], $0x4000  }
0x67: {  	[sflag:s30] =	ssyncset.done $0x0  }
0x68: {  	[sflag:s30] =	ssyncadd.s32 $0xFFFFC000  }
0x69: {  	[spmem:s3] =	stream.indirect.scatter.add.f32 [tilespmem:s28], [sflag:$0x4], $0x80, s2, s25, $0xb8;
	[tilespmem:$0x1E880] =	vst v63  }
0x6a: {  	_ =	swait.ge [sflag:s23], $0x4000  }
0x6b: {  	[sflag:s23] =	ssyncset.done $0x0  }
0x6c: {  	[sflag:s23] =	ssyncadd.s32 $0xFFFFC000  }
0x6d: {  	_ =	swait.ge [sflag:s29], $0x4000  }
0x6e: {  	[sflag:s29] =	ssyncset.done $0x0  }
0x6f: {  	[sflag:s29] =	ssyncadd.s32 $0xFFFFC000  }
0x70: {  	[spmem:s3] =	stream.indirect.scatter.add.f32 [tilespmem:s26], [sflag:$0x4], $0x80, s19, s25, $0xb8;
	[tilespmem:$0x1E880] =	vst v63  }
0x71: {  	_ =	swait.ge [sflag:s23], $0x4000  }
0x72: {  	[sflag:s23] =	ssyncset.done $0x0  }
0x73: {  	s11 =	simm.s32 $0x0;
	s15 =	rddreg [dreg:$0xb];
	[sflag:s23] =	ssyncadd.s32 $0xFFFFC000  }
0x74: {  	[tilespmem:s11], [sflag:$0x4] =	stream.linear.gather [hbm4b:s15+s11], $0x1380, $0x38;
	[tilespmem:$0x1E880] =	vst v63  }
0x75: {  	_ =	swait.ge [sflag:s23], $0x1380  }
0x76: {  	[sflag:s23] =	ssyncset.done $0x0  }
0x77: {  	[sflag:s23] =	ssyncadd.s32 $0xFFFFEC80  }
0x78: {  	[tilespmem:s22], [sflag:$0x4] =	stream.linear.gather [hbm4b:s16+s11], $0x1380, $0x38;
	[tilespmem:$0x1E880] =	vst v63  }
0x79: {  	_ =	swait.ge [sflag:s23], $0x1380  }
0x7a: {  	[sflag:s23] =	ssyncset.done $0x0  }
0x7b: {  	[sflag:s23] =	ssyncadd.s32 $0xFFFFEC80  }
0x7c: {  	[tilespmem:s26], [sflag:$0x1] =	stream.indirect.gather [hbm4b:s1+s25], $0x80, s11, s25, $0xb8;
	[tilespmem:$0x1E880] =	vst v63  }
0x7d: {  	_ = 	snop  }
0x7e: {  	[tilespmem:s28], [sflag:$0x2] =	stream.indirect.gather [hbm4b:s1+s25], $0x80, s25, s25, $0xb8;
	[tilespmem:$0x1E880] =	vst v63  }
0x7f: {  	_ =	swait.ge [sflag:s29], $0x4000  }
0x80: {  	[sflag:s29] =	ssyncset.done $0x0  }
0x81: {  	s15 =	simm.s32 $0x1380;
	[sflag:s29] =	ssyncadd.s32 $0xFFFFC000  }
0x82: {  	[spmem:s3] =	stream.indirect.scatter.add.f32 [tilespmem:s26], [sflag:$0x4], $0x80, s15, s25, $0xb8;
	[tilespmem:$0x1E880] =	vst v63  }
0x83: {  	_ =	swait.ge [sflag:s23], $0x4000  }
0x84: {  	[sflag:s23] =	ssyncset.done $0x0  }
0x85: {  	s14 =	simm.s32 $0x100;
	[sflag:s23] =	ssyncadd.s32 $0xFFFFC000  }
0x86: {  	[tilespmem:s26], [sflag:$0x1] =	stream.indirect.gather [hbm4b:s1+s25], $0x80, s14, s25, $0xb8;
	[tilespmem:$0x1E880] =	vst v63  }
0x87: {  	_ =	swait.ge [sflag:s30], $0x4000  }
0x88: {  	[sflag:s30] =	ssyncset.done $0x0  }
0x89: {  	s15 =	simm.s32 $0x1400;
	[sflag:s30] =	ssyncadd.s32 $0xFFFFC000  }
0x8a: {  	[spmem:s3] =	stream.indirect.scatter.add.f32 [tilespmem:s28], [sflag:$0x4], $0x80, s15, s25, $0xb8;
	[tilespmem:$0x1E880] =	vst v63  }
0x8b: {  	_ =	swait.ge [sflag:s23], $0x4000  }
0x8c: {  	[sflag:s23] =	ssyncset.done $0x0  }
0x8d: {  	s11 =	simm.s32 $0x400;
	s14 =	simm.s32 $0x180;
	[sflag:s23] =	ssyncadd.s32 $0xFFFFC000  }
.LBB2_5:
0x8e: {  	[tilespmem:s28], [sflag:$0x2] =	stream.indirect.gather [hbm4b:s1+s25], $0x80, s14, s25, $0xb8;
	[tilespmem:$0x1E880] =	vst v63  }
0x8f: {  	s14 =	smov.u32 s11  }
0x90: {  	p3 =	sne.s32 s11, $0x4400;
	s11 =	sadd.s32 $0x400, s11;
	_ =	swait.ge [sflag:s29], $0x4000  }
0x91: {  	s14 =	sshra.s32 s14, $0x2;
	[sflag:s29] =	ssyncset.done $0x0  }
0x92: {  	s15 =	sadd.s32 $0x1380, s14;
	[sflag:s29] =	ssyncadd.s32 $0xFFFFC000  }
0x93: {  	[spmem:s3] =	stream.indirect.scatter.add.f32 [tilespmem:s26], [sflag:$0x4], $0x80, s15, s25, $0xb8;
	[tilespmem:$0x1E880] =	vst v63  }
0x94: {  	_ =	swait.ge [sflag:s23], $0x4000  }
0x95: {  	[sflag:s23] =	ssyncset.done $0x0  }
0x96: {  	s15 =	sadd.s32 $0x100, s14;
	[sflag:s23] =	ssyncadd.s32 $0xFFFFC000  }
0x97: {  	[tilespmem:s26], [sflag:$0x1] =	stream.indirect.gather [hbm4b:s1+s25], $0x80, s15, s25, $0xb8;
	[tilespmem:$0x1E880] =	vst v63  }
0x98: {  	_ =	swait.ge [sflag:s30], $0x4000  }
0x99: {  	[sflag:s30] =	ssyncset.done $0x0  }
.Ltmp4:
0x9a: {  	s15 =	sadd.s32 $0x1400, s14;
	[sflag:s30] =	ssyncadd.s32 $0xFFFFC000;
	(pc) =	sbr.rel @p3 .LBB2_5-.Ltmp4, $4  }
0x9b: {  	[spmem:s3] =	stream.indirect.scatter.add.f32 [tilespmem:s28], [sflag:$0x4], $0x80, s15, s25, $0xb8;
	[tilespmem:$0x1E880] =	vst v63  }
0x9c: {  	_ =	swait.ge [sflag:s23], $0x4000  }
0x9d: {  	[sflag:s23] =	ssyncset.done $0x0  }
0x9e: {  	s14 =	sadd.s32 $0x180, s14;
	[sflag:s23] =	ssyncadd.s32 $0xFFFFC000  }
0x9f: {  	[tilespmem:s28], [sflag:$0x2] =	stream.indirect.gather [hbm4b:s1+s25], $0x80, s14, s25, $0xb8;
	[tilespmem:$0x1E880] =	vst v63  }
0xa0: {  	_ =	swait.ge [sflag:s29], $0x4000  }
0xa1: {  	[sflag:s29] =	ssyncset.done $0x0  }
0xa2: {  	[sflag:s29] =	ssyncadd.s32 $0xFFFFC000  }
0xa3: {  	[spmem:s3] =	stream.indirect.scatter.add.f32 [tilespmem:s26], [sflag:$0x4], $0x80, s31, s25, $0xb8;
	[tilespmem:$0x1E880] =	vst v63  }
0xa4: {  	_ =	swait.ge [sflag:s23], $0x4000  }
0xa5: {  	[sflag:s23] =	ssyncset.done $0x0  }
0xa6: {  	[sflag:s23] =	ssyncadd.s32 $0xFFFFC000  }
0xa7: {  	[tilespmem:s26], [sflag:$0x1] =	stream.indirect.gather [hbm4b:s1+s25], $0x80, s0, s25, $0xb8;
	[tilespmem:$0x1E880] =	vst v63  }
0xa8: {  	_ =	swait.ge [sflag:s30], $0x4000  }
0xa9: {  	[sflag:s30] =	ssyncset.done $0x0  }
0xaa: {  	[sflag:s30] =	ssyncadd.s32 $0xFFFFC000  }
0xab: {  	[spmem:s3] =	stream.indirect.scatter.add.f32 [tilespmem:s28], [sflag:$0x4], $0x80, s2, s25, $0xb8;
	[tilespmem:$0x1E880] =	vst v63  }
0xac: {  	_ =	swait.ge [sflag:s23], $0x4000  }
0xad: {  	[sflag:s23] =	ssyncset.done $0x0  }
0xae: {  	[sflag:s23] =	ssyncadd.s32 $0xFFFFC000  }
0xaf: {  	_ =	swait.ge [sflag:s29], $0x4000  }
0xb0: {  	[sflag:s29] =	ssyncset.done $0x0  }
0xb1: {  	[sflag:s29] =	ssyncadd.s32 $0xFFFFC000  }
0xb2: {  	[spmem:s3] =	stream.indirect.scatter.add.f32 [tilespmem:s26], [sflag:$0x4], $0x80, s19, s25, $0xb8;
	[tilespmem:$0x1E880] =	vst v63  }
0xb3: {  	_ =	swait.ge [sflag:s23], $0x4000  }
0xb4: {  	[sflag:s23] =	ssyncset.done $0x0  }
0xb5: {  	[sflag:s23] =	ssyncadd.s32 $0xFFFFC000  }
0xb6: {  	[tilespmem:s20], [sflag:$0x4] =	stream.linear.gather [hbm4b:s17+s4], $0x10, $0x38;
	[tilespmem:$0x1E880] =	vst v63  }
0xb7: {  	_ =	swait.ge [sflag:s23], $0x10  }
0xb8: {  	[sflag:s23] =	ssyncset.done $0x0  }
0xb9: {  	[sflag:s23] =	ssyncadd.s32 $0xFFFFFFF0  }
0xba: {  	[tilespmem:s6], [sflag:$0x4] =	stream.linear.gather [hbm4b:s18+s4], $0x10, $0x38;
	[tilespmem:$0x1E880] =	vst v63  }
0xbb: {  	_ =	swait.ge [sflag:s23], $0x10  }
0xbc: {  	[sflag:s23] =	ssyncset.done $0x0  }
0xbd: {  	[sflag:s23] =	ssyncadd.s32 $0xFFFFFFF0  }
0xbe: {  	[tilespmem:s8], [sflag:$0x3] =	stream.indirect.gather [hbm4b:s1+s7], $0x80, s20, s7, $0xb8;
	[tilespmem:$0x1E880] =	vst v63  }
0xbf: {  	_ =	swait.ge [sflag:s24], $0x800  }
0xc0: {  	[sflag:s24] =	ssyncset.done $0x0  }
0xc1: {  	[sflag:s24] =	ssyncadd.s32 $0xFFFFF800  }
0xc2: {  	[spmem:s3] =	stream.indirect.scatter.add.f32 [tilespmem:s8], [sflag:$0x4], $0x80, s6, s7, $0xb8;
	[tilespmem:$0x1E880] =	vst v63  }
0xc3: {  	_ =	swait.ge [sflag:s23], $0x800  }
0xc4: {  	[sflag:s23] =	ssyncset.done $0x0  }
0xc5: {  	[sflag:s23] =	ssyncadd.s32 $0xFFFFF800  }
0xc6: {  	[bflag:$0x0] =	sbarrier.arrive $0xFFFF  }
0xc7: {  	s11 =	rddreg [dreg:$0xd]  }
0xc8: {  	[hbm:s11], [sflag:s12] =	dma.local [spmem:s10], $0x2700  }
.Ltmp5:
0xc9: {  	_ = 	snop;
	(pc) =	sbr.rel @p2 .LBB2_12-.Ltmp5, $4  }
.Ltmp6:
0xca: {  	_ = 	snop;
	(pc) =	sbr.rel @!p2 .LBB2_13-.Ltmp6, $4  }
0xcb: {  	_ =	swait.ge [sflag:s23], $0x2700  }
0xcc: {  	[sflag:s23] =	ssyncset.done $0x0  }
0xcd: {  	s10 =	rddreg [dreg:$0x4];
	[sflag:s23] =	ssyncadd.s32 $0xFFFFD900  }
0xce: {  	_ = 	snop  }
.LBB2_7:
0xcf: {  	[tilespmem:s26], [sflag:$0x1] =	stream.indirect.gather [hbm4b:s5+s25], $0x80, s11, s25, $0xb8;
	[tilespmem:$0x1E880] =	vst v63  }
0xd0: {  	_ = 	snop  }
0xd1: {  	[tilespmem:s28], [sflag:$0x2] =	stream.indirect.gather [hbm4b:s5+s25], $0x80, s25, s25, $0xb8;
	[tilespmem:$0x1E880] =	vst v63  }
0xd2: {  	_ =	swait.ge [sflag:s29], $0x4000  }
0xd3: {  	[sflag:s29] =	ssyncset.done $0x0  }
0xd4: {  	s15 =	simm.s32 $0x1380;
	[sflag:s29] =	ssyncadd.s32 $0xFFFFC000  }
0xd5: {  	[spmem:s3] =	stream.indirect.scatter.add.f32 [tilespmem:s26], [sflag:$0x4], $0x80, s15, s25, $0xb8;
	[tilespmem:$0x1E880] =	vst v63  }
0xd6: {  	_ =	swait.ge [sflag:s23], $0x4000  }
0xd7: {  	[sflag:s23] =	ssyncset.done $0x0  }
0xd8: {  	s14 =	simm.s32 $0x100;
	[sflag:s23] =	ssyncadd.s32 $0xFFFFC000  }
0xd9: {  	[tilespmem:s26], [sflag:$0x1] =	stream.indirect.gather [hbm4b:s5+s25], $0x80, s14, s25, $0xb8;
	[tilespmem:$0x1E880] =	vst v63  }
0xda: {  	_ =	swait.ge [sflag:s30], $0x4000  }
0xdb: {  	[sflag:s30] =	ssyncset.done $0x0  }
0xdc: {  	s15 =	simm.s32 $0x1400;
	[sflag:s30] =	ssyncadd.s32 $0xFFFFC000  }
0xdd: {  	[spmem:s3] =	stream.indirect.scatter.add.f32 [tilespmem:s28], [sflag:$0x4], $0x80, s15, s25, $0xb8;
	[tilespmem:$0x1E880] =	vst v63  }
0xde: {  	_ =	swait.ge [sflag:s23], $0x4000  }
0xdf: {  	[sflag:s23] =	ssyncset.done $0x0  }
0xe0: {  	s11 =	simm.s32 $0x400;
	s14 =	simm.s32 $0x180;
	[sflag:s23] =	ssyncadd.s32 $0xFFFFC000  }
.LBB2_8:
0xe1: {  	[tilespmem:s28], [sflag:$0x2] =	stream.indirect.gather [hbm4b:s5+s25], $0x80, s14, s25, $0xb8;
	[tilespmem:$0x1E880] =	vst v63  }
0xe2: {  	s14 =	smov.u32 s11  }
0xe3: {  	p3 =	sne.s32 s11, $0x4400;
	s11 =	sadd.s32 $0x400, s11;
	_ =	swait.ge [sflag:s29], $0x4000  }
0xe4: {  	s14 =	sshra.s32 s14, $0x2;
	[sflag:s29] =	ssyncset.done $0x0  }
0xe5: {  	s15 =	sadd.s32 $0x1380, s14;
	[sflag:s29] =	ssyncadd.s32 $0xFFFFC000  }
0xe6: {  	[spmem:s3] =	stream.indirect.scatter.add.f32 [tilespmem:s26], [sflag:$0x4], $0x80, s15, s25, $0xb8;
	[tilespmem:$0x1E880] =	vst v63  }
0xe7: {  	_ =	swait.ge [sflag:s23], $0x4000  }
0xe8: {  	[sflag:s23] =	ssyncset.done $0x0  }
0xe9: {  	s15 =	sadd.s32 $0x100, s14;
	[sflag:s23] =	ssyncadd.s32 $0xFFFFC000  }
0xea: {  	[tilespmem:s26], [sflag:$0x1] =	stream.indirect.gather [hbm4b:s5+s25], $0x80, s15, s25, $0xb8;
	[tilespmem:$0x1E880] =	vst v63  }
0xeb: {  	_ =	swait.ge [sflag:s30], $0x4000  }
0xec: {  	[sflag:s30] =	ssyncset.done $0x0  }
.Ltmp7:
0xed: {  	s15 =	sadd.s32 $0x1400, s14;
	[sflag:s30] =	ssyncadd.s32 $0xFFFFC000;
	(pc) =	sbr.rel @p3 .LBB2_8-.Ltmp7, $4  }
0xee: {  	[spmem:s3] =	stream.indirect.scatter.add.f32 [tilespmem:s28], [sflag:$0x4], $0x80, s15, s25, $0xb8;
	[tilespmem:$0x1E880] =	vst v63  }
0xef: {  	_ =	swait.ge [sflag:s23], $0x4000  }
0xf0: {  	[sflag:s23] =	ssyncset.done $0x0  }
0xf1: {  	s14 =	sadd.s32 $0x180, s14;
	[sflag:s23] =	ssyncadd.s32 $0xFFFFC000  }
0xf2: {  	[tilespmem:s28], [sflag:$0x2] =	stream.indirect.gather [hbm4b:s5+s25], $0x80, s14, s25, $0xb8;
	[tilespmem:$0x1E880] =	vst v63  }
0xf3: {  	_ =	swait.ge [sflag:s29], $0x4000  }
0xf4: {  	[sflag:s29] =	ssyncset.done $0x0  }
0xf5: {  	[sflag:s29] =	ssyncadd.s32 $0xFFFFC000  }
0xf6: {  	[spmem:s3] =	stream.indirect.scatter.add.f32 [tilespmem:s26], [sflag:$0x4], $0x80, s31, s25, $0xb8;
	[tilespmem:$0x1E880] =	vst v63  }
0xf7: {  	_ =	swait.ge [sflag:s23], $0x4000  }
0xf8: {  	[sflag:s23] =	ssyncset.done $0x0  }
0xf9: {  	[sflag:s23] =	ssyncadd.s32 $0xFFFFC000  }
0xfa: {  	[tilespmem:s26], [sflag:$0x1] =	stream.indirect.gather [hbm4b:s5+s25], $0x80, s0, s25, $0xb8;
	[tilespmem:$0x1E880] =	vst v63  }
0xfb: {  	_ =	swait.ge [sflag:s30], $0x4000  }
0xfc: {  	[sflag:s30] =	ssyncset.done $0x0  }
0xfd: {  	[sflag:s30] =	ssyncadd.s32 $0xFFFFC000  }
0xfe: {  	[spmem:s3] =	stream.indirect.scatter.add.f32 [tilespmem:s28], [sflag:$0x4], $0x80, s2, s25, $0xb8;
	[tilespmem:$0x1E880] =	vst v63  }
0xff: {  	_ =	swait.ge [sflag:s23], $0x4000  }
0x100: {  	[sflag:s23] =	ssyncset.done $0x0  }
0x101: {  	[sflag:s23] =	ssyncadd.s32 $0xFFFFC000  }
0x102: {  	_ =	swait.ge [sflag:s29], $0x4000  }
0x103: {  	[sflag:s29] =	ssyncset.done $0x0  }
0x104: {  	[sflag:s29] =	ssyncadd.s32 $0xFFFFC000  }
0x105: {  	[spmem:s3] =	stream.indirect.scatter.add.f32 [tilespmem:s26], [sflag:$0x4], $0x80, s19, s25, $0xb8;
	[tilespmem:$0x1E880] =	vst v63  }
0x106: {  	_ =	swait.ge [sflag:s23], $0x4000  }
0x107: {  	[sflag:s23] =	ssyncset.done $0x0  }
0x108: {  	s11 =	simm.s32 $0x0;
	s15 =	rddreg [dreg:$0xb];
	[sflag:s23] =	ssyncadd.s32 $0xFFFFC000  }
0x109: {  	[tilespmem:s11], [sflag:$0x4] =	stream.linear.gather [hbm4b:s15+s11], $0x1380, $0x38;
	[tilespmem:$0x1E880] =	vst v63  }
0x10a: {  	_ =	swait.ge [sflag:s23], $0x1380  }
0x10b: {  	[sflag:s23] =	ssyncset.done $0x0  }
0x10c: {  	[sflag:s23] =	ssyncadd.s32 $0xFFFFEC80  }
0x10d: {  	[tilespmem:s22], [sflag:$0x4] =	stream.linear.gather [hbm4b:s16+s11], $0x1380, $0x38;
	[tilespmem:$0x1E880] =	vst v63  }
0x10e: {  	_ =	swait.ge [sflag:s23], $0x1380  }
0x10f: {  	[sflag:s23] =	ssyncset.done $0x0  }
0x110: {  	[sflag:s23] =	ssyncadd.s32 $0xFFFFEC80  }
0x111: {  	[tilespmem:s26], [sflag:$0x1] =	stream.indirect.gather [hbm4b:s5+s25], $0x80, s11, s25, $0xb8;
	[tilespmem:$0x1E880] =	vst v63  }
0x112: {  	_ = 	snop  }
0x113: {  	[tilespmem:s28], [sflag:$0x2] =	stream.indirect.gather [hbm4b:s5+s25], $0x80, s25, s25, $0xb8;
	[tilespmem:$0x1E880] =	vst v63  }
0x114: {  	_ =	swait.ge [sflag:s29], $0x4000  }
0x115: {  	[sflag:s29] =	ssyncset.done $0x0  }
0x116: {  	s15 =	simm.s32 $0x1380;
	[sflag:s29] =	ssyncadd.s32 $0xFFFFC000  }
0x117: {  	[spmem:s3] =	stream.indirect.scatter.add.f32 [tilespmem:s26], [sflag:$0x4], $0x80, s15, s25, $0xb8;
	[tilespmem:$0x1E880] =	vst v63  }
0x118: {  	_ =	swait.ge [sflag:s23], $0x4000  }
0x119: {  	[sflag:s23] =	ssyncset.done $0x0  }
0x11a: {  	s14 =	simm.s32 $0x100;
	[sflag:s23] =	ssyncadd.s32 $0xFFFFC000  }
0x11b: {  	[tilespmem:s26], [sflag:$0x1] =	stream.indirect.gather [hbm4b:s5+s25], $0x80, s14, s25, $0xb8;
	[tilespmem:$0x1E880] =	vst v63  }
0x11c: {  	_ =	swait.ge [sflag:s30], $0x4000  }
0x11d: {  	[sflag:s30] =	ssyncset.done $0x0  }
0x11e: {  	s15 =	simm.s32 $0x1400;
	[sflag:s30] =	ssyncadd.s32 $0xFFFFC000  }
0x11f: {  	[spmem:s3] =	stream.indirect.scatter.add.f32 [tilespmem:s28], [sflag:$0x4], $0x80, s15, s25, $0xb8;
	[tilespmem:$0x1E880] =	vst v63  }
0x120: {  	_ =	swait.ge [sflag:s23], $0x4000  }
0x121: {  	[sflag:s23] =	ssyncset.done $0x0  }
0x122: {  	s11 =	simm.s32 $0x400;
	s14 =	simm.s32 $0x180;
	[sflag:s23] =	ssyncadd.s32 $0xFFFFC000  }
.LBB2_10:
0x123: {  	[tilespmem:s28], [sflag:$0x2] =	stream.indirect.gather [hbm4b:s5+s25], $0x80, s14, s25, $0xb8;
	[tilespmem:$0x1E880] =	vst v63  }
0x124: {  	s14 =	smov.u32 s11  }
0x125: {  	p3 =	sne.s32 s11, $0x4400;
	s11 =	sadd.s32 $0x400, s11;
	_ =	swait.ge [sflag:s29], $0x4000  }
0x126: {  	s14 =	sshra.s32 s14, $0x2;
	[sflag:s29] =	ssyncset.done $0x0  }
0x127: {  	s15 =	sadd.s32 $0x1380, s14;
	[sflag:s29] =	ssyncadd.s32 $0xFFFFC000  }
0x128: {  	[spmem:s3] =	stream.indirect.scatter.add.f32 [tilespmem:s26], [sflag:$0x4], $0x80, s15, s25, $0xb8;
	[tilespmem:$0x1E880] =	vst v63  }
0x129: {  	_ =	swait.ge [sflag:s23], $0x4000  }
0x12a: {  	[sflag:s23] =	ssyncset.done $0x0  }
0x12b: {  	s15 =	sadd.s32 $0x100, s14;
	[sflag:s23] =	ssyncadd.s32 $0xFFFFC000  }
0x12c: {  	[tilespmem:s26], [sflag:$0x1] =	stream.indirect.gather [hbm4b:s5+s25], $0x80, s15, s25, $0xb8;
	[tilespmem:$0x1E880] =	vst v63  }
0x12d: {  	_ =	swait.ge [sflag:s30], $0x4000  }
0x12e: {  	[sflag:s30] =	ssyncset.done $0x0  }
.Ltmp8:
0x12f: {  	s15 =	sadd.s32 $0x1400, s14;
	[sflag:s30] =	ssyncadd.s32 $0xFFFFC000;
	(pc) =	sbr.rel @p3 .LBB2_10-.Ltmp8, $4  }
0x130: {  	[spmem:s3] =	stream.indirect.scatter.add.f32 [tilespmem:s28], [sflag:$0x4], $0x80, s15, s25, $0xb8;
	[tilespmem:$0x1E880] =	vst v63  }
0x131: {  	_ =	swait.ge [sflag:s23], $0x4000  }
0x132: {  	[sflag:s23] =	ssyncset.done $0x0  }
0x133: {  	s14 =	sadd.s32 $0x180, s14;
	[sflag:s23] =	ssyncadd.s32 $0xFFFFC000  }
0x134: {  	[tilespmem:s28], [sflag:$0x2] =	stream.indirect.gather [hbm4b:s5+s25], $0x80, s14, s25, $0xb8;
	[tilespmem:$0x1E880] =	vst v63  }
0x135: {  	_ =	swait.ge [sflag:s29], $0x4000  }
0x136: {  	[sflag:s29] =	ssyncset.done $0x0  }
0x137: {  	[sflag:s29] =	ssyncadd.s32 $0xFFFFC000  }
0x138: {  	[spmem:s3] =	stream.indirect.scatter.add.f32 [tilespmem:s26], [sflag:$0x4], $0x80, s31, s25, $0xb8;
	[tilespmem:$0x1E880] =	vst v63  }
0x139: {  	_ =	swait.ge [sflag:s23], $0x4000  }
0x13a: {  	[sflag:s23] =	ssyncset.done $0x0  }
0x13b: {  	[sflag:s23] =	ssyncadd.s32 $0xFFFFC000  }
0x13c: {  	[tilespmem:s26], [sflag:$0x1] =	stream.indirect.gather [hbm4b:s5+s25], $0x80, s0, s25, $0xb8;
	[tilespmem:$0x1E880] =	vst v63  }
0x13d: {  	_ =	swait.ge [sflag:s30], $0x4000  }
0x13e: {  	[sflag:s30] =	ssyncset.done $0x0  }
0x13f: {  	[sflag:s30] =	ssyncadd.s32 $0xFFFFC000  }
0x140: {  	[spmem:s3] =	stream.indirect.scatter.add.f32 [tilespmem:s28], [sflag:$0x4], $0x80, s2, s25, $0xb8;
	[tilespmem:$0x1E880] =	vst v63  }
0x141: {  	_ =	swait.ge [sflag:s23], $0x4000  }
0x142: {  	[sflag:s23] =	ssyncset.done $0x0  }
0x143: {  	[sflag:s23] =	ssyncadd.s32 $0xFFFFC000  }
0x144: {  	_ =	swait.ge [sflag:s29], $0x4000  }
0x145: {  	[sflag:s29] =	ssyncset.done $0x0  }
0x146: {  	[sflag:s29] =	ssyncadd.s32 $0xFFFFC000  }
0x147: {  	[spmem:s3] =	stream.indirect.scatter.add.f32 [tilespmem:s26], [sflag:$0x4], $0x80, s19, s25, $0xb8;
	[tilespmem:$0x1E880] =	vst v63  }
0x148: {  	_ =	swait.ge [sflag:s23], $0x4000  }
0x149: {  	[sflag:s23] =	ssyncset.done $0x0  }
0x14a: {  	[sflag:s23] =	ssyncadd.s32 $0xFFFFC000  }
0x14b: {  	[tilespmem:s20], [sflag:$0x4] =	stream.linear.gather [hbm4b:s17+s4], $0x10, $0x38;
	[tilespmem:$0x1E880] =	vst v63  }
0x14c: {  	_ =	swait.ge [sflag:s23], $0x10  }
0x14d: {  	[sflag:s23] =	ssyncset.done $0x0  }
0x14e: {  	[sflag:s23] =	ssyncadd.s32 $0xFFFFFFF0  }
0x14f: {  	[tilespmem:s6], [sflag:$0x4] =	stream.linear.gather [hbm4b:s18+s4], $0x10, $0x38;
	[tilespmem:$0x1E880] =	vst v63  }
0x150: {  	_ =	swait.ge [sflag:s23], $0x10  }
0x151: {  	[sflag:s23] =	ssyncset.done $0x0  }
0x152: {  	[sflag:s23] =	ssyncadd.s32 $0xFFFFFFF0  }
0x153: {  	[tilespmem:s8], [sflag:$0x3] =	stream.indirect.gather [hbm4b:s5+s7], $0x80, s20, s7, $0xb8;
	[tilespmem:$0x1E880] =	vst v63  }
0x154: {  	_ =	swait.ge [sflag:s24], $0x800  }
0x155: {  	[sflag:s24] =	ssyncset.done $0x0  }
0x156: {  	[sflag:s24] =	ssyncadd.s32 $0xFFFFF800  }
0x157: {  	[spmem:s3] =	stream.indirect.scatter.add.f32 [tilespmem:s8], [sflag:$0x4], $0x80, s6, s7, $0xb8;
	[tilespmem:$0x1E880] =	vst v63  }
0x158: {  	_ =	swait.ge [sflag:s23], $0x800  }
0x159: {  	[sflag:s23] =	ssyncset.done $0x0  }
0x15a: {  	[sflag:s23] =	ssyncadd.s32 $0xFFFFF800  }
0x15b: {  	[bflag:$0x0] =	sbarrier.arrive $0xFFFF  }
0x15c: {  	s11 =	rddreg [dreg:$0xc]  }
0x15d: {  	[hbm:s11], [sflag:s12] =	dma.local [spmem:s10], $0x2700  }
.Ltmp9:
0x15e: {  	_ = 	snop;
	(pc) =	sbr.rel @p0 .LBB2_13-.Ltmp9, $4  }
.Ltmp10:
0x15f: {  	_ = 	snop;
	(pc) =	sbr.rel @!p0 .LBB2_12-.Ltmp10, $4  }
0x160: {  	_ =	swait.ge [sflag:s23], $0x2700  }
0x161: {  	[sflag:s23] =	ssyncset.done $0x0  }
0x162: {  	s10 =	rddreg [dreg:$0x5];
	[sflag:s23] =	ssyncadd.s32 $0xFFFFD900  }
0x163: {  	_ = 	snop  }
.LBB2_14:
0x164: {  	_ =	sfence.sel $0x180000  }
0x165: {  	[bflag:$0x0] =	sbarrier.arrive $0xFFFF  }
0x166: {  	_ =	strace $0x9000004D  }
0x167: {  	s0 =	stileid.u32;
	[bflag:$0x2] =	sbarrier.arrive $0xFFFF  }
0x168: {  	p0 =	sne.s32 s0, $0x0;
	s0 =	rddreg [dreg:$0x3]  }
0x169: {  	s0 =	sadd.s32 @!p0 $0x100000, s0  }
0x16a: {  	[sflag:s0] =	ssyncadd.tile.s32 @!p0 $0x1;
	_ =	shalt  }
.Lfunc_end2:
_tile_overlayer_lowered:
.L_overlay_start_2:
0x16b: {  	(tag) =	ssettag $0x2  }
0x16c: {  	s0 =	rddreg [dreg:$0x0];
	s2 =	stileid.u32  }
0x16d: {  	s1 =	rddreg [dreg:$0x1];
	p0 =	sne.s32 s2, $0x0  }
0x16e: {  	s3 =	rddreg [dreg:$0x2];
	[bflag:$0x3] =	sbarrier.arrive $0xFFFF;
	s2 =	simm.s32 @!p0 $0x1C04  }
0x16f: {  	[timem:s3], [sflag:s2] =	dma.local @!p0 [hbm:s0], s1  }
0x170: {  	s0 =	simm.s32 @!p0 $0x4  }
0x171: {  	_ =	swait.ge @!p0 [sflag:s0], s1  }
0x172: {  	s1 =	ssub.s32 @!p0 $0x0, s1;
	[sflag:s0] =	ssyncset.done @!p0 $0x0  }
0x173: {  	[sflag:s0] =	ssyncadd.s32 @!p0 s1  }
0x174: {  	[bflag:$0x3] =	sbarrier.arrive $0xFFFF  }
0x175: {  	_ =	shalt  }

</sc_bundles>
